<compile_context>
chip_gen: v7x
topology: tpu7x:2x2x1
jax: 0.10.2.dev20260603
libtpu: 0.0.44.dev20260713+nightly
codegen_flags: <defaults>
</compile_context>

<pallas_src>
import functools

import jax
import jax.numpy as jnp
from jax import lax
from jax.experimental import pallas as pl
from jax.experimental.pallas import tpu as pltpu
from jax.experimental.pallas import tpu_sc as plsc

N_CAT = 26
N_NUM = 13
VOCAB = 100001
EMBED = 32
HIDDEN = 64
BATCH = 16384

HB = BATCH // 2
C0 = 49920
C1 = 50048
CMAIN = C0 + C1
NTAIL = VOCAB - CMAIN


def _sc_gather_sum(tables_t, tails_t, ids_1d):
    mesh = plsc.VectorSubcoreMesh(core_axis_name="c", subcore_axis_name="s")

    @functools.partial(
        pl.kernel,
        mesh=mesh,
        out_type=jax.ShapeDtypeStruct((EMBED * BATCH,), jnp.float32),
        compiler_params=pltpu.CompilerParams(needs_layout_passes=False),
        scratch_types=[
            pltpu.VMEM((C1,), jnp.float32),
            pltpu.VMEM((2, 8, NTAIL), jnp.float32),
            pltpu.VMEM((2, HB), jnp.int32),
            pltpu.VMEM((HB,), jnp.float32),
            pltpu.VMEM_SHARED((8, C0), jnp.float32),
            pltpu.VMEM_SHARED((8, C1), jnp.float32),
            pltpu.SemaphoreType.DMA,
            pltpu.SemaphoreType.DMA,
        ],
    )
    def k(tab_hbm, tails_hbm, ids_hbm, out_hbm,
          row_v, tail_v, ids_v, acc_v, slab_a, slab_b, sem, sem2):
        c = lax.axis_index("c")
        s = lax.axis_index("s")
        er = s % 8
        half = s // 8

        _AV = ((0, 0, 24960), (4, 24960, 24960))
        _BV = ((8, 0, 24960), (12, 24960, 25088))

        def _stage_half(g, f, variants, base, dst, async_=False, wait=False):
            eoff = pl.multiple_of(c * 16 + g * 8, 8)
            for st, off, ln in variants:
                @pl.when(s == st)
                def _(off=off, ln=ln):
                    cp = pltpu.make_async_copy(
                        tab_hbm.at[f, pl.ds(eoff, 8),
                                   pl.ds(base + off, ln)],
                        dst.at[:, pl.ds(off, ln)], sem)
                    if wait:
                        cp.wait()
                    else:
                        cp.start()
                        if not async_:
                            cp.wait()

        def stage_a(g, f, **kw):
            _stage_half(g, f, _AV, 0, slab_a, **kw)

        def stage_b(g, f, **kw):
            _stage_half(g, f, _BV, C0, slab_b, **kw)

        def ids_copy(f, b):
            return pltpu.make_async_copy(
                ids_hbm.at[pl.ds(
                    pl.multiple_of(f * BATCH + half * HB, 8), HB)],
                ids_v.at[b], sem2)

        def tail_copy(f, b, eoff):
            return pltpu.make_async_copy(
                tails_hbm.at[f, pl.ds(eoff, 8)], tail_v.at[b], sem2)

        def pass0(b):
            @plsc.parallel_loop(0, HB, step=16, unroll=16)
            def _(o):
                idxv = ids_v[b, pl.ds(o, 16)]
                m = idxv < C0
                lidc = lax.min(idxv, C0 - 1)
                vals = jnp.where(m, plsc.load_gather(row_v, [lidc]), 0.0)
                plsc.addupdate(acc_v.at[pl.ds(o, 16)], vals)

        def pass1(b, b_vec, er_vec):
            @plsc.parallel_loop(0, HB, step=16, unroll=16)
            def _(o):
                idxv = ids_v[b, pl.ds(o, 16)]
                lid = idxv - C0
                m = (lid >= 0) & (idxv < CMAIN)
                lidc = lax.max(lax.min(lid, C1 - 1), 0)
                vals = jnp.where(m, plsc.load_gather(row_v, [lidc]), 0.0)
                tm = idxv >= CMAIN
                tl = lax.max(idxv - CMAIN, 0)
                tvals = jnp.where(
                    tm, plsc.load_gather(tail_v, [b_vec, er_vec, tl]), 0.0)
                plsc.addupdate(acc_v.at[pl.ds(o, 16)], vals + tvals)

        er_vec = jnp.full((16,), 0, dtype=jnp.int32) + er

        stage_a(0, 0, async_=False)
        stage_b(0, 0, async_=False)
        plsc.subcore_barrier()

        for g in range(2):
            @plsc.parallel_loop(0, HB, step=16, unroll=16)
            def _(o):
                acc_v[pl.ds(o, 16)] = jnp.zeros((16,), jnp.float32)

            eoff0 = pl.multiple_of(c * 16 + g * 8, 8)
            ids_copy(0, 0).start()
            tail_copy(0, 0, eoff0).start()
            ids_copy(0, 0).wait()
            tail_copy(0, 0, eoff0).wait()

            def step(f, carry, g=g):
                eoff = pl.multiple_of(c * 16 + g * 8, 8)
                b = lax.rem(f, 2)
                b_vec = jnp.full((16,), 0, dtype=jnp.int32) + b

                @pl.when(f > 0)
                def _():
                    ids_copy(f, b).wait()
                    tail_copy(f, b, eoff).wait()

                @pl.when(f < N_CAT - 1)
                def _():
                    ids_copy(f + 1, 1 - b).start()
                    tail_copy(f + 1, 1 - b, eoff).start()

                pltpu.sync_copy(slab_a.at[er], row_v.at[pl.ds(0, C0)])
                plsc.subcore_barrier()
                @pl.when(f < N_CAT - 1)
                def _():
                    stage_a(g, f + 1, async_=True)
                pass0(b)
                pltpu.sync_copy(slab_b.at[er], row_v)
                plsc.subcore_barrier()
                @pl.when(f < N_CAT - 1)
                def _():
                    stage_b(g, f + 1, async_=True)
                pass1(b, b_vec, er_vec)

                @pl.when(f < N_CAT - 1)
                def _():
                    stage_a(g, f + 1, wait=True)
                    stage_b(g, f + 1, wait=True)
                plsc.subcore_barrier()
                return carry

            lax.fori_loop(0, N_CAT, step, 0)

            e = c * 16 + g * 8 + er
            pltpu.sync_copy(
                acc_v, out_hbm.at[pl.ds(e * BATCH + half * HB, HB)])
            if g == 0:
                stage_a(1, 0, async_=False)
                stage_b(1, 0, async_=False)
                plsc.subcore_barrier()

    return k(tables_t, tails_t, ids_1d)


def _dense_tail(obj_t, nums, W1, W2):
    BM = 2048

    def body(obj_ref, num_ref, w1_ref, w2_ref, out_ref):
        n1 = lax.dot_general(
            num_ref[...], w1_ref[...], (((1,), (1,)), ((), ())),
            preferred_element_type=jnp.float32)
        a = lax.dot_general(
            obj_ref[...], w2_ref[...], (((0,), (1,)), ((), ())),
            preferred_element_type=jnp.float32)
        out_ref[...] = a + lax.dot_general(
            n1, w2_ref[...], (((1,), (1,)), ((), ())),
            preferred_element_type=jnp.float32)

    return pl.pallas_call(
        body,
        grid=(BATCH // BM,),
        in_specs=[
            pl.BlockSpec((EMBED, BM), lambda i: (0, i)),
            pl.BlockSpec((BM, N_NUM), lambda i: (i, 0)),
            pl.BlockSpec((EMBED, N_NUM), lambda i: (0, 0)),
            pl.BlockSpec((HIDDEN, EMBED), lambda i: (0, 0)),
        ],
        out_specs=pl.BlockSpec((BM, HIDDEN), lambda i: (i, 0)),
        out_shape=jax.ShapeDtypeStruct((BATCH, HIDDEN), jnp.float32),
    )(obj_t, nums, W1, W2)


def kernel(edge_feats, tables, W1, W2):
    ids_1d = edge_feats[:, :N_CAT].astype(jnp.int32).T.reshape(-1)
    tables_t = tables.transpose(0, 2, 1)
    tails_t = lax.slice(tables_t, (0, 0, CMAIN), (N_CAT, EMBED, VOCAB))
    obj_flat = _sc_gather_sum(tables_t, tails_t, ids_1d)
    obj_t = obj_flat.reshape(EMBED, BATCH)
    return _dense_tail(obj_t, edge_feats[:, N_CAT:], W1, W2)

# --- scband reference (transcript-rebuilt; emitter-appended) ---
"""Pipeline reference for scband-edge-embedding-24558622998899 (READ-ONLY COPY).

The authoritative reference and input builder live on the scoring server;
editing this copy changes nothing except your own understanding.
"""

import jax, jax.numpy as jnp
import numpy as np

N_CAT = 26
N_NUM = 13
VOCAB = 100001  # max_size + 1 (padding_idx=0)
EMBED = 32
HIDDEN = 64
BATCH = 16384


def setup_inputs(seed: int = 0) -> dict:
    key = jax.random.key(seed)
    k1, k2, k3, k4 = jax.random.split(key, 4)
    # Mixed-layout feature matrix: cols 0..25 categorical ids, cols 26..38 numerical.
    edge_feats = jax.random.randint(k1, (BATCH, N_CAT + N_NUM), 0, 100000).astype(jnp.float32)
    # One embedding table per categorical feature, stacked: [N_CAT, VOCAB, EMBED].
    tables = jax.random.normal(k2, (N_CAT, VOCAB, EMBED), dtype=jnp.float32) * 0.02
    tables = tables.at[:, 0, :].set(0.0)  # padding_idx=0 row is zeros
    W1 = jax.random.normal(k3, (EMBED, N_NUM), dtype=jnp.float32) * 0.001  # linear1 weight [out, in]
    W2 = jax.random.normal(k4, (HIDDEN, EMBED), dtype=jnp.float32) * 0.05  # linear2 weight [out, in]
    return {"edge_feats": edge_feats, "tables": tables, "W1": W1, "W2": W2}


def reference(edge_feats, tables, W1, W2):
    # Categorical columns -> long ids, gather per-feature embedding, zero masked (id==0) rows.
    cat_idx = edge_feats[:, :N_CAT].astype(jnp.int32)  # [B, N_CAT]
    mask = (cat_idx == 0)  # [B, N_CAT]
    feat_ids = jnp.arange(N_CAT)[None, :]  # [1, N_CAT]
    emb = tables[feat_ids, cat_idx]  # [B, N_CAT, EMBED] gather
    emb = jnp.where(mask[:, :, None], jnp.zeros_like(emb), emb)
    # stack(..., dim=-1).sum(-1) == sum over feature axis
    obj_inputs = emb.sum(axis=1)  # [B, EMBED]
    # Numerical columns -> linear1 (no bias)
    num_inputs = edge_feats[:, N_CAT:]  # [B, N_NUM]
    num_inputs = num_inputs @ W1.T  # [B, EMBED]
    return (obj_inputs + num_inputs) @ W2.T  # [B, HIDDEN]

if __name__ == "__main__":
    import jax
    _d = setup_inputs()
    print(jax.jit(kernel)(*tuple(_d.values())))

</pallas_src>

<mosaic_0001>
#map = affine_map<(d0, d1) -> (0, 0, 0)>
#map1 = affine_map<(d0, d1) -> (0)>
module attributes {stable_mosaic.version = 14 : i64} {
  func.func @k(%arg0: i32, %arg1: i32, %arg2: memref<26x32x100001xf32, #tpu.memory_space<hbm>>, %arg3: memref<26x32x33xf32, #tpu.memory_space<hbm>>, %arg4: memref<425984xi32, #tpu.memory_space<hbm>>, %arg5: memref<524288xf32, #tpu.memory_space<hbm>>, %arg6: memref<50048xf32, #tpu.memory_space<vmem>>, %arg7: memref<2x8x33xf32, #tpu.memory_space<vmem>>, %arg8: memref<2x8192xi32, #tpu.memory_space<vmem>>, %arg9: memref<8192xf32, #tpu.memory_space<vmem>>, %arg10: memref<8x49920xf32, #tpu.memory_space<vmem_shared>>, %arg11: memref<8x50048xf32, #tpu.memory_space<vmem_shared>>, %arg12: memref<!tpu.dma_semaphore, #tpu.memory_space<semaphore_mem>>, %arg13: memref<!tpu.dma_semaphore, #tpu.memory_space<semaphore_mem>>) attributes {dimension_semantics = [#tpu.dimension_semantics<core_parallel>, #tpu.dimension_semantics<subcore_parallel>], iteration_bounds = array<i64: 2, 16>, scalar_prefetch = 0 : i64, scratch_operands = 8 : i64, tpu.core_type = #tpu.core_type<sc_vector_subcore>, window_params = [{transform_indices = #map}, {transform_indices = #map}, {transform_indices = #map1}, {transform_indices = #map1}]} {
    %jit3A = arith.constant 8 : i32
    %eq3A = arith.constant 0 : i32
    %eq3A_0 = arith.cmpi eq, %jit3A, %eq3A : i32
    %jit3A_1 = arith.constant 1 : i32
    %select_n3A = arith.select %eq3A_0, %jit3A_1, %jit3A : i32
    %rem3A = arith.remsi %arg1, %select_n3A : i32
    %ne3A = arith.constant 0 : i32
    %ne3A_2 = arith.cmpi ne, %rem3A, %ne3A : i32
    %lt3A = arith.constant 0 : i32
    %lt3A_3 = arith.cmpi slt, %rem3A, %lt3A : i32
    %lt3A_4 = arith.constant 0 : i32
    %lt3A_5 = arith.cmpi slt, %select_n3A, %lt3A_4 : i32
    %ne3A_6 = arith.xori %lt3A_3, %lt3A_5 : i1
    %and3A = arith.andi %ne3A_6, %ne3A_2 : i1
    %add3A = arith.addi %rem3A, %select_n3A : i32
    %select_n3A_7 = arith.select %and3A, %add3A, %rem3A : i32
    %jit3A_8 = arith.constant 8 : i32
    %div3A = arith.divsi %arg1, %jit3A_8 : i32
    %sign3A = arith.constant 0 : i32
    %sign3A_9 = arith.cmpi sgt, %arg1, %sign3A : i32
    %sign3A_10 = arith.extui %sign3A_9 : i1 to i32
    %sign3A_11 = arith.constant 0 : i32
    %sign3A_12 = arith.cmpi slt, %arg1, %sign3A_11 : i32
    %sign3A_13 = arith.extui %sign3A_12 : i1 to i32
    %sign3A_14 = arith.subi %sign3A_10, %sign3A_13 : i32
    %sign3A_15 = arith.constant 0 : i32
    %sign3A_16 = arith.cmpi sgt, %jit3A_8, %sign3A_15 : i32
    %sign3A_17 = arith.extui %sign3A_16 : i1 to i32
    %sign3A_18 = arith.constant 0 : i32
    %sign3A_19 = arith.cmpi slt, %jit3A_8, %sign3A_18 : i32
    %sign3A_20 = arith.extui %sign3A_19 : i1 to i32
    %sign3A_21 = arith.subi %sign3A_17, %sign3A_20 : i32
    %ne3A_22 = arith.cmpi ne, %sign3A_14, %sign3A_21 : i32
    %rem3A_23 = arith.remsi %arg1, %jit3A_8 : i32
    %ne3A_24 = arith.constant 0 : i32
    %ne3A_25 = arith.cmpi ne, %rem3A_23, %ne3A_24 : i32
    %and3A_26 = arith.andi %ne3A_22, %ne3A_25 : i1
    %sub3A = arith.constant 1 : i32
    %sub3A_27 = arith.subi %div3A, %sub3A : i32
    %select_n3A_28 = arith.select %and3A_26, %sub3A_27, %div3A : i32
    %broadcast_in_dim3A = arith.constant 0 : i32
    %broadcast_in_dim3A_29 = vector.broadcast %broadcast_in_dim3A : i32 to vector<16xi32>
    %add3A_30 = vector.broadcast %select_n3A_7 : i32 to vector<16xi32>
    %add3A_31 = arith.addi %broadcast_in_dim3A_29, %add3A_30 : vector<16xi32>
    %mul3A = arith.constant 16 : i32
    %mul3A_32 = arith.muli %arg0, %mul3A : i32
    %add3A_33 = arith.constant 0 : i32
    %add3A_34 = arith.addi %mul3A_32, %add3A_33 : i32
    %multiple_of3A = tpu.assume_multiple %add3A_34, 8 : i32
    %eq3A_35 = arith.constant 0 : i32
    %eq3A_36 = arith.cmpi eq, %arg1, %eq3A_35 : i32
    %convert_element_type3A = arith.extui %eq3A_36 : i1 to i32
    %cond3A = arith.constant 0 : i32
    %cond3A_37 = arith.cmpi ne, %convert_element_type3A, %cond3A : i32
    scf.if %cond3A_37 {
      %dma_start3A_253 = arith.constant 0 : i32
      %dma_start3A_254 = arith.constant 0 : i32
      %dma_start3A_255 = arith.constant 0 : i32
      %dma_start3A_256 = tpu.memref_slice %arg10[%dma_start3A_254, %dma_start3A_255] : memref<8x49920xf32, #tpu.memory_space<vmem_shared>> -> memref<8x24960xf32, #tpu.memory_space<vmem_shared>>
      %dma_start3A_257 = arith.constant 0 : i32
      %dma_start3A_258 = tpu.memref_slice %arg2[%dma_start3A_253, %multiple_of3A, %dma_start3A_257] : memref<26x32x100001xf32, #tpu.memory_space<hbm>> -> memref<1x8x24960xf32, #tpu.memory_space<hbm>>
      %dma_start3A_259 = tpu.memref_squeeze %dma_start3A_258 : memref<1x8x24960xf32, #tpu.memory_space<hbm>> -> memref<8x24960xf32, #tpu.memory_space<hbm>>
      tpu.enqueue_dma source(%dma_start3A_259 : memref<8x24960xf32, #tpu.memory_space<hbm>>) target(%dma_start3A_256 : memref<8x24960xf32, #tpu.memory_space<vmem_shared>>) target_semaphore(%arg12 : memref<!tpu.dma_semaphore, #tpu.memory_space<semaphore_mem>>)
      %dma_wait3A_260 = arith.constant 0 : i32
      %dma_wait3A_261 = arith.constant 0 : i32
      %dma_wait3A_262 = arith.constant 0 : i32
      %dma_wait3A_263 = tpu.memref_slice %arg10[%dma_wait3A_261, %dma_wait3A_262] : memref<8x49920xf32, #tpu.memory_space<vmem_shared>> -> memref<8x24960xf32, #tpu.memory_space<vmem_shared>>
      %dma_wait3A_264 = arith.constant 0 : i32
      %dma_wait3A_265 = tpu.memref_slice %arg2[%dma_wait3A_260, %multiple_of3A, %dma_wait3A_264] : memref<26x32x100001xf32, #tpu.memory_space<hbm>> -> memref<1x8x24960xf32, #tpu.memory_space<hbm>>
      %dma_wait3A_266 = tpu.memref_squeeze %dma_wait3A_265 : memref<1x8x24960xf32, #tpu.memory_space<hbm>> -> memref<8x24960xf32, #tpu.memory_space<hbm>>
      tpu.wait_dma2 semaphore(%arg12 : memref<!tpu.dma_semaphore, #tpu.memory_space<semaphore_mem>>) src(%dma_wait3A_266 : memref<8x24960xf32, #tpu.memory_space<hbm>>) dst(%dma_wait3A_263 : memref<8x24960xf32, #tpu.memory_space<vmem_shared>>)
    } else {
    }
    %eq3A_38 = arith.constant 4 : i32
    %eq3A_39 = arith.cmpi eq, %arg1, %eq3A_38 : i32
    %convert_element_type3A_40 = arith.extui %eq3A_39 : i1 to i32
    %cond3A_41 = arith.constant 0 : i32
    %cond3A_42 = arith.cmpi ne, %convert_element_type3A_40, %cond3A_41 : i32
    scf.if %cond3A_42 {
      %dma_start3A_253 = arith.constant 0 : i32
      %dma_start3A_254 = arith.constant 0 : i32
      %dma_start3A_255 = arith.constant 24960 : i32
      %dma_start3A_256 = tpu.memref_slice %arg10[%dma_start3A_254, %dma_start3A_255] : memref<8x49920xf32, #tpu.memory_space<vmem_shared>> -> memref<8x24960xf32, #tpu.memory_space<vmem_shared>>
      %dma_start3A_257 = arith.constant 24960 : i32
      %dma_start3A_258 = tpu.memref_slice %arg2[%dma_start3A_253, %multiple_of3A, %dma_start3A_257] : memref<26x32x100001xf32, #tpu.memory_space<hbm>> -> memref<1x8x24960xf32, #tpu.memory_space<hbm>>
      %dma_start3A_259 = tpu.memref_squeeze %dma_start3A_258 : memref<1x8x24960xf32, #tpu.memory_space<hbm>> -> memref<8x24960xf32, #tpu.memory_space<hbm>>
      tpu.enqueue_dma source(%dma_start3A_259 : memref<8x24960xf32, #tpu.memory_space<hbm>>) target(%dma_start3A_256 : memref<8x24960xf32, #tpu.memory_space<vmem_shared>>) target_semaphore(%arg12 : memref<!tpu.dma_semaphore, #tpu.memory_space<semaphore_mem>>)
      %dma_wait3A_260 = arith.constant 0 : i32
      %dma_wait3A_261 = arith.constant 0 : i32
      %dma_wait3A_262 = arith.constant 24960 : i32
      %dma_wait3A_263 = tpu.memref_slice %arg10[%dma_wait3A_261, %dma_wait3A_262] : memref<8x49920xf32, #tpu.memory_space<vmem_shared>> -> memref<8x24960xf32, #tpu.memory_space<vmem_shared>>
      %dma_wait3A_264 = arith.constant 24960 : i32
      %dma_wait3A_265 = tpu.memref_slice %arg2[%dma_wait3A_260, %multiple_of3A, %dma_wait3A_264] : memref<26x32x100001xf32, #tpu.memory_space<hbm>> -> memref<1x8x24960xf32, #tpu.memory_space<hbm>>
      %dma_wait3A_266 = tpu.memref_squeeze %dma_wait3A_265 : memref<1x8x24960xf32, #tpu.memory_space<hbm>> -> memref<8x24960xf32, #tpu.memory_space<hbm>>
      tpu.wait_dma2 semaphore(%arg12 : memref<!tpu.dma_semaphore, #tpu.memory_space<semaphore_mem>>) src(%dma_wait3A_266 : memref<8x24960xf32, #tpu.memory_space<hbm>>) dst(%dma_wait3A_263 : memref<8x24960xf32, #tpu.memory_space<vmem_shared>>)
    } else {
    }
    %mul3A_43 = arith.constant 16 : i32
    %mul3A_44 = arith.muli %arg0, %mul3A_43 : i32
    %add3A_45 = arith.constant 0 : i32
    %add3A_46 = arith.addi %mul3A_44, %add3A_45 : i32
    %multiple_of3A_47 = tpu.assume_multiple %add3A_46, 8 : i32
    %eq3A_48 = arith.constant 8 : i32
    %eq3A_49 = arith.cmpi eq, %arg1, %eq3A_48 : i32
    %convert_element_type3A_50 = arith.extui %eq3A_49 : i1 to i32
    %cond3A_51 = arith.constant 0 : i32
    %cond3A_52 = arith.cmpi ne, %convert_element_type3A_50, %cond3A_51 : i32
    scf.if %cond3A_52 {
      %dma_start3A_253 = arith.constant 0 : i32
      %dma_start3A_254 = arith.constant 0 : i32
      %dma_start3A_255 = arith.constant 0 : i32
      %dma_start3A_256 = tpu.memref_slice %arg11[%dma_start3A_254, %dma_start3A_255] : memref<8x50048xf32, #tpu.memory_space<vmem_shared>> -> memref<8x24960xf32, #tpu.memory_space<vmem_shared>>
      %dma_start3A_257 = arith.constant 49920 : i32
      %dma_start3A_258 = tpu.memref_slice %arg2[%dma_start3A_253, %multiple_of3A_47, %dma_start3A_257] : memref<26x32x100001xf32, #tpu.memory_space<hbm>> -> memref<1x8x24960xf32, #tpu.memory_space<hbm>>
      %dma_start3A_259 = tpu.memref_squeeze %dma_start3A_258 : memref<1x8x24960xf32, #tpu.memory_space<hbm>> -> memref<8x24960xf32, #tpu.memory_space<hbm>>
      tpu.enqueue_dma source(%dma_start3A_259 : memref<8x24960xf32, #tpu.memory_space<hbm>>) target(%dma_start3A_256 : memref<8x24960xf32, #tpu.memory_space<vmem_shared>>) target_semaphore(%arg12 : memref<!tpu.dma_semaphore, #tpu.memory_space<semaphore_mem>>)
      %dma_wait3A_260 = arith.constant 0 : i32
      %dma_wait3A_261 = arith.constant 0 : i32
      %dma_wait3A_262 = arith.constant 0 : i32
      %dma_wait3A_263 = tpu.memref_slice %arg11[%dma_wait3A_261, %dma_wait3A_262] : memref<8x50048xf32, #tpu.memory_space<vmem_shared>> -> memref<8x24960xf32, #tpu.memory_space<vmem_shared>>
      %dma_wait3A_264 = arith.constant 49920 : i32
      %dma_wait3A_265 = tpu.memref_slice %arg2[%dma_wait3A_260, %multiple_of3A_47, %dma_wait3A_264] : memref<26x32x100001xf32, #tpu.memory_space<hbm>> -> memref<1x8x24960xf32, #tpu.memory_space<hbm>>
      %dma_wait3A_266 = tpu.memref_squeeze %dma_wait3A_265 : memref<1x8x24960xf32, #tpu.memory_space<hbm>> -> memref<8x24960xf32, #tpu.memory_space<hbm>>
      tpu.wait_dma2 semaphore(%arg12 : memref<!tpu.dma_semaphore, #tpu.memory_space<semaphore_mem>>) src(%dma_wait3A_266 : memref<8x24960xf32, #tpu.memory_space<hbm>>) dst(%dma_wait3A_263 : memref<8x24960xf32, #tpu.memory_space<vmem_shared>>)
    } else {
    }
    %eq3A_53 = arith.constant 12 : i32
    %eq3A_54 = arith.cmpi eq, %arg1, %eq3A_53 : i32
    %convert_element_type3A_55 = arith.extui %eq3A_54 : i1 to i32
    %cond3A_56 = arith.constant 0 : i32
    %cond3A_57 = arith.cmpi ne, %convert_element_type3A_55, %cond3A_56 : i32
    scf.if %cond3A_57 {
      %dma_start3A_253 = arith.constant 0 : i32
      %dma_start3A_254 = arith.constant 0 : i32
      %dma_start3A_255 = arith.constant 24960 : i32
      %dma_start3A_256 = tpu.memref_slice %arg11[%dma_start3A_254, %dma_start3A_255] : memref<8x50048xf32, #tpu.memory_space<vmem_shared>> -> memref<8x25088xf32, #tpu.memory_space<vmem_shared>>
      %dma_start3A_257 = arith.constant 74880 : i32
      %dma_start3A_258 = tpu.memref_slice %arg2[%dma_start3A_253, %multiple_of3A_47, %dma_start3A_257] : memref<26x32x100001xf32, #tpu.memory_space<hbm>> -> memref<1x8x25088xf32, #tpu.memory_space<hbm>>
      %dma_start3A_259 = tpu.memref_squeeze %dma_start3A_258 : memref<1x8x25088xf32, #tpu.memory_space<hbm>> -> memref<8x25088xf32, #tpu.memory_space<hbm>>
      tpu.enqueue_dma source(%dma_start3A_259 : memref<8x25088xf32, #tpu.memory_space<hbm>>) target(%dma_start3A_256 : memref<8x25088xf32, #tpu.memory_space<vmem_shared>>) target_semaphore(%arg12 : memref<!tpu.dma_semaphore, #tpu.memory_space<semaphore_mem>>)
      %dma_wait3A_260 = arith.constant 0 : i32
      %dma_wait3A_261 = arith.constant 0 : i32
      %dma_wait3A_262 = arith.constant 24960 : i32
      %dma_wait3A_263 = tpu.memref_slice %arg11[%dma_wait3A_261, %dma_wait3A_262] : memref<8x50048xf32, #tpu.memory_space<vmem_shared>> -> memref<8x25088xf32, #tpu.memory_space<vmem_shared>>
      %dma_wait3A_264 = arith.constant 74880 : i32
      %dma_wait3A_265 = tpu.memref_slice %arg2[%dma_wait3A_260, %multiple_of3A_47, %dma_wait3A_264] : memref<26x32x100001xf32, #tpu.memory_space<hbm>> -> memref<1x8x25088xf32, #tpu.memory_space<hbm>>
      %dma_wait3A_266 = tpu.memref_squeeze %dma_wait3A_265 : memref<1x8x25088xf32, #tpu.memory_space<hbm>> -> memref<8x25088xf32, #tpu.memory_space<hbm>>
      tpu.wait_dma2 semaphore(%arg12 : memref<!tpu.dma_semaphore, #tpu.memory_space<semaphore_mem>>) src(%dma_wait3A_266 : memref<8x25088xf32, #tpu.memory_space<hbm>>) dst(%dma_wait3A_263 : memref<8x25088xf32, #tpu.memory_space<vmem_shared>>)
    } else {
    }
    %barrier3A = arith.constant 0 : index
    tpu.barrier barrier_id(%barrier3A)
    %parallel_loop3A = arith.constant 0 : i32
    %parallel_loop3A_58 = arith.constant 8192 : i32
    %parallel_loop3A_59 = arith.constant 16 : i32
    scf.for %parallel_loop3A_253 = %parallel_loop3A to %parallel_loop3A_58 step %parallel_loop3A_59  : i32 {
      %parallel_loop3A_254 = arith.constant 0.000000e+00 : f32
      %parallel_loop3A_255 = vector.broadcast %parallel_loop3A_254 : f32 to vector<16xf32>
      %parallel_loop3A_256 = arith.index_cast %parallel_loop3A_253 : i32 to index
      %parallel_loop3A_257 = tpu.vector_load %arg9[%parallel_loop3A_256] {strides = array<i32>} : memref<8192xf32, #tpu.memory_space<vmem>>, vector<16xf32>,
      tpu.vector_store %arg9[%parallel_loop3A_256], %parallel_loop3A_255 {strides = array<i32>} : memref<8192xf32, #tpu.memory_space<vmem>>, vector<16xf32>,
    } {sc.loop_unroll_factor = 16 : i64, sc.parallel_access}
    %mul3A_60 = arith.constant 16 : i32
    %mul3A_61 = arith.muli %arg0, %mul3A_60 : i32
    %add3A_62 = arith.constant 0 : i32
    %add3A_63 = arith.addi %mul3A_61, %add3A_62 : i32
    %multiple_of3A_64 = tpu.assume_multiple %add3A_63, 8 : i32
    %mul3A_65 = arith.constant 8192 : i32
    %mul3A_66 = arith.muli %select_n3A_28, %mul3A_65 : i32
    %add3A_67 = arith.constant 0 : i32
    %add3A_68 = arith.addi %add3A_67, %mul3A_66 : i32
    %multiple_of3A_69 = tpu.assume_multiple %add3A_68, 8 : i32
    %dma_start3A = arith.constant 0 : i32
    %dma_start3A_70 = arith.constant 0 : i32
    %dma_start3A_71 = tpu.memref_slice %arg8[%dma_start3A, %dma_start3A_70] : memref<2x8192xi32, #tpu.memory_space<vmem>> -> memref<1x8192xi32, #tpu.memory_space<vmem>>
    %dma_start3A_72 = tpu.memref_squeeze %dma_start3A_71 : memref<1x8192xi32, #tpu.memory_space<vmem>> -> memref<8192xi32, #tpu.memory_space<vmem>>
    %dma_start3A_73 = tpu.memref_slice %arg4[%multiple_of3A_69] : memref<425984xi32, #tpu.memory_space<hbm>> -> memref<8192xi32, #tpu.memory_space<hbm>>
    %dma_start3A_74 = arith.constant 0 : i32
    %dma_start3A_75 = tpu.memref_slice %arg8[%dma_start3A, %dma_start3A_74] : memref<2x8192xi32, #tpu.memory_space<vmem>> -> memref<1x8192xi32, #tpu.memory_space<vmem>>
    %dma_start3A_76 = tpu.memref_squeeze %dma_start3A_75 : memref<1x8192xi32, #tpu.memory_space<vmem>> -> memref<8192xi32, #tpu.memory_space<vmem>>
    %dma_start3A_77 = tpu.memref_slice %arg4[%multiple_of3A_69] : memref<425984xi32, #tpu.memory_space<hbm>> -> memref<8192xi32, #tpu.memory_space<hbm>>
    tpu.enqueue_dma source(%dma_start3A_77 : memref<8192xi32, #tpu.memory_space<hbm>>) target(%dma_start3A_76 : memref<8192xi32, #tpu.memory_space<vmem>>) target_semaphore(%arg13 : memref<!tpu.dma_semaphore, #tpu.memory_space<semaphore_mem>>)
    %dma_start3A_78 = arith.constant 0 : i32
    %dma_start3A_79 = arith.constant 0 : i32
    %dma_start3A_80 = arith.constant 0 : i32
    %dma_start3A_81 = arith.constant 0 : i32
    %dma_start3A_82 = tpu.memref_slice %arg7[%dma_start3A_79, %dma_start3A_80, %dma_start3A_81] : memref<2x8x33xf32, #tpu.memory_space<vmem>> -> memref<1x8x33xf32, #tpu.memory_space<vmem>>
    %dma_start3A_83 = tpu.memref_squeeze %dma_start3A_82 : memref<1x8x33xf32, #tpu.memory_space<vmem>> -> memref<8x33xf32, #tpu.memory_space<vmem>>
    %dma_start3A_84 = arith.constant 0 : i32
    %dma_start3A_85 = tpu.memref_slice %arg3[%dma_start3A_78, %multiple_of3A_64, %dma_start3A_84] : memref<26x32x33xf32, #tpu.memory_space<hbm>> -> memref<1x8x33xf32, #tpu.memory_space<hbm>>
    %dma_start3A_86 = tpu.memref_squeeze %dma_start3A_85 : memref<1x8x33xf32, #tpu.memory_space<hbm>> -> memref<8x33xf32, #tpu.memory_space<hbm>>
    %dma_start3A_87 = arith.constant 0 : i32
    %dma_start3A_88 = arith.constant 0 : i32
    %dma_start3A_89 = tpu.memref_slice %arg7[%dma_start3A_79, %dma_start3A_87, %dma_start3A_88] : memref<2x8x33xf32, #tpu.memory_space<vmem>> -> memref<1x8x33xf32, #tpu.memory_space<vmem>>
    %dma_start3A_90 = tpu.memref_squeeze %dma_start3A_89 : memref<1x8x33xf32, #tpu.memory_space<vmem>> -> memref<8x33xf32, #tpu.memory_space<vmem>>
    %dma_start3A_91 = arith.constant 0 : i32
    %dma_start3A_92 = tpu.memref_slice %arg3[%dma_start3A_78, %multiple_of3A_64, %dma_start3A_91] : memref<26x32x33xf32, #tpu.memory_space<hbm>> -> memref<1x8x33xf32, #tpu.memory_space<hbm>>
    %dma_start3A_93 = tpu.memref_squeeze %dma_start3A_92 : memref<1x8x33xf32, #tpu.memory_space<hbm>> -> memref<8x33xf32, #tpu.memory_space<hbm>>
    tpu.enqueue_dma source(%dma_start3A_93 : memref<8x33xf32, #tpu.memory_space<hbm>>) target(%dma_start3A_90 : memref<8x33xf32, #tpu.memory_space<vmem>>) target_semaphore(%arg13 : memref<!tpu.dma_semaphore, #tpu.memory_space<semaphore_mem>>)
    %mul3A_94 = arith.constant 8192 : i32
    %mul3A_95 = arith.muli %select_n3A_28, %mul3A_94 : i32
    %add3A_96 = arith.constant 0 : i32
    %add3A_97 = arith.addi %add3A_96, %mul3A_95 : i32
    %multiple_of3A_98 = tpu.assume_multiple %add3A_97, 8 : i32
    %dma_wait3A = arith.constant 0 : i32
    %dma_wait3A_99 = arith.constant 0 : i32
    %dma_wait3A_100 = tpu.memref_slice %arg8[%dma_wait3A, %dma_wait3A_99] : memref<2x8192xi32, #tpu.memory_space<vmem>> -> memref<1x8192xi32, #tpu.memory_space<vmem>>
    %dma_wait3A_101 = tpu.memref_squeeze %dma_wait3A_100 : memref<1x8192xi32, #tpu.memory_space<vmem>> -> memref<8192xi32, #tpu.memory_space<vmem>>
    %dma_wait3A_102 = tpu.memref_slice %arg4[%multiple_of3A_98] : memref<425984xi32, #tpu.memory_space<hbm>> -> memref<8192xi32, #tpu.memory_space<hbm>>
    %dma_wait3A_103 = arith.constant 0 : i32
    %dma_wait3A_104 = tpu.memref_slice %arg8[%dma_wait3A, %dma_wait3A_103] : memref<2x8192xi32, #tpu.memory_space<vmem>> -> memref<1x8192xi32, #tpu.memory_space<vmem>>
    %dma_wait3A_105 = tpu.memref_squeeze %dma_wait3A_104 : memref<1x8192xi32, #tpu.memory_space<vmem>> -> memref<8192xi32, #tpu.memory_space<vmem>>
    %dma_wait3A_106 = tpu.memref_slice %arg4[%multiple_of3A_98] : memref<425984xi32, #tpu.memory_space<hbm>> -> memref<8192xi32, #tpu.memory_space<hbm>>
    tpu.wait_dma2 semaphore(%arg13 : memref<!tpu.dma_semaphore, #tpu.memory_space<semaphore_mem>>) src(%dma_wait3A_106 : memref<8192xi32, #tpu.memory_space<hbm>>) dst(%dma_wait3A_105 : memref<8192xi32, #tpu.memory_space<vmem>>)
    %dma_wait3A_107 = arith.constant 0 : i32
    %dma_wait3A_108 = arith.constant 0 : i32
    %dma_wait3A_109 = arith.constant 0 : i32
    %dma_wait3A_110 = arith.constant 0 : i32
    %dma_wait3A_111 = tpu.memref_slice %arg7[%dma_wait3A_108, %dma_wait3A_109, %dma_wait3A_110] : memref<2x8x33xf32, #tpu.memory_space<vmem>> -> memref<1x8x33xf32, #tpu.memory_space<vmem>>
    %dma_wait3A_112 = tpu.memref_squeeze %dma_wait3A_111 : memref<1x8x33xf32, #tpu.memory_space<vmem>> -> memref<8x33xf32, #tpu.memory_space<vmem>>
    %dma_wait3A_113 = arith.constant 0 : i32
    %dma_wait3A_114 = tpu.memref_slice %arg3[%dma_wait3A_107, %multiple_of3A_64, %dma_wait3A_113] : memref<26x32x33xf32, #tpu.memory_space<hbm>> -> memref<1x8x33xf32, #tpu.memory_space<hbm>>
    %dma_wait3A_115 = tpu.memref_squeeze %dma_wait3A_114 : memref<1x8x33xf32, #tpu.memory_space<hbm>> -> memref<8x33xf32, #tpu.memory_space<hbm>>
    %dma_wait3A_116 = arith.constant 0 : i32
    %dma_wait3A_117 = arith.constant 0 : i32
    %dma_wait3A_118 = tpu.memref_slice %arg7[%dma_wait3A_108, %dma_wait3A_116, %dma_wait3A_117] : memref<2x8x33xf32, #tpu.memory_space<vmem>> -> memref<1x8x33xf32, #tpu.memory_space<vmem>>
    %dma_wait3A_119 = tpu.memref_squeeze %dma_wait3A_118 : memref<1x8x33xf32, #tpu.memory_space<vmem>> -> memref<8x33xf32, #tpu.memory_space<vmem>>
    %dma_wait3A_120 = arith.constant 0 : i32
    %dma_wait3A_121 = tpu.memref_slice %arg3[%dma_wait3A_107, %multiple_of3A_64, %dma_wait3A_120] : memref<26x32x33xf32, #tpu.memory_space<hbm>> -> memref<1x8x33xf32, #tpu.memory_space<hbm>>
    %dma_wait3A_122 = tpu.memref_squeeze %dma_wait3A_121 : memref<1x8x33xf32, #tpu.memory_space<hbm>> -> memref<8x33xf32, #tpu.memory_space<hbm>>
    tpu.wait_dma2 semaphore(%arg13 : memref<!tpu.dma_semaphore, #tpu.memory_space<semaphore_mem>>) src(%dma_wait3A_122 : memref<8x33xf32, #tpu.memory_space<hbm>>) dst(%dma_wait3A_119 : memref<8x33xf32, #tpu.memory_space<vmem>>)
    %scan3A = arith.constant 0 : i32
    %scan3A_123 = arith.constant 0 : i32
    %scan3A_124 = arith.constant 26 : i32
    %scan3A_125 = arith.addi %scan3A_123, %scan3A_124 : i32
    %scan3A_126 = arith.constant 1 : i32
    scf.for %scan3A_253 = %scan3A_123 to %scan3A_125 step %scan3A_126  : i32 {
      %mul3A_254 = arith.constant 16 : i32
      %mul3A_255 = arith.muli %arg0, %mul3A_254 : i32
      %add3A_256 = arith.constant 0 : i32
      %add3A_257 = arith.addi %mul3A_255, %add3A_256 : i32
      %multiple_of3A_258 = tpu.assume_multiple %add3A_257, 8 : i32
      %rem3A_259 = arith.constant 2 : i32
      %rem3A_260 = arith.remsi %scan3A_253, %rem3A_259 : i32
      %broadcast_in_dim3A_261 = arith.constant 0 : i32
      %broadcast_in_dim3A_262 = vector.broadcast %broadcast_in_dim3A_261 : i32 to vector<16xi32>
      %add3A_263 = vector.broadcast %rem3A_260 : i32 to vector<16xi32>
      %add3A_264 = arith.addi %broadcast_in_dim3A_262, %add3A_263 : vector<16xi32>
      %gt3A = arith.constant 0 : i32
      %gt3A_265 = arith.cmpi sgt, %scan3A_253, %gt3A : i32
      %convert_element_type3A_266 = arith.extui %gt3A_265 : i1 to i32
      %cond3A_267 = arith.constant 0 : i32
      %cond3A_268 = arith.cmpi ne, %convert_element_type3A_266, %cond3A_267 : i32
      scf.if %cond3A_268 {
        %mul3A_298 = arith.constant 16384 : i32
        %mul3A_299 = arith.muli %scan3A_253, %mul3A_298 : i32
        %mul3A_300 = arith.constant 8192 : i32
        %mul3A_301 = arith.muli %select_n3A_28, %mul3A_300 : i32
        %add3A_302 = arith.addi %mul3A_299, %mul3A_301 : i32
        %multiple_of3A_303 = tpu.assume_multiple %add3A_302, 8 : i32
        %dma_wait3A_304 = arith.constant 0 : i32
        %dma_wait3A_305 = tpu.memref_slice %arg8[%rem3A_260, %dma_wait3A_304] : memref<2x8192xi32, #tpu.memory_space<vmem>> -> memref<1x8192xi32, #tpu.memory_space<vmem>>
        %dma_wait3A_306 = tpu.memref_squeeze %dma_wait3A_305 : memref<1x8192xi32, #tpu.memory_space<vmem>> -> memref<8192xi32, #tpu.memory_space<vmem>>
        %dma_wait3A_307 = tpu.memref_slice %arg4[%multiple_of3A_303] : memref<425984xi32, #tpu.memory_space<hbm>> -> memref<8192xi32, #tpu.memory_space<hbm>>
        %dma_wait3A_308 = arith.constant 0 : i32
        %dma_wait3A_309 = tpu.memref_slice %arg8[%rem3A_260, %dma_wait3A_308] : memref<2x8192xi32, #tpu.memory_space<vmem>> -> memref<1x8192xi32, #tpu.memory_space<vmem>>
        %dma_wait3A_310 = tpu.memref_squeeze %dma_wait3A_309 : memref<1x8192xi32, #tpu.memory_space<vmem>> -> memref<8192xi32, #tpu.memory_space<vmem>>
        %dma_wait3A_311 = tpu.memref_slice %arg4[%multiple_of3A_303] : memref<425984xi32, #tpu.memory_space<hbm>> -> memref<8192xi32, #tpu.memory_space<hbm>>
        tpu.wait_dma2 semaphore(%arg13 : memref<!tpu.dma_semaphore, #tpu.memory_space<semaphore_mem>>) src(%dma_wait3A_311 : memref<8192xi32, #tpu.memory_space<hbm>>) dst(%dma_wait3A_310 : memref<8192xi32, #tpu.memory_space<vmem>>)
        %dma_wait3A_312 = arith.constant 0 : i32
        %dma_wait3A_313 = arith.constant 0 : i32
        %dma_wait3A_314 = tpu.memref_slice %arg7[%rem3A_260, %dma_wait3A_312, %dma_wait3A_313] : memref<2x8x33xf32, #tpu.memory_space<vmem>> -> memref<1x8x33xf32, #tpu.memory_space<vmem>>
        %dma_wait3A_315 = tpu.memref_squeeze %dma_wait3A_314 : memref<1x8x33xf32, #tpu.memory_space<vmem>> -> memref<8x33xf32, #tpu.memory_space<vmem>>
        %dma_wait3A_316 = arith.constant 0 : i32
        %dma_wait3A_317 = tpu.memref_slice %arg3[%scan3A_253, %multiple_of3A_258, %dma_wait3A_316] : memref<26x32x33xf32, #tpu.memory_space<hbm>> -> memref<1x8x33xf32, #tpu.memory_space<hbm>>
        %dma_wait3A_318 = tpu.memref_squeeze %dma_wait3A_317 : memref<1x8x33xf32, #tpu.memory_space<hbm>> -> memref<8x33xf32, #tpu.memory_space<hbm>>
        %dma_wait3A_319 = arith.constant 0 : i32
        %dma_wait3A_320 = arith.constant 0 : i32
        %dma_wait3A_321 = tpu.memref_slice %arg7[%rem3A_260, %dma_wait3A_319, %dma_wait3A_320] : memref<2x8x33xf32, #tpu.memory_space<vmem>> -> memref<1x8x33xf32, #tpu.memory_space<vmem>>
        %dma_wait3A_322 = tpu.memref_squeeze %dma_wait3A_321 : memref<1x8x33xf32, #tpu.memory_space<vmem>> -> memref<8x33xf32, #tpu.memory_space<vmem>>
        %dma_wait3A_323 = arith.constant 0 : i32
        %dma_wait3A_324 = tpu.memref_slice %arg3[%scan3A_253, %multiple_of3A_258, %dma_wait3A_323] : memref<26x32x33xf32, #tpu.memory_space<hbm>> -> memref<1x8x33xf32, #tpu.memory_space<hbm>>
        %dma_wait3A_325 = tpu.memref_squeeze %dma_wait3A_324 : memref<1x8x33xf32, #tpu.memory_space<hbm>> -> memref<8x33xf32, #tpu.memory_space<hbm>>
        tpu.wait_dma2 semaphore(%arg13 : memref<!tpu.dma_semaphore, #tpu.memory_space<semaphore_mem>>) src(%dma_wait3A_325 : memref<8x33xf32, #tpu.memory_space<hbm>>) dst(%dma_wait3A_322 : memref<8x33xf32, #tpu.memory_space<vmem>>)
      } else {
      }
      %lt3A_269 = arith.constant 25 : i32
      %lt3A_270 = arith.cmpi slt, %scan3A_253, %lt3A_269 : i32
      %convert_element_type3A_271 = arith.extui %lt3A_270 : i1 to i32
      %cond3A_272 = arith.constant 0 : i32
      %cond3A_273 = arith.cmpi ne, %convert_element_type3A_271, %cond3A_272 : i32
      scf.if %cond3A_273 {
        %add3A_298 = arith.constant 1 : i32
        %add3A_299 = arith.addi %scan3A_253, %add3A_298 : i32
        %sub3A_300 = arith.constant 1 : i32
        %sub3A_301 = arith.subi %sub3A_300, %rem3A_260 : i32
        %mul3A_302 = arith.constant 16384 : i32
        %mul3A_303 = arith.muli %add3A_299, %mul3A_302 : i32
        %mul3A_304 = arith.constant 8192 : i32
        %mul3A_305 = arith.muli %select_n3A_28, %mul3A_304 : i32
        %add3A_306 = arith.addi %mul3A_303, %mul3A_305 : i32
        %multiple_of3A_307 = tpu.assume_multiple %add3A_306, 8 : i32
        %dma_start3A_308 = arith.constant 0 : i32
        %dma_start3A_309 = tpu.memref_slice %arg8[%sub3A_301, %dma_start3A_308] : memref<2x8192xi32, #tpu.memory_space<vmem>> -> memref<1x8192xi32, #tpu.memory_space<vmem>>
        %dma_start3A_310 = tpu.memref_squeeze %dma_start3A_309 : memref<1x8192xi32, #tpu.memory_space<vmem>> -> memref<8192xi32, #tpu.memory_space<vmem>>
        %dma_start3A_311 = tpu.memref_slice %arg4[%multiple_of3A_307] : memref<425984xi32, #tpu.memory_space<hbm>> -> memref<8192xi32, #tpu.memory_space<hbm>>
        %dma_start3A_312 = arith.constant 0 : i32
        %dma_start3A_313 = tpu.memref_slice %arg8[%sub3A_301, %dma_start3A_312] : memref<2x8192xi32, #tpu.memory_space<vmem>> -> memref<1x8192xi32, #tpu.memory_space<vmem>>
        %dma_start3A_314 = tpu.memref_squeeze %dma_start3A_313 : memref<1x8192xi32, #tpu.memory_space<vmem>> -> memref<8192xi32, #tpu.memory_space<vmem>>
        %dma_start3A_315 = tpu.memref_slice %arg4[%multiple_of3A_307] : memref<425984xi32, #tpu.memory_space<hbm>> -> memref<8192xi32, #tpu.memory_space<hbm>>
        tpu.enqueue_dma source(%dma_start3A_315 : memref<8192xi32, #tpu.memory_space<hbm>>) target(%dma_start3A_314 : memref<8192xi32, #tpu.memory_space<vmem>>) target_semaphore(%arg13 : memref<!tpu.dma_semaphore, #tpu.memory_space<semaphore_mem>>)
        %add3A_316 = arith.constant 1 : i32
        %add3A_317 = arith.addi %scan3A_253, %add3A_316 : i32
        %sub3A_318 = arith.constant 1 : i32
        %sub3A_319 = arith.subi %sub3A_318, %rem3A_260 : i32
        %dma_start3A_320 = arith.constant 0 : i32
        %dma_start3A_321 = arith.constant 0 : i32
        %dma_start3A_322 = tpu.memref_slice %arg7[%sub3A_319, %dma_start3A_320, %dma_start3A_321] : memref<2x8x33xf32, #tpu.memory_space<vmem>> -> memref<1x8x33xf32, #tpu.memory_space<vmem>>
        %dma_start3A_323 = tpu.memref_squeeze %dma_start3A_322 : memref<1x8x33xf32, #tpu.memory_space<vmem>> -> memref<8x33xf32, #tpu.memory_space<vmem>>
        %dma_start3A_324 = arith.constant 0 : i32
        %dma_start3A_325 = tpu.memref_slice %arg3[%add3A_317, %multiple_of3A_258, %dma_start3A_324] : memref<26x32x33xf32, #tpu.memory_space<hbm>> -> memref<1x8x33xf32, #tpu.memory_space<hbm>>
        %dma_start3A_326 = tpu.memref_squeeze %dma_start3A_325 : memref<1x8x33xf32, #tpu.memory_space<hbm>> -> memref<8x33xf32, #tpu.memory_space<hbm>>
        %dma_start3A_327 = arith.constant 0 : i32
        %dma_start3A_328 = arith.constant 0 : i32
        %dma_start3A_329 = tpu.memref_slice %arg7[%sub3A_319, %dma_start3A_327, %dma_start3A_328] : memref<2x8x33xf32, #tpu.memory_space<vmem>> -> memref<1x8x33xf32, #tpu.memory_space<vmem>>
        %dma_start3A_330 = tpu.memref_squeeze %dma_start3A_329 : memref<1x8x33xf32, #tpu.memory_space<vmem>> -> memref<8x33xf32, #tpu.memory_space<vmem>>
        %dma_start3A_331 = arith.constant 0 : i32
        %dma_start3A_332 = tpu.memref_slice %arg3[%add3A_317, %multiple_of3A_258, %dma_start3A_331] : memref<26x32x33xf32, #tpu.memory_space<hbm>> -> memref<1x8x33xf32, #tpu.memory_space<hbm>>
        %dma_start3A_333 = tpu.memref_squeeze %dma_start3A_332 : memref<1x8x33xf32, #tpu.memory_space<hbm>> -> memref<8x33xf32, #tpu.memory_space<hbm>>
        tpu.enqueue_dma source(%dma_start3A_333 : memref<8x33xf32, #tpu.memory_space<hbm>>) target(%dma_start3A_330 : memref<8x33xf32, #tpu.memory_space<vmem>>) target_semaphore(%arg13 : memref<!tpu.dma_semaphore, #tpu.memory_space<semaphore_mem>>)
      } else {
      }
      "tpu.region"() ({
        %run_scoped3A = tpu.sem_alloc : memref<!tpu.dma_semaphore, #tpu.memory_space<semaphore_mem>>
        %dma_start3A_298 = arith.constant 0 : i32
        %dma_start3A_299 = tpu.memref_slice %arg6[%dma_start3A_298] : memref<50048xf32, #tpu.memory_space<vmem>> -> memref<49920xf32, #tpu.memory_space<vmem>>
        %dma_start3A_300 = arith.constant 0 : i32
        %dma_start3A_301 = tpu.memref_slice %arg10[%select_n3A_7, %dma_start3A_300] : memref<8x49920xf32, #tpu.memory_space<vmem_shared>> -> memref<1x49920xf32, #tpu.memory_space<vmem_shared>>
        %dma_start3A_302 = tpu.memref_squeeze %dma_start3A_301 : memref<1x49920xf32, #tpu.memory_space<vmem_shared>> -> memref<49920xf32, #tpu.memory_space<vmem_shared>>
        %dma_start3A_303 = arith.constant 0 : i32
        %dma_start3A_304 = tpu.memref_slice %arg6[%dma_start3A_303] : memref<50048xf32, #tpu.memory_space<vmem>> -> memref<49920xf32, #tpu.memory_space<vmem>>
        %dma_start3A_305 = arith.constant 0 : i32
        %dma_start3A_306 = tpu.memref_slice %arg10[%select_n3A_7, %dma_start3A_305] : memref<8x49920xf32, #tpu.memory_space<vmem_shared>> -> memref<1x49920xf32, #tpu.memory_space<vmem_shared>>
        %dma_start3A_307 = tpu.memref_squeeze %dma_start3A_306 : memref<1x49920xf32, #tpu.memory_space<vmem_shared>> -> memref<49920xf32, #tpu.memory_space<vmem_shared>>
        tpu.enqueue_dma source(%dma_start3A_307 : memref<49920xf32, #tpu.memory_space<vmem_shared>>) target(%dma_start3A_304 : memref<49920xf32, #tpu.memory_space<vmem>>) target_semaphore(%run_scoped3A : memref<!tpu.dma_semaphore, #tpu.memory_space<semaphore_mem>>)
        %dma_wait3A_308 = arith.constant 0 : i32
        %dma_wait3A_309 = tpu.memref_slice %arg6[%dma_wait3A_308] : memref<50048xf32, #tpu.memory_space<vmem>> -> memref<49920xf32, #tpu.memory_space<vmem>>
        %dma_wait3A_310 = arith.constant 0 : i32
        %dma_wait3A_311 = tpu.memref_slice %arg10[%select_n3A_7, %dma_wait3A_310] : memref<8x49920xf32, #tpu.memory_space<vmem_shared>> -> memref<1x49920xf32, #tpu.memory_space<vmem_shared>>
        %dma_wait3A_312 = tpu.memref_squeeze %dma_wait3A_311 : memref<1x49920xf32, #tpu.memory_space<vmem_shared>> -> memref<49920xf32, #tpu.memory_space<vmem_shared>>
        %dma_wait3A_313 = arith.constant 0 : i32
        %dma_wait3A_314 = tpu.memref_slice %arg6[%dma_wait3A_313] : memref<50048xf32, #tpu.memory_space<vmem>> -> memref<49920xf32, #tpu.memory_space<vmem>>
        %dma_wait3A_315 = arith.constant 0 : i32
        %dma_wait3A_316 = tpu.memref_slice %arg10[%select_n3A_7, %dma_wait3A_315] : memref<8x49920xf32, #tpu.memory_space<vmem_shared>> -> memref<1x49920xf32, #tpu.memory_space<vmem_shared>>
        %dma_wait3A_317 = tpu.memref_squeeze %dma_wait3A_316 : memref<1x49920xf32, #tpu.memory_space<vmem_shared>> -> memref<49920xf32, #tpu.memory_space<vmem_shared>>
        tpu.wait_dma2 semaphore(%run_scoped3A : memref<!tpu.dma_semaphore, #tpu.memory_space<semaphore_mem>>) src(%dma_wait3A_317 : memref<49920xf32, #tpu.memory_space<vmem_shared>>) dst(%dma_wait3A_314 : memref<49920xf32, #tpu.memory_space<vmem>>)
        tpu.yield
      }) : () -> ()
      %barrier3A_274 = arith.constant 0 : index
      tpu.barrier barrier_id(%barrier3A_274)
      %lt3A_275 = arith.constant 25 : i32
      %lt3A_276 = arith.cmpi slt, %scan3A_253, %lt3A_275 : i32
      %convert_element_type3A_277 = arith.extui %lt3A_276 : i1 to i32
      %cond3A_278 = arith.constant 0 : i32
      %cond3A_279 = arith.cmpi ne, %convert_element_type3A_277, %cond3A_278 : i32
      scf.if %cond3A_279 {
        %add3A_298 = arith.constant 1 : i32
        %add3A_299 = arith.addi %scan3A_253, %add3A_298 : i32
        %mul3A_300 = arith.constant 16 : i32
        %mul3A_301 = arith.muli %arg0, %mul3A_300 : i32
        %add3A_302 = arith.constant 0 : i32
        %add3A_303 = arith.addi %mul3A_301, %add3A_302 : i32
        %multiple_of3A_304 = tpu.assume_multiple %add3A_303, 8 : i32
        %eq3A_305 = arith.constant 0 : i32
        %eq3A_306 = arith.cmpi eq, %arg1, %eq3A_305 : i32
        %convert_element_type3A_307 = arith.extui %eq3A_306 : i1 to i32
        %cond3A_308 = arith.constant 0 : i32
        %cond3A_309 = arith.cmpi ne, %convert_element_type3A_307, %cond3A_308 : i32
        scf.if %cond3A_309 {
          %dma_start3A_315 = arith.constant 0 : i32
          %dma_start3A_316 = arith.constant 0 : i32
          %dma_start3A_317 = tpu.memref_slice %arg10[%dma_start3A_315, %dma_start3A_316] : memref<8x49920xf32, #tpu.memory_space<vmem_shared>> -> memref<8x24960xf32, #tpu.memory_space<vmem_shared>>
          %dma_start3A_318 = arith.constant 0 : i32
          %dma_start3A_319 = tpu.memref_slice %arg2[%add3A_299, %multiple_of3A_304, %dma_start3A_318] : memref<26x32x100001xf32, #tpu.memory_space<hbm>> -> memref<1x8x24960xf32, #tpu.memory_space<hbm>>
          %dma_start3A_320 = tpu.memref_squeeze %dma_start3A_319 : memref<1x8x24960xf32, #tpu.memory_space<hbm>> -> memref<8x24960xf32, #tpu.memory_space<hbm>>
          tpu.enqueue_dma source(%dma_start3A_320 : memref<8x24960xf32, #tpu.memory_space<hbm>>) target(%dma_start3A_317 : memref<8x24960xf32, #tpu.memory_space<vmem_shared>>) target_semaphore(%arg12 : memref<!tpu.dma_semaphore, #tpu.memory_space<semaphore_mem>>)
        } else {
        }
        %eq3A_310 = arith.constant 4 : i32
        %eq3A_311 = arith.cmpi eq, %arg1, %eq3A_310 : i32
        %convert_element_type3A_312 = arith.extui %eq3A_311 : i1 to i32
        %cond3A_313 = arith.constant 0 : i32
        %cond3A_314 = arith.cmpi ne, %convert_element_type3A_312, %cond3A_313 : i32
        scf.if %cond3A_314 {
          %dma_start3A_315 = arith.constant 0 : i32
          %dma_start3A_316 = arith.constant 24960 : i32
          %dma_start3A_317 = tpu.memref_slice %arg10[%dma_start3A_315, %dma_start3A_316] : memref<8x49920xf32, #tpu.memory_space<vmem_shared>> -> memref<8x24960xf32, #tpu.memory_space<vmem_shared>>
          %dma_start3A_318 = arith.constant 24960 : i32
          %dma_start3A_319 = tpu.memref_slice %arg2[%add3A_299, %multiple_of3A_304, %dma_start3A_318] : memref<26x32x100001xf32, #tpu.memory_space<hbm>> -> memref<1x8x24960xf32, #tpu.memory_space<hbm>>
          %dma_start3A_320 = tpu.memref_squeeze %dma_start3A_319 : memref<1x8x24960xf32, #tpu.memory_space<hbm>> -> memref<8x24960xf32, #tpu.memory_space<hbm>>
          tpu.enqueue_dma source(%dma_start3A_320 : memref<8x24960xf32, #tpu.memory_space<hbm>>) target(%dma_start3A_317 : memref<8x24960xf32, #tpu.memory_space<vmem_shared>>) target_semaphore(%arg12 : memref<!tpu.dma_semaphore, #tpu.memory_space<semaphore_mem>>)
        } else {
        }
      } else {
      }
      %parallel_loop3A_280 = arith.constant 0 : i32
      %parallel_loop3A_281 = arith.constant 8192 : i32
      %parallel_loop3A_282 = arith.constant 16 : i32
      scf.for %parallel_loop3A_298 = %parallel_loop3A_280 to %parallel_loop3A_281 step %parallel_loop3A_282  : i32 {
        %parallel_loop3A_299 = arith.index_cast %rem3A_260 : i32 to index
        %parallel_loop3A_300 = arith.index_cast %parallel_loop3A_298 : i32 to index
        %parallel_loop3A_301 = tpu.vector_load %arg8[%parallel_loop3A_299, %parallel_loop3A_300] {strides = array<i32>} : memref<2x8192xi32, #tpu.memory_space<vmem>>, vector<16xi32>,
        %parallel_loop3A_302 = arith.constant 49920 : i32
        %parallel_loop3A_303 = vector.broadcast %parallel_loop3A_302 : i32 to vector<16xi32>
        %parallel_loop3A_304 = arith.cmpi slt, %parallel_loop3A_301, %parallel_loop3A_303 : vector<16xi32>
        %parallel_loop3A_305 = arith.constant 49919 : i32
        %parallel_loop3A_306 = vector.broadcast %parallel_loop3A_305 : i32 to vector<16xi32>
        %parallel_loop3A_307 = arith.minsi %parallel_loop3A_301, %parallel_loop3A_306 : vector<16xi32>
        %parallel_loop3A_308 = tpu.vector_load_idx %arg6[%parallel_loop3A_307] : memref<50048xf32, #tpu.memory_space<vmem>>[vector<16xi32>], vector<16xf32>,
        %parallel_loop3A_309 = arith.constant 0.000000e+00 : f32
        %parallel_loop3A_310 = vector.broadcast %parallel_loop3A_309 : f32 to vector<16xf32>
        %parallel_loop3A_311 = arith.select %parallel_loop3A_304, %parallel_loop3A_308, %parallel_loop3A_310 : vector<16xi1>, vector<16xf32>
        %parallel_loop3A_312 = arith.index_cast %parallel_loop3A_298 : i32 to index
        %parallel_loop3A_313 = tpu.vector_load %arg9[%parallel_loop3A_312] {strides = array<i32>} : memref<8192xf32, #tpu.memory_space<vmem>>, vector<16xf32>,
        tpu.vector_store %arg9[%parallel_loop3A_312], %parallel_loop3A_311 {add = true, strides = array<i32>} : memref<8192xf32, #tpu.memory_space<vmem>>, vector<16xf32>,
      } {sc.loop_unroll_factor = 16 : i64, sc.parallel_access}
      "tpu.region"() ({
        %run_scoped3A = tpu.sem_alloc : memref<!tpu.dma_semaphore, #tpu.memory_space<semaphore_mem>>
        %dma_start3A_298 = arith.constant 0 : i32
        %dma_start3A_299 = tpu.memref_slice %arg11[%select_n3A_7, %dma_start3A_298] : memref<8x50048xf32, #tpu.memory_space<vmem_shared>> -> memref<1x50048xf32, #tpu.memory_space<vmem_shared>>
        %dma_start3A_300 = tpu.memref_squeeze %dma_start3A_299 : memref<1x50048xf32, #tpu.memory_space<vmem_shared>> -> memref<50048xf32, #tpu.memory_space<vmem_shared>>
        %dma_start3A_301 = arith.constant 0 : i32
        %dma_start3A_302 = tpu.memref_slice %arg11[%select_n3A_7, %dma_start3A_301] : memref<8x50048xf32, #tpu.memory_space<vmem_shared>> -> memref<1x50048xf32, #tpu.memory_space<vmem_shared>>
        %dma_start3A_303 = tpu.memref_squeeze %dma_start3A_302 : memref<1x50048xf32, #tpu.memory_space<vmem_shared>> -> memref<50048xf32, #tpu.memory_space<vmem_shared>>
        tpu.enqueue_dma source(%dma_start3A_303 : memref<50048xf32, #tpu.memory_space<vmem_shared>>) target(%arg6 : memref<50048xf32, #tpu.memory_space<vmem>>) target_semaphore(%run_scoped3A : memref<!tpu.dma_semaphore, #tpu.memory_space<semaphore_mem>>)
        %dma_wait3A_304 = arith.constant 0 : i32
        %dma_wait3A_305 = tpu.memref_slice %arg11[%select_n3A_7, %dma_wait3A_304] : memref<8x50048xf32, #tpu.memory_space<vmem_shared>> -> memref<1x50048xf32, #tpu.memory_space<vmem_shared>>
        %dma_wait3A_306 = tpu.memref_squeeze %dma_wait3A_305 : memref<1x50048xf32, #tpu.memory_space<vmem_shared>> -> memref<50048xf32, #tpu.memory_space<vmem_shared>>
        %dma_wait3A_307 = arith.constant 0 : i32
        %dma_wait3A_308 = tpu.memref_slice %arg11[%select_n3A_7, %dma_wait3A_307] : memref<8x50048xf32, #tpu.memory_space<vmem_shared>> -> memref<1x50048xf32, #tpu.memory_space<vmem_shared>>
        %dma_wait3A_309 = tpu.memref_squeeze %dma_wait3A_308 : memref<1x50048xf32, #tpu.memory_space<vmem_shared>> -> memref<50048xf32, #tpu.memory_space<vmem_shared>>
        tpu.wait_dma2 semaphore(%run_scoped3A : memref<!tpu.dma_semaphore, #tpu.memory_space<semaphore_mem>>) src(%dma_wait3A_309 : memref<50048xf32, #tpu.memory_space<vmem_shared>>) dst(%arg6 : memref<50048xf32, #tpu.memory_space<vmem>>)
        tpu.yield
      }) : () -> ()
      %barrier3A_283 = arith.constant 0 : index
      tpu.barrier barrier_id(%barrier3A_283)
      %lt3A_284 = arith.constant 25 : i32
      %lt3A_285 = arith.cmpi slt, %scan3A_253, %lt3A_284 : i32
      %convert_element_type3A_286 = arith.extui %lt3A_285 : i1 to i32
      %cond3A_287 = arith.constant 0 : i32
      %cond3A_288 = arith.cmpi ne, %convert_element_type3A_286, %cond3A_287 : i32
      scf.if %cond3A_288 {
        %add3A_298 = arith.constant 1 : i32
        %add3A_299 = arith.addi %scan3A_253, %add3A_298 : i32
        %mul3A_300 = arith.constant 16 : i32
        %mul3A_301 = arith.muli %arg0, %mul3A_300 : i32
        %add3A_302 = arith.constant 0 : i32
        %add3A_303 = arith.addi %mul3A_301, %add3A_302 : i32
        %multiple_of3A_304 = tpu.assume_multiple %add3A_303, 8 : i32
        %eq3A_305 = arith.constant 8 : i32
        %eq3A_306 = arith.cmpi eq, %arg1, %eq3A_305 : i32
        %convert_element_type3A_307 = arith.extui %eq3A_306 : i1 to i32
        %cond3A_308 = arith.constant 0 : i32
        %cond3A_309 = arith.cmpi ne, %convert_element_type3A_307, %cond3A_308 : i32
        scf.if %cond3A_309 {
          %dma_start3A_315 = arith.constant 0 : i32
          %dma_start3A_316 = arith.constant 0 : i32
          %dma_start3A_317 = tpu.memref_slice %arg11[%dma_start3A_315, %dma_start3A_316] : memref<8x50048xf32, #tpu.memory_space<vmem_shared>> -> memref<8x24960xf32, #tpu.memory_space<vmem_shared>>
          %dma_start3A_318 = arith.constant 49920 : i32
          %dma_start3A_319 = tpu.memref_slice %arg2[%add3A_299, %multiple_of3A_304, %dma_start3A_318] : memref<26x32x100001xf32, #tpu.memory_space<hbm>> -> memref<1x8x24960xf32, #tpu.memory_space<hbm>>
          %dma_start3A_320 = tpu.memref_squeeze %dma_start3A_319 : memref<1x8x24960xf32, #tpu.memory_space<hbm>> -> memref<8x24960xf32, #tpu.memory_space<hbm>>
          tpu.enqueue_dma source(%dma_start3A_320 : memref<8x24960xf32, #tpu.memory_space<hbm>>) target(%dma_start3A_317 : memref<8x24960xf32, #tpu.memory_space<vmem_shared>>) target_semaphore(%arg12 : memref<!tpu.dma_semaphore, #tpu.memory_space<semaphore_mem>>)
        } else {
        }
        %eq3A_310 = arith.constant 12 : i32
        %eq3A_311 = arith.cmpi eq, %arg1, %eq3A_310 : i32
        %convert_element_type3A_312 = arith.extui %eq3A_311 : i1 to i32
        %cond3A_313 = arith.constant 0 : i32
        %cond3A_314 = arith.cmpi ne, %convert_element_type3A_312, %cond3A_313 : i32
        scf.if %cond3A_314 {
          %dma_start3A_315 = arith.constant 0 : i32
          %dma_start3A_316 = arith.constant 24960 : i32
          %dma_start3A_317 = tpu.memref_slice %arg11[%dma_start3A_315, %dma_start3A_316] : memref<8x50048xf32, #tpu.memory_space<vmem_shared>> -> memref<8x25088xf32, #tpu.memory_space<vmem_shared>>
          %dma_start3A_318 = arith.constant 74880 : i32
          %dma_start3A_319 = tpu.memref_slice %arg2[%add3A_299, %multiple_of3A_304, %dma_start3A_318] : memref<26x32x100001xf32, #tpu.memory_space<hbm>> -> memref<1x8x25088xf32, #tpu.memory_space<hbm>>
          %dma_start3A_320 = tpu.memref_squeeze %dma_start3A_319 : memref<1x8x25088xf32, #tpu.memory_space<hbm>> -> memref<8x25088xf32, #tpu.memory_space<hbm>>
          tpu.enqueue_dma source(%dma_start3A_320 : memref<8x25088xf32, #tpu.memory_space<hbm>>) target(%dma_start3A_317 : memref<8x25088xf32, #tpu.memory_space<vmem_shared>>) target_semaphore(%arg12 : memref<!tpu.dma_semaphore, #tpu.memory_space<semaphore_mem>>)
        } else {
        }
      } else {
      }
      %parallel_loop3A_289 = arith.constant 0 : i32
      %parallel_loop3A_290 = arith.constant 8192 : i32
      %parallel_loop3A_291 = arith.constant 16 : i32
      scf.for %parallel_loop3A_298 = %parallel_loop3A_289 to %parallel_loop3A_290 step %parallel_loop3A_291  : i32 {
        %parallel_loop3A_299 = arith.index_cast %rem3A_260 : i32 to index
        %parallel_loop3A_300 = arith.index_cast %parallel_loop3A_298 : i32 to index
        %parallel_loop3A_301 = tpu.vector_load %arg8[%parallel_loop3A_299, %parallel_loop3A_300] {strides = array<i32>} : memref<2x8192xi32, #tpu.memory_space<vmem>>, vector<16xi32>,
        %parallel_loop3A_302 = arith.constant 49920 : i32
        %parallel_loop3A_303 = vector.broadcast %parallel_loop3A_302 : i32 to vector<16xi32>
        %parallel_loop3A_304 = arith.subi %parallel_loop3A_301, %parallel_loop3A_303 : vector<16xi32>
        %parallel_loop3A_305 = arith.constant 0 : i32
        %parallel_loop3A_306 = vector.broadcast %parallel_loop3A_305 : i32 to vector<16xi32>
        %parallel_loop3A_307 = arith.cmpi sge, %parallel_loop3A_304, %parallel_loop3A_306 : vector<16xi32>
        %parallel_loop3A_308 = arith.constant 99968 : i32
        %parallel_loop3A_309 = vector.broadcast %parallel_loop3A_308 : i32 to vector<16xi32>
        %parallel_loop3A_310 = arith.cmpi slt, %parallel_loop3A_301, %parallel_loop3A_309 : vector<16xi32>
        %parallel_loop3A_311 = arith.andi %parallel_loop3A_307, %parallel_loop3A_310 : vector<16xi1>
        %parallel_loop3A_312 = arith.constant 50047 : i32
        %parallel_loop3A_313 = vector.broadcast %parallel_loop3A_312 : i32 to vector<16xi32>
        %parallel_loop3A_314 = arith.minsi %parallel_loop3A_304, %parallel_loop3A_313 : vector<16xi32>
        %parallel_loop3A_315 = arith.constant 0 : i32
        %parallel_loop3A_316 = vector.broadcast %parallel_loop3A_315 : i32 to vector<16xi32>
        %parallel_loop3A_317 = arith.maxsi %parallel_loop3A_314, %parallel_loop3A_316 : vector<16xi32>
        %parallel_loop3A_318 = tpu.vector_load_idx %arg6[%parallel_loop3A_317] : memref<50048xf32, #tpu.memory_space<vmem>>[vector<16xi32>], vector<16xf32>,
        %parallel_loop3A_319 = arith.constant 0.000000e+00 : f32
        %parallel_loop3A_320 = vector.broadcast %parallel_loop3A_319 : f32 to vector<16xf32>
        %parallel_loop3A_321 = arith.select %parallel_loop3A_311, %parallel_loop3A_318, %parallel_loop3A_320 : vector<16xi1>, vector<16xf32>
        %parallel_loop3A_322 = arith.constant 99968 : i32
        %parallel_loop3A_323 = vector.broadcast %parallel_loop3A_322 : i32 to vector<16xi32>
        %parallel_loop3A_324 = arith.cmpi sge, %parallel_loop3A_301, %parallel_loop3A_323 : vector<16xi32>
        %parallel_loop3A_325 = arith.constant 99968 : i32
        %parallel_loop3A_326 = vector.broadcast %parallel_loop3A_325 : i32 to vector<16xi32>
        %parallel_loop3A_327 = arith.subi %parallel_loop3A_301, %parallel_loop3A_326 : vector<16xi32>
        %parallel_loop3A_328 = arith.constant 0 : i32
        %parallel_loop3A_329 = vector.broadcast %parallel_loop3A_328 : i32 to vector<16xi32>
        %parallel_loop3A_330 = arith.maxsi %parallel_loop3A_327, %parallel_loop3A_329 : vector<16xi32>
        %parallel_loop3A_331 = tpu.vector_load_idx %arg7[%add3A_264, %add3A_31, %parallel_loop3A_330] : memref<2x8x33xf32, #tpu.memory_space<vmem>>[vector<16xi32>, vector<16xi32>, vector<16xi32>], vector<16xf32>,
        %parallel_loop3A_332 = arith.constant 0.000000e+00 : f32
        %parallel_loop3A_333 = vector.broadcast %parallel_loop3A_332 : f32 to vector<16xf32>
        %parallel_loop3A_334 = arith.select %parallel_loop3A_324, %parallel_loop3A_331, %parallel_loop3A_333 : vector<16xi1>, vector<16xf32>
        %parallel_loop3A_335 = arith.addf %parallel_loop3A_321, %parallel_loop3A_334 : vector<16xf32>
        %parallel_loop3A_336 = arith.index_cast %parallel_loop3A_298 : i32 to index
        %parallel_loop3A_337 = tpu.vector_load %arg9[%parallel_loop3A_336] {strides = array<i32>} : memref<8192xf32, #tpu.memory_space<vmem>>, vector<16xf32>,
        tpu.vector_store %arg9[%parallel_loop3A_336], %parallel_loop3A_335 {add = true, strides = array<i32>} : memref<8192xf32, #tpu.memory_space<vmem>>, vector<16xf32>,
      } {sc.loop_unroll_factor = 16 : i64, sc.parallel_access}
      %lt3A_292 = arith.constant 25 : i32
      %lt3A_293 = arith.cmpi slt, %scan3A_253, %lt3A_292 : i32
      %convert_element_type3A_294 = arith.extui %lt3A_293 : i1 to i32
      %cond3A_295 = arith.constant 0 : i32
      %cond3A_296 = arith.cmpi ne, %convert_element_type3A_294, %cond3A_295 : i32
      scf.if %cond3A_296 {
        %add3A_298 = arith.constant 1 : i32
        %add3A_299 = arith.addi %scan3A_253, %add3A_298 : i32
        %mul3A_300 = arith.constant 16 : i32
        %mul3A_301 = arith.muli %arg0, %mul3A_300 : i32
        %add3A_302 = arith.constant 0 : i32
        %add3A_303 = arith.addi %mul3A_301, %add3A_302 : i32
        %multiple_of3A_304 = tpu.assume_multiple %add3A_303, 8 : i32
        %eq3A_305 = arith.constant 0 : i32
        %eq3A_306 = arith.cmpi eq, %arg1, %eq3A_305 : i32
        %convert_element_type3A_307 = arith.extui %eq3A_306 : i1 to i32
        %cond3A_308 = arith.constant 0 : i32
        %cond3A_309 = arith.cmpi ne, %convert_element_type3A_307, %cond3A_308 : i32
        scf.if %cond3A_309 {
          %dma_wait3A_332 = arith.constant 0 : i32
          %dma_wait3A_333 = arith.constant 0 : i32
          %dma_wait3A_334 = tpu.memref_slice %arg10[%dma_wait3A_332, %dma_wait3A_333] : memref<8x49920xf32, #tpu.memory_space<vmem_shared>> -> memref<8x24960xf32, #tpu.memory_space<vmem_shared>>
          %dma_wait3A_335 = arith.constant 0 : i32
          %dma_wait3A_336 = tpu.memref_slice %arg2[%add3A_299, %multiple_of3A_304, %dma_wait3A_335] : memref<26x32x100001xf32, #tpu.memory_space<hbm>> -> memref<1x8x24960xf32, #tpu.memory_space<hbm>>
          %dma_wait3A_337 = tpu.memref_squeeze %dma_wait3A_336 : memref<1x8x24960xf32, #tpu.memory_space<hbm>> -> memref<8x24960xf32, #tpu.memory_space<hbm>>
          tpu.wait_dma2 semaphore(%arg12 : memref<!tpu.dma_semaphore, #tpu.memory_space<semaphore_mem>>) src(%dma_wait3A_337 : memref<8x24960xf32, #tpu.memory_space<hbm>>) dst(%dma_wait3A_334 : memref<8x24960xf32, #tpu.memory_space<vmem_shared>>)
        } else {
        }
        %eq3A_310 = arith.constant 4 : i32
        %eq3A_311 = arith.cmpi eq, %arg1, %eq3A_310 : i32
        %convert_element_type3A_312 = arith.extui %eq3A_311 : i1 to i32
        %cond3A_313 = arith.constant 0 : i32
        %cond3A_314 = arith.cmpi ne, %convert_element_type3A_312, %cond3A_313 : i32
        scf.if %cond3A_314 {
          %dma_wait3A_332 = arith.constant 0 : i32
          %dma_wait3A_333 = arith.constant 24960 : i32
          %dma_wait3A_334 = tpu.memref_slice %arg10[%dma_wait3A_332, %dma_wait3A_333] : memref<8x49920xf32, #tpu.memory_space<vmem_shared>> -> memref<8x24960xf32, #tpu.memory_space<vmem_shared>>
          %dma_wait3A_335 = arith.constant 24960 : i32
          %dma_wait3A_336 = tpu.memref_slice %arg2[%add3A_299, %multiple_of3A_304, %dma_wait3A_335] : memref<26x32x100001xf32, #tpu.memory_space<hbm>> -> memref<1x8x24960xf32, #tpu.memory_space<hbm>>
          %dma_wait3A_337 = tpu.memref_squeeze %dma_wait3A_336 : memref<1x8x24960xf32, #tpu.memory_space<hbm>> -> memref<8x24960xf32, #tpu.memory_space<hbm>>
          tpu.wait_dma2 semaphore(%arg12 : memref<!tpu.dma_semaphore, #tpu.memory_space<semaphore_mem>>) src(%dma_wait3A_337 : memref<8x24960xf32, #tpu.memory_space<hbm>>) dst(%dma_wait3A_334 : memref<8x24960xf32, #tpu.memory_space<vmem_shared>>)
        } else {
        }
        %add3A_315 = arith.constant 1 : i32
        %add3A_316 = arith.addi %scan3A_253, %add3A_315 : i32
        %mul3A_317 = arith.constant 16 : i32
        %mul3A_318 = arith.muli %arg0, %mul3A_317 : i32
        %add3A_319 = arith.constant 0 : i32
        %add3A_320 = arith.addi %mul3A_318, %add3A_319 : i32
        %multiple_of3A_321 = tpu.assume_multiple %add3A_320, 8 : i32
        %eq3A_322 = arith.constant 8 : i32
        %eq3A_323 = arith.cmpi eq, %arg1, %eq3A_322 : i32
        %convert_element_type3A_324 = arith.extui %eq3A_323 : i1 to i32
        %cond3A_325 = arith.constant 0 : i32
        %cond3A_326 = arith.cmpi ne, %convert_element_type3A_324, %cond3A_325 : i32
        scf.if %cond3A_326 {
          %dma_wait3A_332 = arith.constant 0 : i32
          %dma_wait3A_333 = arith.constant 0 : i32
          %dma_wait3A_334 = tpu.memref_slice %arg11[%dma_wait3A_332, %dma_wait3A_333] : memref<8x50048xf32, #tpu.memory_space<vmem_shared>> -> memref<8x24960xf32, #tpu.memory_space<vmem_shared>>
          %dma_wait3A_335 = arith.constant 49920 : i32
          %dma_wait3A_336 = tpu.memref_slice %arg2[%add3A_316, %multiple_of3A_321, %dma_wait3A_335] : memref<26x32x100001xf32, #tpu.memory_space<hbm>> -> memref<1x8x24960xf32, #tpu.memory_space<hbm>>
          %dma_wait3A_337 = tpu.memref_squeeze %dma_wait3A_336 : memref<1x8x24960xf32, #tpu.memory_space<hbm>> -> memref<8x24960xf32, #tpu.memory_space<hbm>>
          tpu.wait_dma2 semaphore(%arg12 : memref<!tpu.dma_semaphore, #tpu.memory_space<semaphore_mem>>) src(%dma_wait3A_337 : memref<8x24960xf32, #tpu.memory_space<hbm>>) dst(%dma_wait3A_334 : memref<8x24960xf32, #tpu.memory_space<vmem_shared>>)
        } else {
        }
        %eq3A_327 = arith.constant 12 : i32
        %eq3A_328 = arith.cmpi eq, %arg1, %eq3A_327 : i32
        %convert_element_type3A_329 = arith.extui %eq3A_328 : i1 to i32
        %cond3A_330 = arith.constant 0 : i32
        %cond3A_331 = arith.cmpi ne, %convert_element_type3A_329, %cond3A_330 : i32
        scf.if %cond3A_331 {
          %dma_wait3A_332 = arith.constant 0 : i32
          %dma_wait3A_333 = arith.constant 24960 : i32
          %dma_wait3A_334 = tpu.memref_slice %arg11[%dma_wait3A_332, %dma_wait3A_333] : memref<8x50048xf32, #tpu.memory_space<vmem_shared>> -> memref<8x25088xf32, #tpu.memory_space<vmem_shared>>
          %dma_wait3A_335 = arith.constant 74880 : i32
          %dma_wait3A_336 = tpu.memref_slice %arg2[%add3A_316, %multiple_of3A_321, %dma_wait3A_335] : memref<26x32x100001xf32, #tpu.memory_space<hbm>> -> memref<1x8x25088xf32, #tpu.memory_space<hbm>>
          %dma_wait3A_337 = tpu.memref_squeeze %dma_wait3A_336 : memref<1x8x25088xf32, #tpu.memory_space<hbm>> -> memref<8x25088xf32, #tpu.memory_space<hbm>>
          tpu.wait_dma2 semaphore(%arg12 : memref<!tpu.dma_semaphore, #tpu.memory_space<semaphore_mem>>) src(%dma_wait3A_337 : memref<8x25088xf32, #tpu.memory_space<hbm>>) dst(%dma_wait3A_334 : memref<8x25088xf32, #tpu.memory_space<vmem_shared>>)
        } else {
        }
      } else {
      }
      %barrier3A_297 = arith.constant 0 : index
      tpu.barrier barrier_id(%barrier3A_297)
    }
    %scan3A_127 = arith.constant 26 : i32
    %mul3A_128 = arith.constant 16 : i32
    %mul3A_129 = arith.muli %arg0, %mul3A_128 : i32
    %add3A_130 = arith.constant 0 : i32
    %add3A_131 = arith.addi %mul3A_129, %add3A_130 : i32
    %add3A_132 = arith.addi %add3A_131, %select_n3A_7 : i32
    %mul3A_133 = arith.constant 16384 : i32
    %mul3A_134 = arith.muli %add3A_132, %mul3A_133 : i32
    %mul3A_135 = arith.constant 8192 : i32
    %mul3A_136 = arith.muli %select_n3A_28, %mul3A_135 : i32
    %add3A_137 = arith.addi %mul3A_134, %mul3A_136 : i32
    "tpu.region"() ({
      %run_scoped3A = tpu.sem_alloc : memref<!tpu.dma_semaphore, #tpu.memory_space<semaphore_mem>>
      %dma_start3A_253 = tpu.memref_slice %arg5[%add3A_137] : memref<524288xf32, #tpu.memory_space<hbm>> -> memref<8192xf32, #tpu.memory_space<hbm>>
      %dma_start3A_254 = tpu.memref_slice %arg5[%add3A_137] : memref<524288xf32, #tpu.memory_space<hbm>> -> memref<8192xf32, #tpu.memory_space<hbm>>
      tpu.enqueue_dma source(%arg9 : memref<8192xf32, #tpu.memory_space<vmem>>) target(%dma_start3A_254 : memref<8192xf32, #tpu.memory_space<hbm>>) target_semaphore(%run_scoped3A : memref<!tpu.dma_semaphore, #tpu.memory_space<semaphore_mem>>)
      %dma_wait3A_255 = tpu.memref_slice %arg5[%add3A_137] : memref<524288xf32, #tpu.memory_space<hbm>> -> memref<8192xf32, #tpu.memory_space<hbm>>
      %dma_wait3A_256 = tpu.memref_slice %arg5[%add3A_137] : memref<524288xf32, #tpu.memory_space<hbm>> -> memref<8192xf32, #tpu.memory_space<hbm>>
      tpu.wait_dma2 semaphore(%run_scoped3A : memref<!tpu.dma_semaphore, #tpu.memory_space<semaphore_mem>>) src(%arg9 : memref<8192xf32, #tpu.memory_space<vmem>>) dst(%dma_wait3A_256 : memref<8192xf32, #tpu.memory_space<hbm>>)
      tpu.yield
    }) : () -> ()
    %mul3A_138 = arith.constant 16 : i32
    %mul3A_139 = arith.muli %arg0, %mul3A_138 : i32
    %add3A_140 = arith.constant 8 : i32
    %add3A_141 = arith.addi %mul3A_139, %add3A_140 : i32
    %multiple_of3A_142 = tpu.assume_multiple %add3A_141, 8 : i32
    %eq3A_143 = arith.constant 0 : i32
    %eq3A_144 = arith.cmpi eq, %arg1, %eq3A_143 : i32
    %convert_element_type3A_145 = arith.extui %eq3A_144 : i1 to i32
    %cond3A_146 = arith.constant 0 : i32
    %cond3A_147 = arith.cmpi ne, %convert_element_type3A_145, %cond3A_146 : i32
    scf.if %cond3A_147 {
      %dma_start3A_253 = arith.constant 0 : i32
      %dma_start3A_254 = arith.constant 0 : i32
      %dma_start3A_255 = arith.constant 0 : i32
      %dma_start3A_256 = tpu.memref_slice %arg10[%dma_start3A_254, %dma_start3A_255] : memref<8x49920xf32, #tpu.memory_space<vmem_shared>> -> memref<8x24960xf32, #tpu.memory_space<vmem_shared>>
      %dma_start3A_257 = arith.constant 0 : i32
      %dma_start3A_258 = tpu.memref_slice %arg2[%dma_start3A_253, %multiple_of3A_142, %dma_start3A_257] : memref<26x32x100001xf32, #tpu.memory_space<hbm>> -> memref<1x8x24960xf32, #tpu.memory_space<hbm>>
      %dma_start3A_259 = tpu.memref_squeeze %dma_start3A_258 : memref<1x8x24960xf32, #tpu.memory_space<hbm>> -> memref<8x24960xf32, #tpu.memory_space<hbm>>
      tpu.enqueue_dma source(%dma_start3A_259 : memref<8x24960xf32, #tpu.memory_space<hbm>>) target(%dma_start3A_256 : memref<8x24960xf32, #tpu.memory_space<vmem_shared>>) target_semaphore(%arg12 : memref<!tpu.dma_semaphore, #tpu.memory_space<semaphore_mem>>)
      %dma_wait3A_260 = arith.constant 0 : i32
      %dma_wait3A_261 = arith.constant 0 : i32
      %dma_wait3A_262 = arith.constant 0 : i32
      %dma_wait3A_263 = tpu.memref_slice %arg10[%dma_wait3A_261, %dma_wait3A_262] : memref<8x49920xf32, #tpu.memory_space<vmem_shared>> -> memref<8x24960xf32, #tpu.memory_space<vmem_shared>>
      %dma_wait3A_264 = arith.constant 0 : i32
      %dma_wait3A_265 = tpu.memref_slice %arg2[%dma_wait3A_260, %multiple_of3A_142, %dma_wait3A_264] : memref<26x32x100001xf32, #tpu.memory_space<hbm>> -> memref<1x8x24960xf32, #tpu.memory_space<hbm>>
      %dma_wait3A_266 = tpu.memref_squeeze %dma_wait3A_265 : memref<1x8x24960xf32, #tpu.memory_space<hbm>> -> memref<8x24960xf32, #tpu.memory_space<hbm>>
      tpu.wait_dma2 semaphore(%arg12 : memref<!tpu.dma_semaphore, #tpu.memory_space<semaphore_mem>>) src(%dma_wait3A_266 : memref<8x24960xf32, #tpu.memory_space<hbm>>) dst(%dma_wait3A_263 : memref<8x24960xf32, #tpu.memory_space<vmem_shared>>)
    } else {
    }
    %eq3A_148 = arith.constant 4 : i32
    %eq3A_149 = arith.cmpi eq, %arg1, %eq3A_148 : i32
    %convert_element_type3A_150 = arith.extui %eq3A_149 : i1 to i32
    %cond3A_151 = arith.constant 0 : i32
    %cond3A_152 = arith.cmpi ne, %convert_element_type3A_150, %cond3A_151 : i32
    scf.if %cond3A_152 {
      %dma_start3A_253 = arith.constant 0 : i32
      %dma_start3A_254 = arith.constant 0 : i32
      %dma_start3A_255 = arith.constant 24960 : i32
      %dma_start3A_256 = tpu.memref_slice %arg10[%dma_start3A_254, %dma_start3A_255] : memref<8x49920xf32, #tpu.memory_space<vmem_shared>> -> memref<8x24960xf32, #tpu.memory_space<vmem_shared>>
      %dma_start3A_257 = arith.constant 24960 : i32
      %dma_start3A_258 = tpu.memref_slice %arg2[%dma_start3A_253, %multiple_of3A_142, %dma_start3A_257] : memref<26x32x100001xf32, #tpu.memory_space<hbm>> -> memref<1x8x24960xf32, #tpu.memory_space<hbm>>
      %dma_start3A_259 = tpu.memref_squeeze %dma_start3A_258 : memref<1x8x24960xf32, #tpu.memory_space<hbm>> -> memref<8x24960xf32, #tpu.memory_space<hbm>>
      tpu.enqueue_dma source(%dma_start3A_259 : memref<8x24960xf32, #tpu.memory_space<hbm>>) target(%dma_start3A_256 : memref<8x24960xf32, #tpu.memory_space<vmem_shared>>) target_semaphore(%arg12 : memref<!tpu.dma_semaphore, #tpu.memory_space<semaphore_mem>>)
      %dma_wait3A_260 = arith.constant 0 : i32
      %dma_wait3A_261 = arith.constant 0 : i32
      %dma_wait3A_262 = arith.constant 24960 : i32
      %dma_wait3A_263 = tpu.memref_slice %arg10[%dma_wait3A_261, %dma_wait3A_262] : memref<8x49920xf32, #tpu.memory_space<vmem_shared>> -> memref<8x24960xf32, #tpu.memory_space<vmem_shared>>
      %dma_wait3A_264 = arith.constant 24960 : i32
      %dma_wait3A_265 = tpu.memref_slice %arg2[%dma_wait3A_260, %multiple_of3A_142, %dma_wait3A_264] : memref<26x32x100001xf32, #tpu.memory_space<hbm>> -> memref<1x8x24960xf32, #tpu.memory_space<hbm>>
      %dma_wait3A_266 = tpu.memref_squeeze %dma_wait3A_265 : memref<1x8x24960xf32, #tpu.memory_space<hbm>> -> memref<8x24960xf32, #tpu.memory_space<hbm>>
      tpu.wait_dma2 semaphore(%arg12 : memref<!tpu.dma_semaphore, #tpu.memory_space<semaphore_mem>>) src(%dma_wait3A_266 : memref<8x24960xf32, #tpu.memory_space<hbm>>) dst(%dma_wait3A_263 : memref<8x24960xf32, #tpu.memory_space<vmem_shared>>)
    } else {
    }
    %mul3A_153 = arith.constant 16 : i32
    %mul3A_154 = arith.muli %arg0, %mul3A_153 : i32
    %add3A_155 = arith.constant 8 : i32
    %add3A_156 = arith.addi %mul3A_154, %add3A_155 : i32
    %multiple_of3A_157 = tpu.assume_multiple %add3A_156, 8 : i32
    %eq3A_158 = arith.constant 8 : i32
    %eq3A_159 = arith.cmpi eq, %arg1, %eq3A_158 : i32
    %convert_element_type3A_160 = arith.extui %eq3A_159 : i1 to i32
    %cond3A_161 = arith.constant 0 : i32
    %cond3A_162 = arith.cmpi ne, %convert_element_type3A_160, %cond3A_161 : i32
    scf.if %cond3A_162 {
      %dma_start3A_253 = arith.constant 0 : i32
      %dma_start3A_254 = arith.constant 0 : i32
      %dma_start3A_255 = arith.constant 0 : i32
      %dma_start3A_256 = tpu.memref_slice %arg11[%dma_start3A_254, %dma_start3A_255] : memref<8x50048xf32, #tpu.memory_space<vmem_shared>> -> memref<8x24960xf32, #tpu.memory_space<vmem_shared>>
      %dma_start3A_257 = arith.constant 49920 : i32
      %dma_start3A_258 = tpu.memref_slice %arg2[%dma_start3A_253, %multiple_of3A_157, %dma_start3A_257] : memref<26x32x100001xf32, #tpu.memory_space<hbm>> -> memref<1x8x24960xf32, #tpu.memory_space<hbm>>
      %dma_start3A_259 = tpu.memref_squeeze %dma_start3A_258 : memref<1x8x24960xf32, #tpu.memory_space<hbm>> -> memref<8x24960xf32, #tpu.memory_space<hbm>>
      tpu.enqueue_dma source(%dma_start3A_259 : memref<8x24960xf32, #tpu.memory_space<hbm>>) target(%dma_start3A_256 : memref<8x24960xf32, #tpu.memory_space<vmem_shared>>) target_semaphore(%arg12 : memref<!tpu.dma_semaphore, #tpu.memory_space<semaphore_mem>>)
      %dma_wait3A_260 = arith.constant 0 : i32
      %dma_wait3A_261 = arith.constant 0 : i32
      %dma_wait3A_262 = arith.constant 0 : i32
      %dma_wait3A_263 = tpu.memref_slice %arg11[%dma_wait3A_261, %dma_wait3A_262] : memref<8x50048xf32, #tpu.memory_space<vmem_shared>> -> memref<8x24960xf32, #tpu.memory_space<vmem_shared>>
      %dma_wait3A_264 = arith.constant 49920 : i32
      %dma_wait3A_265 = tpu.memref_slice %arg2[%dma_wait3A_260, %multiple_of3A_157, %dma_wait3A_264] : memref<26x32x100001xf32, #tpu.memory_space<hbm>> -> memref<1x8x24960xf32, #tpu.memory_space<hbm>>
      %dma_wait3A_266 = tpu.memref_squeeze %dma_wait3A_265 : memref<1x8x24960xf32, #tpu.memory_space<hbm>> -> memref<8x24960xf32, #tpu.memory_space<hbm>>
      tpu.wait_dma2 semaphore(%arg12 : memref<!tpu.dma_semaphore, #tpu.memory_space<semaphore_mem>>) src(%dma_wait3A_266 : memref<8x24960xf32, #tpu.memory_space<hbm>>) dst(%dma_wait3A_263 : memref<8x24960xf32, #tpu.memory_space<vmem_shared>>)
    } else {
    }
    %eq3A_163 = arith.constant 12 : i32
    %eq3A_164 = arith.cmpi eq, %arg1, %eq3A_163 : i32
    %convert_element_type3A_165 = arith.extui %eq3A_164 : i1 to i32
    %cond3A_166 = arith.constant 0 : i32
    %cond3A_167 = arith.cmpi ne, %convert_element_type3A_165, %cond3A_166 : i32
    scf.if %cond3A_167 {
      %dma_start3A_253 = arith.constant 0 : i32
      %dma_start3A_254 = arith.constant 0 : i32
      %dma_start3A_255 = arith.constant 24960 : i32
      %dma_start3A_256 = tpu.memref_slice %arg11[%dma_start3A_254, %dma_start3A_255] : memref<8x50048xf32, #tpu.memory_space<vmem_shared>> -> memref<8x25088xf32, #tpu.memory_space<vmem_shared>>
      %dma_start3A_257 = arith.constant 74880 : i32
      %dma_start3A_258 = tpu.memref_slice %arg2[%dma_start3A_253, %multiple_of3A_157, %dma_start3A_257] : memref<26x32x100001xf32, #tpu.memory_space<hbm>> -> memref<1x8x25088xf32, #tpu.memory_space<hbm>>
      %dma_start3A_259 = tpu.memref_squeeze %dma_start3A_258 : memref<1x8x25088xf32, #tpu.memory_space<hbm>> -> memref<8x25088xf32, #tpu.memory_space<hbm>>
      tpu.enqueue_dma source(%dma_start3A_259 : memref<8x25088xf32, #tpu.memory_space<hbm>>) target(%dma_start3A_256 : memref<8x25088xf32, #tpu.memory_space<vmem_shared>>) target_semaphore(%arg12 : memref<!tpu.dma_semaphore, #tpu.memory_space<semaphore_mem>>)
      %dma_wait3A_260 = arith.constant 0 : i32
      %dma_wait3A_261 = arith.constant 0 : i32
      %dma_wait3A_262 = arith.constant 24960 : i32
      %dma_wait3A_263 = tpu.memref_slice %arg11[%dma_wait3A_261, %dma_wait3A_262] : memref<8x50048xf32, #tpu.memory_space<vmem_shared>> -> memref<8x25088xf32, #tpu.memory_space<vmem_shared>>
      %dma_wait3A_264 = arith.constant 74880 : i32
      %dma_wait3A_265 = tpu.memref_slice %arg2[%dma_wait3A_260, %multiple_of3A_157, %dma_wait3A_264] : memref<26x32x100001xf32, #tpu.memory_space<hbm>> -> memref<1x8x25088xf32, #tpu.memory_space<hbm>>
      %dma_wait3A_266 = tpu.memref_squeeze %dma_wait3A_265 : memref<1x8x25088xf32, #tpu.memory_space<hbm>> -> memref<8x25088xf32, #tpu.memory_space<hbm>>
      tpu.wait_dma2 semaphore(%arg12 : memref<!tpu.dma_semaphore, #tpu.memory_space<semaphore_mem>>) src(%dma_wait3A_266 : memref<8x25088xf32, #tpu.memory_space<hbm>>) dst(%dma_wait3A_263 : memref<8x25088xf32, #tpu.memory_space<vmem_shared>>)
    } else {
    }
    %barrier3A_168 = arith.constant 0 : index
    tpu.barrier barrier_id(%barrier3A_168)
    %parallel_loop3A_169 = arith.constant 0 : i32
    %parallel_loop3A_170 = arith.constant 8192 : i32
    %parallel_loop3A_171 = arith.constant 16 : i32
    scf.for %parallel_loop3A_253 = %parallel_loop3A_169 to %parallel_loop3A_170 step %parallel_loop3A_171  : i32 {
      %parallel_loop3A_254 = arith.constant 0.000000e+00 : f32
      %parallel_loop3A_255 = vector.broadcast %parallel_loop3A_254 : f32 to vector<16xf32>
      %parallel_loop3A_256 = arith.index_cast %parallel_loop3A_253 : i32 to index
      %parallel_loop3A_257 = tpu.vector_load %arg9[%parallel_loop3A_256] {strides = array<i32>} : memref<8192xf32, #tpu.memory_space<vmem>>, vector<16xf32>,
      tpu.vector_store %arg9[%parallel_loop3A_256], %parallel_loop3A_255 {strides = array<i32>} : memref<8192xf32, #tpu.memory_space<vmem>>, vector<16xf32>,
    } {sc.loop_unroll_factor = 16 : i64, sc.parallel_access}
    %mul3A_172 = arith.constant 16 : i32
    %mul3A_173 = arith.muli %arg0, %mul3A_172 : i32
    %add3A_174 = arith.constant 8 : i32
    %add3A_175 = arith.addi %mul3A_173, %add3A_174 : i32
    %multiple_of3A_176 = tpu.assume_multiple %add3A_175, 8 : i32
    %mul3A_177 = arith.constant 8192 : i32
    %mul3A_178 = arith.muli %select_n3A_28, %mul3A_177 : i32
    %add3A_179 = arith.constant 0 : i32
    %add3A_180 = arith.addi %add3A_179, %mul3A_178 : i32
    %multiple_of3A_181 = tpu.assume_multiple %add3A_180, 8 : i32
    %dma_start3A_182 = arith.constant 0 : i32
    %dma_start3A_183 = arith.constant 0 : i32
    %dma_start3A_184 = tpu.memref_slice %arg8[%dma_start3A_182, %dma_start3A_183] : memref<2x8192xi32, #tpu.memory_space<vmem>> -> memref<1x8192xi32, #tpu.memory_space<vmem>>
    %dma_start3A_185 = tpu.memref_squeeze %dma_start3A_184 : memref<1x8192xi32, #tpu.memory_space<vmem>> -> memref<8192xi32, #tpu.memory_space<vmem>>
    %dma_start3A_186 = tpu.memref_slice %arg4[%multiple_of3A_181] : memref<425984xi32, #tpu.memory_space<hbm>> -> memref<8192xi32, #tpu.memory_space<hbm>>
    %dma_start3A_187 = arith.constant 0 : i32
    %dma_start3A_188 = tpu.memref_slice %arg8[%dma_start3A_182, %dma_start3A_187] : memref<2x8192xi32, #tpu.memory_space<vmem>> -> memref<1x8192xi32, #tpu.memory_space<vmem>>
    %dma_start3A_189 = tpu.memref_squeeze %dma_start3A_188 : memref<1x8192xi32, #tpu.memory_space<vmem>> -> memref<8192xi32, #tpu.memory_space<vmem>>
    %dma_start3A_190 = tpu.memref_slice %arg4[%multiple_of3A_181] : memref<425984xi32, #tpu.memory_space<hbm>> -> memref<8192xi32, #tpu.memory_space<hbm>>
    tpu.enqueue_dma source(%dma_start3A_190 : memref<8192xi32, #tpu.memory_space<hbm>>) target(%dma_start3A_189 : memref<8192xi32, #tpu.memory_space<vmem>>) target_semaphore(%arg13 : memref<!tpu.dma_semaphore, #tpu.memory_space<semaphore_mem>>)
    %dma_start3A_191 = arith.constant 0 : i32
    %dma_start3A_192 = arith.constant 0 : i32
    %dma_start3A_193 = arith.constant 0 : i32
    %dma_start3A_194 = arith.constant 0 : i32
    %dma_start3A_195 = tpu.memref_slice %arg7[%dma_start3A_192, %dma_start3A_193, %dma_start3A_194] : memref<2x8x33xf32, #tpu.memory_space<vmem>> -> memref<1x8x33xf32, #tpu.memory_space<vmem>>
    %dma_start3A_196 = tpu.memref_squeeze %dma_start3A_195 : memref<1x8x33xf32, #tpu.memory_space<vmem>> -> memref<8x33xf32, #tpu.memory_space<vmem>>
    %dma_start3A_197 = arith.constant 0 : i32
    %dma_start3A_198 = tpu.memref_slice %arg3[%dma_start3A_191, %multiple_of3A_176, %dma_start3A_197] : memref<26x32x33xf32, #tpu.memory_space<hbm>> -> memref<1x8x33xf32, #tpu.memory_space<hbm>>
    %dma_start3A_199 = tpu.memref_squeeze %dma_start3A_198 : memref<1x8x33xf32, #tpu.memory_space<hbm>> -> memref<8x33xf32, #tpu.memory_space<hbm>>
    %dma_start3A_200 = arith.constant 0 : i32
    %dma_start3A_201 = arith.constant 0 : i32
    %dma_start3A_202 = tpu.memref_slice %arg7[%dma_start3A_192, %dma_start3A_200, %dma_start3A_201] : memref<2x8x33xf32, #tpu.memory_space<vmem>> -> memref<1x8x33xf32, #tpu.memory_space<vmem>>
    %dma_start3A_203 = tpu.memref_squeeze %dma_start3A_202 : memref<1x8x33xf32, #tpu.memory_space<vmem>> -> memref<8x33xf32, #tpu.memory_space<vmem>>
    %dma_start3A_204 = arith.constant 0 : i32
    %dma_start3A_205 = tpu.memref_slice %arg3[%dma_start3A_191, %multiple_of3A_176, %dma_start3A_204] : memref<26x32x33xf32, #tpu.memory_space<hbm>> -> memref<1x8x33xf32, #tpu.memory_space<hbm>>
    %dma_start3A_206 = tpu.memref_squeeze %dma_start3A_205 : memref<1x8x33xf32, #tpu.memory_space<hbm>> -> memref<8x33xf32, #tpu.memory_space<hbm>>
    tpu.enqueue_dma source(%dma_start3A_206 : memref<8x33xf32, #tpu.memory_space<hbm>>) target(%dma_start3A_203 : memref<8x33xf32, #tpu.memory_space<vmem>>) target_semaphore(%arg13 : memref<!tpu.dma_semaphore, #tpu.memory_space<semaphore_mem>>)
    %mul3A_207 = arith.constant 8192 : i32
    %mul3A_208 = arith.muli %select_n3A_28, %mul3A_207 : i32
    %add3A_209 = arith.constant 0 : i32
    %add3A_210 = arith.addi %add3A_209, %mul3A_208 : i32
    %multiple_of3A_211 = tpu.assume_multiple %add3A_210, 8 : i32
    %dma_wait3A_212 = arith.constant 0 : i32
    %dma_wait3A_213 = arith.constant 0 : i32
    %dma_wait3A_214 = tpu.memref_slice %arg8[%dma_wait3A_212, %dma_wait3A_213] : memref<2x8192xi32, #tpu.memory_space<vmem>> -> memref<1x8192xi32, #tpu.memory_space<vmem>>
    %dma_wait3A_215 = tpu.memref_squeeze %dma_wait3A_214 : memref<1x8192xi32, #tpu.memory_space<vmem>> -> memref<8192xi32, #tpu.memory_space<vmem>>
    %dma_wait3A_216 = tpu.memref_slice %arg4[%multiple_of3A_211] : memref<425984xi32, #tpu.memory_space<hbm>> -> memref<8192xi32, #tpu.memory_space<hbm>>
    %dma_wait3A_217 = arith.constant 0 : i32
    %dma_wait3A_218 = tpu.memref_slice %arg8[%dma_wait3A_212, %dma_wait3A_217] : memref<2x8192xi32, #tpu.memory_space<vmem>> -> memref<1x8192xi32, #tpu.memory_space<vmem>>
    %dma_wait3A_219 = tpu.memref_squeeze %dma_wait3A_218 : memref<1x8192xi32, #tpu.memory_space<vmem>> -> memref<8192xi32, #tpu.memory_space<vmem>>
    %dma_wait3A_220 = tpu.memref_slice %arg4[%multiple_of3A_211] : memref<425984xi32, #tpu.memory_space<hbm>> -> memref<8192xi32, #tpu.memory_space<hbm>>
    tpu.wait_dma2 semaphore(%arg13 : memref<!tpu.dma_semaphore, #tpu.memory_space<semaphore_mem>>) src(%dma_wait3A_220 : memref<8192xi32, #tpu.memory_space<hbm>>) dst(%dma_wait3A_219 : memref<8192xi32, #tpu.memory_space<vmem>>)
    %dma_wait3A_221 = arith.constant 0 : i32
    %dma_wait3A_222 = arith.constant 0 : i32
    %dma_wait3A_223 = arith.constant 0 : i32
    %dma_wait3A_224 = arith.constant 0 : i32
    %dma_wait3A_225 = tpu.memref_slice %arg7[%dma_wait3A_222, %dma_wait3A_223, %dma_wait3A_224] : memref<2x8x33xf32, #tpu.memory_space<vmem>> -> memref<1x8x33xf32, #tpu.memory_space<vmem>>
    %dma_wait3A_226 = tpu.memref_squeeze %dma_wait3A_225 : memref<1x8x33xf32, #tpu.memory_space<vmem>> -> memref<8x33xf32, #tpu.memory_space<vmem>>
    %dma_wait3A_227 = arith.constant 0 : i32
    %dma_wait3A_228 = tpu.memref_slice %arg3[%dma_wait3A_221, %multiple_of3A_176, %dma_wait3A_227] : memref<26x32x33xf32, #tpu.memory_space<hbm>> -> memref<1x8x33xf32, #tpu.memory_space<hbm>>
    %dma_wait3A_229 = tpu.memref_squeeze %dma_wait3A_228 : memref<1x8x33xf32, #tpu.memory_space<hbm>> -> memref<8x33xf32, #tpu.memory_space<hbm>>
    %dma_wait3A_230 = arith.constant 0 : i32
    %dma_wait3A_231 = arith.constant 0 : i32
    %dma_wait3A_232 = tpu.memref_slice %arg7[%dma_wait3A_222, %dma_wait3A_230, %dma_wait3A_231] : memref<2x8x33xf32, #tpu.memory_space<vmem>> -> memref<1x8x33xf32, #tpu.memory_space<vmem>>
    %dma_wait3A_233 = tpu.memref_squeeze %dma_wait3A_232 : memref<1x8x33xf32, #tpu.memory_space<vmem>> -> memref<8x33xf32, #tpu.memory_space<vmem>>
    %dma_wait3A_234 = arith.constant 0 : i32
    %dma_wait3A_235 = tpu.memref_slice %arg3[%dma_wait3A_221, %multiple_of3A_176, %dma_wait3A_234] : memref<26x32x33xf32, #tpu.memory_space<hbm>> -> memref<1x8x33xf32, #tpu.memory_space<hbm>>
    %dma_wait3A_236 = tpu.memref_squeeze %dma_wait3A_235 : memref<1x8x33xf32, #tpu.memory_space<hbm>> -> memref<8x33xf32, #tpu.memory_space<hbm>>
    tpu.wait_dma2 semaphore(%arg13 : memref<!tpu.dma_semaphore, #tpu.memory_space<semaphore_mem>>) src(%dma_wait3A_236 : memref<8x33xf32, #tpu.memory_space<hbm>>) dst(%dma_wait3A_233 : memref<8x33xf32, #tpu.memory_space<vmem>>)
    %scan3A_237 = arith.constant 0 : i32
    %scan3A_238 = arith.constant 0 : i32
    %scan3A_239 = arith.constant 26 : i32
    %scan3A_240 = arith.addi %scan3A_238, %scan3A_239 : i32
    %scan3A_241 = arith.constant 1 : i32
    scf.for %scan3A_253 = %scan3A_238 to %scan3A_240 step %scan3A_241  : i32 {
      %mul3A_254 = arith.constant 16 : i32
      %mul3A_255 = arith.muli %arg0, %mul3A_254 : i32
      %add3A_256 = arith.constant 8 : i32
      %add3A_257 = arith.addi %mul3A_255, %add3A_256 : i32
      %multiple_of3A_258 = tpu.assume_multiple %add3A_257, 8 : i32
      %rem3A_259 = arith.constant 2 : i32
      %rem3A_260 = arith.remsi %scan3A_253, %rem3A_259 : i32
      %broadcast_in_dim3A_261 = arith.constant 0 : i32
      %broadcast_in_dim3A_262 = vector.broadcast %broadcast_in_dim3A_261 : i32 to vector<16xi32>
      %add3A_263 = vector.broadcast %rem3A_260 : i32 to vector<16xi32>
      %add3A_264 = arith.addi %broadcast_in_dim3A_262, %add3A_263 : vector<16xi32>
      %gt3A = arith.constant 0 : i32
      %gt3A_265 = arith.cmpi sgt, %scan3A_253, %gt3A : i32
      %convert_element_type3A_266 = arith.extui %gt3A_265 : i1 to i32
      %cond3A_267 = arith.constant 0 : i32
      %cond3A_268 = arith.cmpi ne, %convert_element_type3A_266, %cond3A_267 : i32
      scf.if %cond3A_268 {
        %mul3A_298 = arith.constant 16384 : i32
        %mul3A_299 = arith.muli %scan3A_253, %mul3A_298 : i32
        %mul3A_300 = arith.constant 8192 : i32
        %mul3A_301 = arith.muli %select_n3A_28, %mul3A_300 : i32
        %add3A_302 = arith.addi %mul3A_299, %mul3A_301 : i32
        %multiple_of3A_303 = tpu.assume_multiple %add3A_302, 8 : i32
        %dma_wait3A_304 = arith.constant 0 : i32
        %dma_wait3A_305 = tpu.memref_slice %arg8[%rem3A_260, %dma_wait3A_304] : memref<2x8192xi32, #tpu.memory_space<vmem>> -> memref<1x8192xi32, #tpu.memory_space<vmem>>
        %dma_wait3A_306 = tpu.memref_squeeze %dma_wait3A_305 : memref<1x8192xi32, #tpu.memory_space<vmem>> -> memref<8192xi32, #tpu.memory_space<vmem>>
        %dma_wait3A_307 = tpu.memref_slice %arg4[%multiple_of3A_303] : memref<425984xi32, #tpu.memory_space<hbm>> -> memref<8192xi32, #tpu.memory_space<hbm>>
        %dma_wait3A_308 = arith.constant 0 : i32
        %dma_wait3A_309 = tpu.memref_slice %arg8[%rem3A_260, %dma_wait3A_308] : memref<2x8192xi32, #tpu.memory_space<vmem>> -> memref<1x8192xi32, #tpu.memory_space<vmem>>
        %dma_wait3A_310 = tpu.memref_squeeze %dma_wait3A_309 : memref<1x8192xi32, #tpu.memory_space<vmem>> -> memref<8192xi32, #tpu.memory_space<vmem>>
        %dma_wait3A_311 = tpu.memref_slice %arg4[%multiple_of3A_303] : memref<425984xi32, #tpu.memory_space<hbm>> -> memref<8192xi32, #tpu.memory_space<hbm>>
        tpu.wait_dma2 semaphore(%arg13 : memref<!tpu.dma_semaphore, #tpu.memory_space<semaphore_mem>>) src(%dma_wait3A_311 : memref<8192xi32, #tpu.memory_space<hbm>>) dst(%dma_wait3A_310 : memref<8192xi32, #tpu.memory_space<vmem>>)
        %dma_wait3A_312 = arith.constant 0 : i32
        %dma_wait3A_313 = arith.constant 0 : i32
        %dma_wait3A_314 = tpu.memref_slice %arg7[%rem3A_260, %dma_wait3A_312, %dma_wait3A_313] : memref<2x8x33xf32, #tpu.memory_space<vmem>> -> memref<1x8x33xf32, #tpu.memory_space<vmem>>
        %dma_wait3A_315 = tpu.memref_squeeze %dma_wait3A_314 : memref<1x8x33xf32, #tpu.memory_space<vmem>> -> memref<8x33xf32, #tpu.memory_space<vmem>>
        %dma_wait3A_316 = arith.constant 0 : i32
        %dma_wait3A_317 = tpu.memref_slice %arg3[%scan3A_253, %multiple_of3A_258, %dma_wait3A_316] : memref<26x32x33xf32, #tpu.memory_space<hbm>> -> memref<1x8x33xf32, #tpu.memory_space<hbm>>
        %dma_wait3A_318 = tpu.memref_squeeze %dma_wait3A_317 : memref<1x8x33xf32, #tpu.memory_space<hbm>> -> memref<8x33xf32, #tpu.memory_space<hbm>>
        %dma_wait3A_319 = arith.constant 0 : i32
        %dma_wait3A_320 = arith.constant 0 : i32
        %dma_wait3A_321 = tpu.memref_slice %arg7[%rem3A_260, %dma_wait3A_319, %dma_wait3A_320] : memref<2x8x33xf32, #tpu.memory_space<vmem>> -> memref<1x8x33xf32, #tpu.memory_space<vmem>>
        %dma_wait3A_322 = tpu.memref_squeeze %dma_wait3A_321 : memref<1x8x33xf32, #tpu.memory_space<vmem>> -> memref<8x33xf32, #tpu.memory_space<vmem>>
        %dma_wait3A_323 = arith.constant 0 : i32
        %dma_wait3A_324 = tpu.memref_slice %arg3[%scan3A_253, %multiple_of3A_258, %dma_wait3A_323] : memref<26x32x33xf32, #tpu.memory_space<hbm>> -> memref<1x8x33xf32, #tpu.memory_space<hbm>>
        %dma_wait3A_325 = tpu.memref_squeeze %dma_wait3A_324 : memref<1x8x33xf32, #tpu.memory_space<hbm>> -> memref<8x33xf32, #tpu.memory_space<hbm>>
        tpu.wait_dma2 semaphore(%arg13 : memref<!tpu.dma_semaphore, #tpu.memory_space<semaphore_mem>>) src(%dma_wait3A_325 : memref<8x33xf32, #tpu.memory_space<hbm>>) dst(%dma_wait3A_322 : memref<8x33xf32, #tpu.memory_space<vmem>>)
      } else {
      }
      %lt3A_269 = arith.constant 25 : i32
      %lt3A_270 = arith.cmpi slt, %scan3A_253, %lt3A_269 : i32
      %convert_element_type3A_271 = arith.extui %lt3A_270 : i1 to i32
      %cond3A_272 = arith.constant 0 : i32
      %cond3A_273 = arith.cmpi ne, %convert_element_type3A_271, %cond3A_272 : i32
      scf.if %cond3A_273 {
        %add3A_298 = arith.constant 1 : i32
        %add3A_299 = arith.addi %scan3A_253, %add3A_298 : i32
        %sub3A_300 = arith.constant 1 : i32
        %sub3A_301 = arith.subi %sub3A_300, %rem3A_260 : i32
        %mul3A_302 = arith.constant 16384 : i32
        %mul3A_303 = arith.muli %add3A_299, %mul3A_302 : i32
        %mul3A_304 = arith.constant 8192 : i32
        %mul3A_305 = arith.muli %select_n3A_28, %mul3A_304 : i32
        %add3A_306 = arith.addi %mul3A_303, %mul3A_305 : i32
        %multiple_of3A_307 = tpu.assume_multiple %add3A_306, 8 : i32
        %dma_start3A_308 = arith.constant 0 : i32
        %dma_start3A_309 = tpu.memref_slice %arg8[%sub3A_301, %dma_start3A_308] : memref<2x8192xi32, #tpu.memory_space<vmem>> -> memref<1x8192xi32, #tpu.memory_space<vmem>>
        %dma_start3A_310 = tpu.memref_squeeze %dma_start3A_309 : memref<1x8192xi32, #tpu.memory_space<vmem>> -> memref<8192xi32, #tpu.memory_space<vmem>>
        %dma_start3A_311 = tpu.memref_slice %arg4[%multiple_of3A_307] : memref<425984xi32, #tpu.memory_space<hbm>> -> memref<8192xi32, #tpu.memory_space<hbm>>
        %dma_start3A_312 = arith.constant 0 : i32
        %dma_start3A_313 = tpu.memref_slice %arg8[%sub3A_301, %dma_start3A_312] : memref<2x8192xi32, #tpu.memory_space<vmem>> -> memref<1x8192xi32, #tpu.memory_space<vmem>>
        %dma_start3A_314 = tpu.memref_squeeze %dma_start3A_313 : memref<1x8192xi32, #tpu.memory_space<vmem>> -> memref<8192xi32, #tpu.memory_space<vmem>>
        %dma_start3A_315 = tpu.memref_slice %arg4[%multiple_of3A_307] : memref<425984xi32, #tpu.memory_space<hbm>> -> memref<8192xi32, #tpu.memory_space<hbm>>
        tpu.enqueue_dma source(%dma_start3A_315 : memref<8192xi32, #tpu.memory_space<hbm>>) target(%dma_start3A_314 : memref<8192xi32, #tpu.memory_space<vmem>>) target_semaphore(%arg13 : memref<!tpu.dma_semaphore, #tpu.memory_space<semaphore_mem>>)
        %add3A_316 = arith.constant 1 : i32
        %add3A_317 = arith.addi %scan3A_253, %add3A_316 : i32
        %sub3A_318 = arith.constant 1 : i32
        %sub3A_319 = arith.subi %sub3A_318, %rem3A_260 : i32
        %dma_start3A_320 = arith.constant 0 : i32
        %dma_start3A_321 = arith.constant 0 : i32
        %dma_start3A_322 = tpu.memref_slice %arg7[%sub3A_319, %dma_start3A_320, %dma_start3A_321] : memref<2x8x33xf32, #tpu.memory_space<vmem>> -> memref<1x8x33xf32, #tpu.memory_space<vmem>>
        %dma_start3A_323 = tpu.memref_squeeze %dma_start3A_322 : memref<1x8x33xf32, #tpu.memory_space<vmem>> -> memref<8x33xf32, #tpu.memory_space<vmem>>
        %dma_start3A_324 = arith.constant 0 : i32
        %dma_start3A_325 = tpu.memref_slice %arg3[%add3A_317, %multiple_of3A_258, %dma_start3A_324] : memref<26x32x33xf32, #tpu.memory_space<hbm>> -> memref<1x8x33xf32, #tpu.memory_space<hbm>>
        %dma_start3A_326 = tpu.memref_squeeze %dma_start3A_325 : memref<1x8x33xf32, #tpu.memory_space<hbm>> -> memref<8x33xf32, #tpu.memory_space<hbm>>
        %dma_start3A_327 = arith.constant 0 : i32
        %dma_start3A_328 = arith.constant 0 : i32
        %dma_start3A_329 = tpu.memref_slice %arg7[%sub3A_319, %dma_start3A_327, %dma_start3A_328] : memref<2x8x33xf32, #tpu.memory_space<vmem>> -> memref<1x8x33xf32, #tpu.memory_space<vmem>>
        %dma_start3A_330 = tpu.memref_squeeze %dma_start3A_329 : memref<1x8x33xf32, #tpu.memory_space<vmem>> -> memref<8x33xf32, #tpu.memory_space<vmem>>
        %dma_start3A_331 = arith.constant 0 : i32
        %dma_start3A_332 = tpu.memref_slice %arg3[%add3A_317, %multiple_of3A_258, %dma_start3A_331] : memref<26x32x33xf32, #tpu.memory_space<hbm>> -> memref<1x8x33xf32, #tpu.memory_space<hbm>>
        %dma_start3A_333 = tpu.memref_squeeze %dma_start3A_332 : memref<1x8x33xf32, #tpu.memory_space<hbm>> -> memref<8x33xf32, #tpu.memory_space<hbm>>
        tpu.enqueue_dma source(%dma_start3A_333 : memref<8x33xf32, #tpu.memory_space<hbm>>) target(%dma_start3A_330 : memref<8x33xf32, #tpu.memory_space<vmem>>) target_semaphore(%arg13 : memref<!tpu.dma_semaphore, #tpu.memory_space<semaphore_mem>>)
      } else {
      }
      "tpu.region"() ({
        %run_scoped3A = tpu.sem_alloc : memref<!tpu.dma_semaphore, #tpu.memory_space<semaphore_mem>>
        %dma_start3A_298 = arith.constant 0 : i32
        %dma_start3A_299 = tpu.memref_slice %arg6[%dma_start3A_298] : memref<50048xf32, #tpu.memory_space<vmem>> -> memref<49920xf32, #tpu.memory_space<vmem>>
        %dma_start3A_300 = arith.constant 0 : i32
        %dma_start3A_301 = tpu.memref_slice %arg10[%select_n3A_7, %dma_start3A_300] : memref<8x49920xf32, #tpu.memory_space<vmem_shared>> -> memref<1x49920xf32, #tpu.memory_space<vmem_shared>>
        %dma_start3A_302 = tpu.memref_squeeze %dma_start3A_301 : memref<1x49920xf32, #tpu.memory_space<vmem_shared>> -> memref<49920xf32, #tpu.memory_space<vmem_shared>>
        %dma_start3A_303 = arith.constant 0 : i32
        %dma_start3A_304 = tpu.memref_slice %arg6[%dma_start3A_303] : memref<50048xf32, #tpu.memory_space<vmem>> -> memref<49920xf32, #tpu.memory_space<vmem>>
        %dma_start3A_305 = arith.constant 0 : i32
        %dma_start3A_306 = tpu.memref_slice %arg10[%select_n3A_7, %dma_start3A_305] : memref<8x49920xf32, #tpu.memory_space<vmem_shared>> -> memref<1x49920xf32, #tpu.memory_space<vmem_shared>>
        %dma_start3A_307 = tpu.memref_squeeze %dma_start3A_306 : memref<1x49920xf32, #tpu.memory_space<vmem_shared>> -> memref<49920xf32, #tpu.memory_space<vmem_shared>>
        tpu.enqueue_dma source(%dma_start3A_307 : memref<49920xf32, #tpu.memory_space<vmem_shared>>) target(%dma_start3A_304 : memref<49920xf32, #tpu.memory_space<vmem>>) target_semaphore(%run_scoped3A : memref<!tpu.dma_semaphore, #tpu.memory_space<semaphore_mem>>)
        %dma_wait3A_308 = arith.constant 0 : i32
        %dma_wait3A_309 = tpu.memref_slice %arg6[%dma_wait3A_308] : memref<50048xf32, #tpu.memory_space<vmem>> -> memref<49920xf32, #tpu.memory_space<vmem>>
        %dma_wait3A_310 = arith.constant 0 : i32
        %dma_wait3A_311 = tpu.memref_slice %arg10[%select_n3A_7, %dma_wait3A_310] : memref<8x49920xf32, #tpu.memory_space<vmem_shared>> -> memref<1x49920xf32, #tpu.memory_space<vmem_shared>>
        %dma_wait3A_312 = tpu.memref_squeeze %dma_wait3A_311 : memref<1x49920xf32, #tpu.memory_space<vmem_shared>> -> memref<49920xf32, #tpu.memory_space<vmem_shared>>
        %dma_wait3A_313 = arith.constant 0 : i32
        %dma_wait3A_314 = tpu.memref_slice %arg6[%dma_wait3A_313] : memref<50048xf32, #tpu.memory_space<vmem>> -> memref<49920xf32, #tpu.memory_space<vmem>>
        %dma_wait3A_315 = arith.constant 0 : i32
        %dma_wait3A_316 = tpu.memref_slice %arg10[%select_n3A_7, %dma_wait3A_315] : memref<8x49920xf32, #tpu.memory_space<vmem_shared>> -> memref<1x49920xf32, #tpu.memory_space<vmem_shared>>
        %dma_wait3A_317 = tpu.memref_squeeze %dma_wait3A_316 : memref<1x49920xf32, #tpu.memory_space<vmem_shared>> -> memref<49920xf32, #tpu.memory_space<vmem_shared>>
        tpu.wait_dma2 semaphore(%run_scoped3A : memref<!tpu.dma_semaphore, #tpu.memory_space<semaphore_mem>>) src(%dma_wait3A_317 : memref<49920xf32, #tpu.memory_space<vmem_shared>>) dst(%dma_wait3A_314 : memref<49920xf32, #tpu.memory_space<vmem>>)
        tpu.yield
      }) : () -> ()
      %barrier3A_274 = arith.constant 0 : index
      tpu.barrier barrier_id(%barrier3A_274)
      %lt3A_275 = arith.constant 25 : i32
      %lt3A_276 = arith.cmpi slt, %scan3A_253, %lt3A_275 : i32
      %convert_element_type3A_277 = arith.extui %lt3A_276 : i1 to i32
      %cond3A_278 = arith.constant 0 : i32
      %cond3A_279 = arith.cmpi ne, %convert_element_type3A_277, %cond3A_278 : i32
      scf.if %cond3A_279 {
        %add3A_298 = arith.constant 1 : i32
        %add3A_299 = arith.addi %scan3A_253, %add3A_298 : i32
        %mul3A_300 = arith.constant 16 : i32
        %mul3A_301 = arith.muli %arg0, %mul3A_300 : i32
        %add3A_302 = arith.constant 8 : i32
        %add3A_303 = arith.addi %mul3A_301, %add3A_302 : i32
        %multiple_of3A_304 = tpu.assume_multiple %add3A_303, 8 : i32
        %eq3A_305 = arith.constant 0 : i32
        %eq3A_306 = arith.cmpi eq, %arg1, %eq3A_305 : i32
        %convert_element_type3A_307 = arith.extui %eq3A_306 : i1 to i32
        %cond3A_308 = arith.constant 0 : i32
        %cond3A_309 = arith.cmpi ne, %convert_element_type3A_307, %cond3A_308 : i32
        scf.if %cond3A_309 {
          %dma_start3A_315 = arith.constant 0 : i32
          %dma_start3A_316 = arith.constant 0 : i32
          %dma_start3A_317 = tpu.memref_slice %arg10[%dma_start3A_315, %dma_start3A_316] : memref<8x49920xf32, #tpu.memory_space<vmem_shared>> -> memref<8x24960xf32, #tpu.memory_space<vmem_shared>>
          %dma_start3A_318 = arith.constant 0 : i32
          %dma_start3A_319 = tpu.memref_slice %arg2[%add3A_299, %multiple_of3A_304, %dma_start3A_318] : memref<26x32x100001xf32, #tpu.memory_space<hbm>> -> memref<1x8x24960xf32, #tpu.memory_space<hbm>>
          %dma_start3A_320 = tpu.memref_squeeze %dma_start3A_319 : memref<1x8x24960xf32, #tpu.memory_space<hbm>> -> memref<8x24960xf32, #tpu.memory_space<hbm>>
          tpu.enqueue_dma source(%dma_start3A_320 : memref<8x24960xf32, #tpu.memory_space<hbm>>) target(%dma_start3A_317 : memref<8x24960xf32, #tpu.memory_space<vmem_shared>>) target_semaphore(%arg12 : memref<!tpu.dma_semaphore, #tpu.memory_space<semaphore_mem>>)
        } else {
        }
        %eq3A_310 = arith.constant 4 : i32
        %eq3A_311 = arith.cmpi eq, %arg1, %eq3A_310 : i32
        %convert_element_type3A_312 = arith.extui %eq3A_311 : i1 to i32
        %cond3A_313 = arith.constant 0 : i32
        %cond3A_314 = arith.cmpi ne, %convert_element_type3A_312, %cond3A_313 : i32
        scf.if %cond3A_314 {
          %dma_start3A_315 = arith.constant 0 : i32
          %dma_start3A_316 = arith.constant 24960 : i32
          %dma_start3A_317 = tpu.memref_slice %arg10[%dma_start3A_315, %dma_start3A_316] : memref<8x49920xf32, #tpu.memory_space<vmem_shared>> -> memref<8x24960xf32, #tpu.memory_space<vmem_shared>>
          %dma_start3A_318 = arith.constant 24960 : i32
          %dma_start3A_319 = tpu.memref_slice %arg2[%add3A_299, %multiple_of3A_304, %dma_start3A_318] : memref<26x32x100001xf32, #tpu.memory_space<hbm>> -> memref<1x8x24960xf32, #tpu.memory_space<hbm>>
          %dma_start3A_320 = tpu.memref_squeeze %dma_start3A_319 : memref<1x8x24960xf32, #tpu.memory_space<hbm>> -> memref<8x24960xf32, #tpu.memory_space<hbm>>
          tpu.enqueue_dma source(%dma_start3A_320 : memref<8x24960xf32, #tpu.memory_space<hbm>>) target(%dma_start3A_317 : memref<8x24960xf32, #tpu.memory_space<vmem_shared>>) target_semaphore(%arg12 : memref<!tpu.dma_semaphore, #tpu.memory_space<semaphore_mem>>)
        } else {
        }
      } else {
      }
      %parallel_loop3A_280 = arith.constant 0 : i32
      %parallel_loop3A_281 = arith.constant 8192 : i32
      %parallel_loop3A_282 = arith.constant 16 : i32
      scf.for %parallel_loop3A_298 = %parallel_loop3A_280 to %parallel_loop3A_281 step %parallel_loop3A_282  : i32 {
        %parallel_loop3A_299 = arith.index_cast %rem3A_260 : i32 to index
        %parallel_loop3A_300 = arith.index_cast %parallel_loop3A_298 : i32 to index
        %parallel_loop3A_301 = tpu.vector_load %arg8[%parallel_loop3A_299, %parallel_loop3A_300] {strides = array<i32>} : memref<2x8192xi32, #tpu.memory_space<vmem>>, vector<16xi32>,
        %parallel_loop3A_302 = arith.constant 49920 : i32
        %parallel_loop3A_303 = vector.broadcast %parallel_loop3A_302 : i32 to vector<16xi32>
        %parallel_loop3A_304 = arith.cmpi slt, %parallel_loop3A_301, %parallel_loop3A_303 : vector<16xi32>
        %parallel_loop3A_305 = arith.constant 49919 : i32
        %parallel_loop3A_306 = vector.broadcast %parallel_loop3A_305 : i32 to vector<16xi32>
        %parallel_loop3A_307 = arith.minsi %parallel_loop3A_301, %parallel_loop3A_306 : vector<16xi32>
        %parallel_loop3A_308 = tpu.vector_load_idx %arg6[%parallel_loop3A_307] : memref<50048xf32, #tpu.memory_space<vmem>>[vector<16xi32>], vector<16xf32>,
        %parallel_loop3A_309 = arith.constant 0.000000e+00 : f32
        %parallel_loop3A_310 = vector.broadcast %parallel_loop3A_309 : f32 to vector<16xf32>
        %parallel_loop3A_311 = arith.select %parallel_loop3A_304, %parallel_loop3A_308, %parallel_loop3A_310 : vector<16xi1>, vector<16xf32>
        %parallel_loop3A_312 = arith.index_cast %parallel_loop3A_298 : i32 to index
        %parallel_loop3A_313 = tpu.vector_load %arg9[%parallel_loop3A_312] {strides = array<i32>} : memref<8192xf32, #tpu.memory_space<vmem>>, vector<16xf32>,
        tpu.vector_store %arg9[%parallel_loop3A_312], %parallel_loop3A_311 {add = true, strides = array<i32>} : memref<8192xf32, #tpu.memory_space<vmem>>, vector<16xf32>,
      } {sc.loop_unroll_factor = 16 : i64, sc.parallel_access}
      "tpu.region"() ({
        %run_scoped3A = tpu.sem_alloc : memref<!tpu.dma_semaphore, #tpu.memory_space<semaphore_mem>>
        %dma_start3A_298 = arith.constant 0 : i32
        %dma_start3A_299 = tpu.memref_slice %arg11[%select_n3A_7, %dma_start3A_298] : memref<8x50048xf32, #tpu.memory_space<vmem_shared>> -> memref<1x50048xf32, #tpu.memory_space<vmem_shared>>
        %dma_start3A_300 = tpu.memref_squeeze %dma_start3A_299 : memref<1x50048xf32, #tpu.memory_space<vmem_shared>> -> memref<50048xf32, #tpu.memory_space<vmem_shared>>
        %dma_start3A_301 = arith.constant 0 : i32
        %dma_start3A_302 = tpu.memref_slice %arg11[%select_n3A_7, %dma_start3A_301] : memref<8x50048xf32, #tpu.memory_space<vmem_shared>> -> memref<1x50048xf32, #tpu.memory_space<vmem_shared>>
        %dma_start3A_303 = tpu.memref_squeeze %dma_start3A_302 : memref<1x50048xf32, #tpu.memory_space<vmem_shared>> -> memref<50048xf32, #tpu.memory_space<vmem_shared>>
        tpu.enqueue_dma source(%dma_start3A_303 : memref<50048xf32, #tpu.memory_space<vmem_shared>>) target(%arg6 : memref<50048xf32, #tpu.memory_space<vmem>>) target_semaphore(%run_scoped3A : memref<!tpu.dma_semaphore, #tpu.memory_space<semaphore_mem>>)
        %dma_wait3A_304 = arith.constant 0 : i32
        %dma_wait3A_305 = tpu.memref_slice %arg11[%select_n3A_7, %dma_wait3A_304] : memref<8x50048xf32, #tpu.memory_space<vmem_shared>> -> memref<1x50048xf32, #tpu.memory_space<vmem_shared>>
        %dma_wait3A_306 = tpu.memref_squeeze %dma_wait3A_305 : memref<1x50048xf32, #tpu.memory_space<vmem_shared>> -> memref<50048xf32, #tpu.memory_space<vmem_shared>>
        %dma_wait3A_307 = arith.constant 0 : i32
        %dma_wait3A_308 = tpu.memref_slice %arg11[%select_n3A_7, %dma_wait3A_307] : memref<8x50048xf32, #tpu.memory_space<vmem_shared>> -> memref<1x50048xf32, #tpu.memory_space<vmem_shared>>
        %dma_wait3A_309 = tpu.memref_squeeze %dma_wait3A_308 : memref<1x50048xf32, #tpu.memory_space<vmem_shared>> -> memref<50048xf32, #tpu.memory_space<vmem_shared>>
        tpu.wait_dma2 semaphore(%run_scoped3A : memref<!tpu.dma_semaphore, #tpu.memory_space<semaphore_mem>>) src(%dma_wait3A_309 : memref<50048xf32, #tpu.memory_space<vmem_shared>>) dst(%arg6 : memref<50048xf32, #tpu.memory_space<vmem>>)
        tpu.yield
      }) : () -> ()
      %barrier3A_283 = arith.constant 0 : index
      tpu.barrier barrier_id(%barrier3A_283)
      %lt3A_284 = arith.constant 25 : i32
      %lt3A_285 = arith.cmpi slt, %scan3A_253, %lt3A_284 : i32
      %convert_element_type3A_286 = arith.extui %lt3A_285 : i1 to i32
      %cond3A_287 = arith.constant 0 : i32
      %cond3A_288 = arith.cmpi ne, %convert_element_type3A_286, %cond3A_287 : i32
      scf.if %cond3A_288 {
        %add3A_298 = arith.constant 1 : i32
        %add3A_299 = arith.addi %scan3A_253, %add3A_298 : i32
        %mul3A_300 = arith.constant 16 : i32
        %mul3A_301 = arith.muli %arg0, %mul3A_300 : i32
        %add3A_302 = arith.constant 8 : i32
        %add3A_303 = arith.addi %mul3A_301, %add3A_302 : i32
        %multiple_of3A_304 = tpu.assume_multiple %add3A_303, 8 : i32
        %eq3A_305 = arith.constant 8 : i32
        %eq3A_306 = arith.cmpi eq, %arg1, %eq3A_305 : i32
        %convert_element_type3A_307 = arith.extui %eq3A_306 : i1 to i32
        %cond3A_308 = arith.constant 0 : i32
        %cond3A_309 = arith.cmpi ne, %convert_element_type3A_307, %cond3A_308 : i32
        scf.if %cond3A_309 {
          %dma_start3A_315 = arith.constant 0 : i32
          %dma_start3A_316 = arith.constant 0 : i32
          %dma_start3A_317 = tpu.memref_slice %arg11[%dma_start3A_315, %dma_start3A_316] : memref<8x50048xf32, #tpu.memory_space<vmem_shared>> -> memref<8x24960xf32, #tpu.memory_space<vmem_shared>>
          %dma_start3A_318 = arith.constant 49920 : i32
          %dma_start3A_319 = tpu.memref_slice %arg2[%add3A_299, %multiple_of3A_304, %dma_start3A_318] : memref<26x32x100001xf32, #tpu.memory_space<hbm>> -> memref<1x8x24960xf32, #tpu.memory_space<hbm>>
          %dma_start3A_320 = tpu.memref_squeeze %dma_start3A_319 : memref<1x8x24960xf32, #tpu.memory_space<hbm>> -> memref<8x24960xf32, #tpu.memory_space<hbm>>
          tpu.enqueue_dma source(%dma_start3A_320 : memref<8x24960xf32, #tpu.memory_space<hbm>>) target(%dma_start3A_317 : memref<8x24960xf32, #tpu.memory_space<vmem_shared>>) target_semaphore(%arg12 : memref<!tpu.dma_semaphore, #tpu.memory_space<semaphore_mem>>)
        } else {
        }
        %eq3A_310 = arith.constant 12 : i32
        %eq3A_311 = arith.cmpi eq, %arg1, %eq3A_310 : i32
        %convert_element_type3A_312 = arith.extui %eq3A_311 : i1 to i32
        %cond3A_313 = arith.constant 0 : i32
        %cond3A_314 = arith.cmpi ne, %convert_element_type3A_312, %cond3A_313 : i32
        scf.if %cond3A_314 {
          %dma_start3A_315 = arith.constant 0 : i32
          %dma_start3A_316 = arith.constant 24960 : i32
          %dma_start3A_317 = tpu.memref_slice %arg11[%dma_start3A_315, %dma_start3A_316] : memref<8x50048xf32, #tpu.memory_space<vmem_shared>> -> memref<8x25088xf32, #tpu.memory_space<vmem_shared>>
          %dma_start3A_318 = arith.constant 74880 : i32
          %dma_start3A_319 = tpu.memref_slice %arg2[%add3A_299, %multiple_of3A_304, %dma_start3A_318] : memref<26x32x100001xf32, #tpu.memory_space<hbm>> -> memref<1x8x25088xf32, #tpu.memory_space<hbm>>
          %dma_start3A_320 = tpu.memref_squeeze %dma_start3A_319 : memref<1x8x25088xf32, #tpu.memory_space<hbm>> -> memref<8x25088xf32, #tpu.memory_space<hbm>>
          tpu.enqueue_dma source(%dma_start3A_320 : memref<8x25088xf32, #tpu.memory_space<hbm>>) target(%dma_start3A_317 : memref<8x25088xf32, #tpu.memory_space<vmem_shared>>) target_semaphore(%arg12 : memref<!tpu.dma_semaphore, #tpu.memory_space<semaphore_mem>>)
        } else {
        }
      } else {
      }
      %parallel_loop3A_289 = arith.constant 0 : i32
      %parallel_loop3A_290 = arith.constant 8192 : i32
      %parallel_loop3A_291 = arith.constant 16 : i32
      scf.for %parallel_loop3A_298 = %parallel_loop3A_289 to %parallel_loop3A_290 step %parallel_loop3A_291  : i32 {
        %parallel_loop3A_299 = arith.index_cast %rem3A_260 : i32 to index
        %parallel_loop3A_300 = arith.index_cast %parallel_loop3A_298 : i32 to index
        %parallel_loop3A_301 = tpu.vector_load %arg8[%parallel_loop3A_299, %parallel_loop3A_300] {strides = array<i32>} : memref<2x8192xi32, #tpu.memory_space<vmem>>, vector<16xi32>,
        %parallel_loop3A_302 = arith.constant 49920 : i32
        %parallel_loop3A_303 = vector.broadcast %parallel_loop3A_302 : i32 to vector<16xi32>
        %parallel_loop3A_304 = arith.subi %parallel_loop3A_301, %parallel_loop3A_303 : vector<16xi32>
        %parallel_loop3A_305 = arith.constant 0 : i32
        %parallel_loop3A_306 = vector.broadcast %parallel_loop3A_305 : i32 to vector<16xi32>
        %parallel_loop3A_307 = arith.cmpi sge, %parallel_loop3A_304, %parallel_loop3A_306 : vector<16xi32>
        %parallel_loop3A_308 = arith.constant 99968 : i32
        %parallel_loop3A_309 = vector.broadcast %parallel_loop3A_308 : i32 to vector<16xi32>
        %parallel_loop3A_310 = arith.cmpi slt, %parallel_loop3A_301, %parallel_loop3A_309 : vector<16xi32>
        %parallel_loop3A_311 = arith.andi %parallel_loop3A_307, %parallel_loop3A_310 : vector<16xi1>
        %parallel_loop3A_312 = arith.constant 50047 : i32
        %parallel_loop3A_313 = vector.broadcast %parallel_loop3A_312 : i32 to vector<16xi32>
        %parallel_loop3A_314 = arith.minsi %parallel_loop3A_304, %parallel_loop3A_313 : vector<16xi32>
        %parallel_loop3A_315 = arith.constant 0 : i32
        %parallel_loop3A_316 = vector.broadcast %parallel_loop3A_315 : i32 to vector<16xi32>
        %parallel_loop3A_317 = arith.maxsi %parallel_loop3A_314, %parallel_loop3A_316 : vector<16xi32>
        %parallel_loop3A_318 = tpu.vector_load_idx %arg6[%parallel_loop3A_317] : memref<50048xf32, #tpu.memory_space<vmem>>[vector<16xi32>], vector<16xf32>,
        %parallel_loop3A_319 = arith.constant 0.000000e+00 : f32
        %parallel_loop3A_320 = vector.broadcast %parallel_loop3A_319 : f32 to vector<16xf32>
        %parallel_loop3A_321 = arith.select %parallel_loop3A_311, %parallel_loop3A_318, %parallel_loop3A_320 : vector<16xi1>, vector<16xf32>
        %parallel_loop3A_322 = arith.constant 99968 : i32
        %parallel_loop3A_323 = vector.broadcast %parallel_loop3A_322 : i32 to vector<16xi32>
        %parallel_loop3A_324 = arith.cmpi sge, %parallel_loop3A_301, %parallel_loop3A_323 : vector<16xi32>
        %parallel_loop3A_325 = arith.constant 99968 : i32
        %parallel_loop3A_326 = vector.broadcast %parallel_loop3A_325 : i32 to vector<16xi32>
        %parallel_loop3A_327 = arith.subi %parallel_loop3A_301, %parallel_loop3A_326 : vector<16xi32>
        %parallel_loop3A_328 = arith.constant 0 : i32
        %parallel_loop3A_329 = vector.broadcast %parallel_loop3A_328 : i32 to vector<16xi32>
        %parallel_loop3A_330 = arith.maxsi %parallel_loop3A_327, %parallel_loop3A_329 : vector<16xi32>
        %parallel_loop3A_331 = tpu.vector_load_idx %arg7[%add3A_264, %add3A_31, %parallel_loop3A_330] : memref<2x8x33xf32, #tpu.memory_space<vmem>>[vector<16xi32>, vector<16xi32>, vector<16xi32>], vector<16xf32>,
        %parallel_loop3A_332 = arith.constant 0.000000e+00 : f32
        %parallel_loop3A_333 = vector.broadcast %parallel_loop3A_332 : f32 to vector<16xf32>
        %parallel_loop3A_334 = arith.select %parallel_loop3A_324, %parallel_loop3A_331, %parallel_loop3A_333 : vector<16xi1>, vector<16xf32>
        %parallel_loop3A_335 = arith.addf %parallel_loop3A_321, %parallel_loop3A_334 : vector<16xf32>
        %parallel_loop3A_336 = arith.index_cast %parallel_loop3A_298 : i32 to index
        %parallel_loop3A_337 = tpu.vector_load %arg9[%parallel_loop3A_336] {strides = array<i32>} : memref<8192xf32, #tpu.memory_space<vmem>>, vector<16xf32>,
        tpu.vector_store %arg9[%parallel_loop3A_336], %parallel_loop3A_335 {add = true, strides = array<i32>} : memref<8192xf32, #tpu.memory_space<vmem>>, vector<16xf32>,
      } {sc.loop_unroll_factor = 16 : i64, sc.parallel_access}
      %lt3A_292 = arith.constant 25 : i32
      %lt3A_293 = arith.cmpi slt, %scan3A_253, %lt3A_292 : i32
      %convert_element_type3A_294 = arith.extui %lt3A_293 : i1 to i32
      %cond3A_295 = arith.constant 0 : i32
      %cond3A_296 = arith.cmpi ne, %convert_element_type3A_294, %cond3A_295 : i32
      scf.if %cond3A_296 {
        %add3A_298 = arith.constant 1 : i32
        %add3A_299 = arith.addi %scan3A_253, %add3A_298 : i32
        %mul3A_300 = arith.constant 16 : i32
        %mul3A_301 = arith.muli %arg0, %mul3A_300 : i32
        %add3A_302 = arith.constant 8 : i32
        %add3A_303 = arith.addi %mul3A_301, %add3A_302 : i32
        %multiple_of3A_304 = tpu.assume_multiple %add3A_303, 8 : i32
        %eq3A_305 = arith.constant 0 : i32
        %eq3A_306 = arith.cmpi eq, %arg1, %eq3A_305 : i32
        %convert_element_type3A_307 = arith.extui %eq3A_306 : i1 to i32
        %cond3A_308 = arith.constant 0 : i32
        %cond3A_309 = arith.cmpi ne, %convert_element_type3A_307, %cond3A_308 : i32
        scf.if %cond3A_309 {
          %dma_wait3A_332 = arith.constant 0 : i32
          %dma_wait3A_333 = arith.constant 0 : i32
          %dma_wait3A_334 = tpu.memref_slice %arg10[%dma_wait3A_332, %dma_wait3A_333] : memref<8x49920xf32, #tpu.memory_space<vmem_shared>> -> memref<8x24960xf32, #tpu.memory_space<vmem_shared>>
          %dma_wait3A_335 = arith.constant 0 : i32
          %dma_wait3A_336 = tpu.memref_slice %arg2[%add3A_299, %multiple_of3A_304, %dma_wait3A_335] : memref<26x32x100001xf32, #tpu.memory_space<hbm>> -> memref<1x8x24960xf32, #tpu.memory_space<hbm>>
          %dma_wait3A_337 = tpu.memref_squeeze %dma_wait3A_336 : memref<1x8x24960xf32, #tpu.memory_space<hbm>> -> memref<8x24960xf32, #tpu.memory_space<hbm>>
          tpu.wait_dma2 semaphore(%arg12 : memref<!tpu.dma_semaphore, #tpu.memory_space<semaphore_mem>>) src(%dma_wait3A_337 : memref<8x24960xf32, #tpu.memory_space<hbm>>) dst(%dma_wait3A_334 : memref<8x24960xf32, #tpu.memory_space<vmem_shared>>)
        } else {
        }
        %eq3A_310 = arith.constant 4 : i32
        %eq3A_311 = arith.cmpi eq, %arg1, %eq3A_310 : i32
        %convert_element_type3A_312 = arith.extui %eq3A_311 : i1 to i32
        %cond3A_313 = arith.constant 0 : i32
        %cond3A_314 = arith.cmpi ne, %convert_element_type3A_312, %cond3A_313 : i32
        scf.if %cond3A_314 {
          %dma_wait3A_332 = arith.constant 0 : i32
          %dma_wait3A_333 = arith.constant 24960 : i32
          %dma_wait3A_334 = tpu.memref_slice %arg10[%dma_wait3A_332, %dma_wait3A_333] : memref<8x49920xf32, #tpu.memory_space<vmem_shared>> -> memref<8x24960xf32, #tpu.memory_space<vmem_shared>>
          %dma_wait3A_335 = arith.constant 24960 : i32
          %dma_wait3A_336 = tpu.memref_slice %arg2[%add3A_299, %multiple_of3A_304, %dma_wait3A_335] : memref<26x32x100001xf32, #tpu.memory_space<hbm>> -> memref<1x8x24960xf32, #tpu.memory_space<hbm>>
          %dma_wait3A_337 = tpu.memref_squeeze %dma_wait3A_336 : memref<1x8x24960xf32, #tpu.memory_space<hbm>> -> memref<8x24960xf32, #tpu.memory_space<hbm>>
          tpu.wait_dma2 semaphore(%arg12 : memref<!tpu.dma_semaphore, #tpu.memory_space<semaphore_mem>>) src(%dma_wait3A_337 : memref<8x24960xf32, #tpu.memory_space<hbm>>) dst(%dma_wait3A_334 : memref<8x24960xf32, #tpu.memory_space<vmem_shared>>)
        } else {
        }
        %add3A_315 = arith.constant 1 : i32
        %add3A_316 = arith.addi %scan3A_253, %add3A_315 : i32
        %mul3A_317 = arith.constant 16 : i32
        %mul3A_318 = arith.muli %arg0, %mul3A_317 : i32
        %add3A_319 = arith.constant 8 : i32
        %add3A_320 = arith.addi %mul3A_318, %add3A_319 : i32
        %multiple_of3A_321 = tpu.assume_multiple %add3A_320, 8 : i32
        %eq3A_322 = arith.constant 8 : i32
        %eq3A_323 = arith.cmpi eq, %arg1, %eq3A_322 : i32
        %convert_element_type3A_324 = arith.extui %eq3A_323 : i1 to i32
        %cond3A_325 = arith.constant 0 : i32
        %cond3A_326 = arith.cmpi ne, %convert_element_type3A_324, %cond3A_325 : i32
        scf.if %cond3A_326 {
          %dma_wait3A_332 = arith.constant 0 : i32
          %dma_wait3A_333 = arith.constant 0 : i32
          %dma_wait3A_334 = tpu.memref_slice %arg11[%dma_wait3A_332, %dma_wait3A_333] : memref<8x50048xf32, #tpu.memory_space<vmem_shared>> -> memref<8x24960xf32, #tpu.memory_space<vmem_shared>>
          %dma_wait3A_335 = arith.constant 49920 : i32
          %dma_wait3A_336 = tpu.memref_slice %arg2[%add3A_316, %multiple_of3A_321, %dma_wait3A_335] : memref<26x32x100001xf32, #tpu.memory_space<hbm>> -> memref<1x8x24960xf32, #tpu.memory_space<hbm>>
          %dma_wait3A_337 = tpu.memref_squeeze %dma_wait3A_336 : memref<1x8x24960xf32, #tpu.memory_space<hbm>> -> memref<8x24960xf32, #tpu.memory_space<hbm>>
          tpu.wait_dma2 semaphore(%arg12 : memref<!tpu.dma_semaphore, #tpu.memory_space<semaphore_mem>>) src(%dma_wait3A_337 : memref<8x24960xf32, #tpu.memory_space<hbm>>) dst(%dma_wait3A_334 : memref<8x24960xf32, #tpu.memory_space<vmem_shared>>)
        } else {
        }
        %eq3A_327 = arith.constant 12 : i32
        %eq3A_328 = arith.cmpi eq, %arg1, %eq3A_327 : i32
        %convert_element_type3A_329 = arith.extui %eq3A_328 : i1 to i32
        %cond3A_330 = arith.constant 0 : i32
        %cond3A_331 = arith.cmpi ne, %convert_element_type3A_329, %cond3A_330 : i32
        scf.if %cond3A_331 {
          %dma_wait3A_332 = arith.constant 0 : i32
          %dma_wait3A_333 = arith.constant 24960 : i32
          %dma_wait3A_334 = tpu.memref_slice %arg11[%dma_wait3A_332, %dma_wait3A_333] : memref<8x50048xf32, #tpu.memory_space<vmem_shared>> -> memref<8x25088xf32, #tpu.memory_space<vmem_shared>>
          %dma_wait3A_335 = arith.constant 74880 : i32
          %dma_wait3A_336 = tpu.memref_slice %arg2[%add3A_316, %multiple_of3A_321, %dma_wait3A_335] : memref<26x32x100001xf32, #tpu.memory_space<hbm>> -> memref<1x8x25088xf32, #tpu.memory_space<hbm>>
          %dma_wait3A_337 = tpu.memref_squeeze %dma_wait3A_336 : memref<1x8x25088xf32, #tpu.memory_space<hbm>> -> memref<8x25088xf32, #tpu.memory_space<hbm>>
          tpu.wait_dma2 semaphore(%arg12 : memref<!tpu.dma_semaphore, #tpu.memory_space<semaphore_mem>>) src(%dma_wait3A_337 : memref<8x25088xf32, #tpu.memory_space<hbm>>) dst(%dma_wait3A_334 : memref<8x25088xf32, #tpu.memory_space<vmem_shared>>)
        } else {
        }
      } else {
      }
      %barrier3A_297 = arith.constant 0 : index
      tpu.barrier barrier_id(%barrier3A_297)
    }
    %scan3A_242 = arith.constant 26 : i32
    %mul3A_243 = arith.constant 16 : i32
    %mul3A_244 = arith.muli %arg0, %mul3A_243 : i32
    %add3A_245 = arith.constant 8 : i32
    %add3A_246 = arith.addi %mul3A_244, %add3A_245 : i32
    %add3A_247 = arith.addi %add3A_246, %select_n3A_7 : i32
    %mul3A_248 = arith.constant 16384 : i32
    %mul3A_249 = arith.muli %add3A_247, %mul3A_248 : i32
    %mul3A_250 = arith.constant 8192 : i32
    %mul3A_251 = arith.muli %select_n3A_28, %mul3A_250 : i32
    %add3A_252 = arith.addi %mul3A_249, %mul3A_251 : i32
    "tpu.region"() ({
      %run_scoped3A = tpu.sem_alloc : memref<!tpu.dma_semaphore, #tpu.memory_space<semaphore_mem>>
      %dma_start3A_253 = tpu.memref_slice %arg5[%add3A_252] : memref<524288xf32, #tpu.memory_space<hbm>> -> memref<8192xf32, #tpu.memory_space<hbm>>
      %dma_start3A_254 = tpu.memref_slice %arg5[%add3A_252] : memref<524288xf32, #tpu.memory_space<hbm>> -> memref<8192xf32, #tpu.memory_space<hbm>>
      tpu.enqueue_dma source(%arg9 : memref<8192xf32, #tpu.memory_space<vmem>>) target(%dma_start3A_254 : memref<8192xf32, #tpu.memory_space<hbm>>) target_semaphore(%run_scoped3A : memref<!tpu.dma_semaphore, #tpu.memory_space<semaphore_mem>>)
      %dma_wait3A_255 = tpu.memref_slice %arg5[%add3A_252] : memref<524288xf32, #tpu.memory_space<hbm>> -> memref<8192xf32, #tpu.memory_space<hbm>>
      %dma_wait3A_256 = tpu.memref_slice %arg5[%add3A_252] : memref<524288xf32, #tpu.memory_space<hbm>> -> memref<8192xf32, #tpu.memory_space<hbm>>
      tpu.wait_dma2 semaphore(%run_scoped3A : memref<!tpu.dma_semaphore, #tpu.memory_space<semaphore_mem>>) src(%arg9 : memref<8192xf32, #tpu.memory_space<vmem>>) dst(%dma_wait3A_256 : memref<8192xf32, #tpu.memory_space<hbm>>)
      tpu.yield
    }) : () -> ()
    return
  }
}

module attributes {stable_mosaic.version = 14 : i64} {
  func.func @body(%arg0: i32, %arg1: memref<32x2048xf32, #tpu.memory_space<vmem>>, %arg2: memref<2048x13xf32, #tpu.memory_space<vmem>>, %arg3: memref<32x13xf32, #tpu.memory_space<vmem>>, %arg4: memref<64x32xf32, #tpu.memory_space<vmem>>, %arg5: memref<2048x64xf32, #tpu.memory_space<vmem>>) attributes {dimension_semantics = [#tpu.dimension_semantics<arbitrary>], iteration_bounds = array<i64: 8>, scalar_prefetch = 0 : i64, scratch_operands = 0 : i64, tpu.core_type = #tpu.core_type<tc>, window_params = [{transform_indices = @transform_0, window_bounds = array<i64: 32, 2048>}, {transform_indices = @transform_1, window_bounds = array<i64: 2048, 13>}, {pipeline_mode = #tpu.pipeline_mode<synchronous>, transform_indices = @transform_2, window_bounds = array<i64: 32, 13>}, {pipeline_mode = #tpu.pipeline_mode<synchronous>, transform_indices = @transform_3, window_bounds = array<i64: 64, 32>}, {transform_indices = @transform_4, window_bounds = array<i64: 2048, 64>}]} {
    %get3A = arith.constant 0 : index
    %get3A_0 = arith.constant 0 : index
    %get3A_1 = vector.load %arg2[%get3A, %get3A_0] : memref<2048x13xf32, #tpu.memory_space<vmem>>, vector<2048x13xf32>
    %get3A_2 = arith.constant 0 : index
    %get3A_3 = arith.constant 0 : index
    %get3A_4 = vector.load %arg3[%get3A_2, %get3A_3] : memref<32x13xf32, #tpu.memory_space<vmem>>, vector<32x13xf32>
    %dot_general3A = arith.constant dense<0.000000e+00> : vector<2048x32xf32>
    %dot_general3A_5 = tpu.matmul %get3A_1, %get3A_4, %dot_general3A {dimension_numbers = #tpu.dot_dimension_numbers<[1], [1], [0], [0], [0, 0, 1, 0], [], []>, transpose_lhs_hint = false} : vector<2048x13xf32>, vector<32x13xf32>, vector<2048x32xf32> -> vector<2048x32xf32>
    %get3A_6 = arith.constant 0 : index
    %get3A_7 = arith.constant 0 : index
    %get3A_8 = vector.load %arg1[%get3A_6, %get3A_7] : memref<32x2048xf32, #tpu.memory_space<vmem>>, vector<32x2048xf32>
    %get3A_9 = arith.constant 0 : index
    %get3A_10 = arith.constant 0 : index
    %get3A_11 = vector.load %arg4[%get3A_9, %get3A_10] : memref<64x32xf32, #tpu.memory_space<vmem>>, vector<64x32xf32>
    %dot_general3A_12 = arith.constant dense<0.000000e+00> : vector<2048x64xf32>
    %dot_general3A_13 = tpu.matmul %get3A_8, %get3A_11, %dot_general3A_12 {dimension_numbers = #tpu.dot_dimension_numbers<[0], [1], [1], [0], [0, 1, 1, 0], [], []>, transpose_lhs_hint = false} : vector<32x2048xf32>, vector<64x32xf32>, vector<2048x64xf32> -> vector<2048x64xf32>
    %get3A_14 = arith.constant 0 : index
    %get3A_15 = arith.constant 0 : index
    %get3A_16 = vector.load %arg4[%get3A_14, %get3A_15] : memref<64x32xf32, #tpu.memory_space<vmem>>, vector<64x32xf32>
    %dot_general3A_17 = arith.constant dense<0.000000e+00> : vector<2048x64xf32>
    %dot_general3A_18 = tpu.matmul %dot_general3A_5, %get3A_16, %dot_general3A_17 {dimension_numbers = #tpu.dot_dimension_numbers<[1], [1], [0], [0], [0, 0, 1, 0], [], []>, transpose_lhs_hint = false} : vector<2048x32xf32>, vector<64x32xf32>, vector<2048x64xf32> -> vector<2048x64xf32>
    %add3A = arith.addf %dot_general3A_13, %dot_general3A_18 : vector<2048x64xf32>
    %swap3A = arith.constant 0 : index
    %swap3A_19 = arith.constant 0 : index
    %swap3A_20 = vector.load %arg5[%swap3A, %swap3A_19] : memref<2048x64xf32, #tpu.memory_space<vmem>>, vector<2048x64xf32>
    tpu.vector_store %arg5[%swap3A, %swap3A_19], %add3A {strides = array<i32>} : memref<2048x64xf32, #tpu.memory_space<vmem>>, vector<2048x64xf32>,
    return
  }
  func.func @transform_0(%arg0: i32) -> (i32, i32) {
    %c0_i32 = arith.constant 0 : i32
    %c0_i32_0 = arith.constant 0 : i32
    return %c0_i32, %arg0 : i32, i32
  }
  func.func @transform_1(%arg0: i32) -> (i32, i32) {
    %c0_i32 = arith.constant 0 : i32
    %c0_i32_0 = arith.constant 0 : i32
    return %arg0, %c0_i32 : i32, i32
  }
  func.func @transform_2(%arg0: i32) -> (i32, i32) {
    %c0_i32 = arith.constant 0 : i32
    %c0_i32_0 = arith.constant 0 : i32
    %c0_i32_1 = arith.constant 0 : i32
    return %c0_i32, %c0_i32_0 : i32, i32
  }
  func.func @transform_3(%arg0: i32) -> (i32, i32) {
    %c0_i32 = arith.constant 0 : i32
    %c0_i32_0 = arith.constant 0 : i32
    %c0_i32_1 = arith.constant 0 : i32
    return %c0_i32, %c0_i32_0 : i32, i32
  }
  func.func @transform_4(%arg0: i32) -> (i32, i32) {
    %c0_i32 = arith.constant 0 : i32
    %c0_i32_0 = arith.constant 0 : i32
    return %arg0, %c0_i32 : i32, i32
  }
}

</mosaic_0001>

<sc_bundles>
// kernel: kernel.4.cloned.1.call-start
scs
__scs_entry_jumppad:
0x0: {  	(pc) =	sbr.rel $0x88, $3  }
0x1: {  	(tag) =	ssettag $0x0;
	lr =	simm.s32 $0x1  }
0x2: {  	[smem:$0x3F9D] =	sst lr;
	_ =	strace $0xD0000000  }
0x3: {  	_ = 	snop  }
0x4: {  	_ = 	snop  }
0x5: {  	_ = 	snop  }
0x6: {  	_ = 	snop  }
0x7: {  	_ = 	snop  }
__scs_overlays_trampoline_lowered:
0x8: {  	[smem:$0x3FAC] =	sst s0  }
0x9: {  	[smem:$0x3FAD] =	sst s1  }
0xa: {  	[smem:$0x3FAE] =	sst s2  }
0xb: {  	[smem:$0x3FAF] =	sst s3  }
0xc: {  	[smem:$0x3FB0] =	sst s4  }
0xd: {  	[smem:$0x3FB1] =	sst s5  }
0xe: {  	[smem:$0x3FB2] =	sst s6  }
0xf: {  	[smem:$0x3FB3] =	sst s7  }
0x10: {  	[smem:$0x3FB4] =	sst s8  }
0x11: {  	[smem:$0x3FB5] =	sst s9;
	s0 =	simm.s32 @!p0 $0x0  }
0x12: {  	s1 =	sld [smem:$0x3F9B];
	s0 =	simm.s32 @p0 $0x1  }
0x13: {  	[smem:$0x3FB6] =	sst s0;
	s0 =	simm.s32 @!p1 $0x0  }
0x14: {  	s2 =	sld [smem:$0x3F9A];
	s0 =	simm.s32 @p1 $0x1  }
0x15: {  	[smem:$0x3FB7] =	sst s0;
	s0 =	simm.s32 @!p2 $0x0  }
0x16: {  	s3 =	sld [smem:$0x3FDB];
	s0 =	simm.s32 @p2 $0x1  }
0x17: {  	s4 =	simm.s32 $0x1BF5;
	[smem:$0x3FB9] =	sst s0  }
0x18: {  	s0 =	sld [smem:$0x3F9C];
	_ =	swait.ge [sflag:s4], $0x0  }
0x19: {  	s7 =	sld [smem:$0x3F9D]  }
0x1a: {  	s8 =	sadd.s32 $0xFFFFE003, lr  }
0x1b: {  	s9 =	sadd.s32 $0xFFFFFEF7, lr;
	s5 =	simm.s32 $0xFFFFFFFF;
	p2 =	slt.u32 s8, $0xFFFFF086  }
0x1c: {  	p1 =	slt.u32 s9, $0xF7A;
	s5 =	simm.s32 @!p2 $0x0  }
0x1d: {  	s5 =	simm.s32 @p1 $0x1;
	p0 =	seq.s32 s7, s2  }
0x1e: {  	s7 =	smul.u32 @!p0 $0xF7A, s2;
	p2 =	seq.s32 @!p0 s5, $0x0  }
0x1f: {  	s9 =	smul.u32 $0xF7A, s1;
	s8 =	simm.s32 @!p0 $0x1BF5;
	p2 =	por !p2, p0  }
0x20: {  	[sflag:s8] =	ssyncset.s32 @!p0 $0xFFFFF086;
	s6 =	sadd.s32 @!p0 s3, s7;
	s7 =	simm.s32 @!p0 $0x108  }
0x21: {  	s3 =	sadd.s32 s3, s9;
	s6 =	sadd.s32 @!p0 $0x88, s6;
	s7 =	simm.s32 @p2 $0x1082  }
0x22: {  	[simem:s7], [sflag:s8] =	dma.local @!p0 [hbm:s6], $0xF7A  }
0x23: {  	s9 =	sor.u32 $0xD0000000, s2;
	s6 =	simm.s32 $0x108;
	_ =	swait.ge @!p0 [sflag:s8], $0x0  }
0x24: {  	s3 =	sadd.s32 $0x88, s3;
	s6 =	simm.s32 @!p1 $0x1082;
	[sflag:s4] =	ssyncset.s32 $0xFFFFF086  }
0x25: {  	[simem:s6], [sflag:s4] =	dma.local [hbm:s3], $0xF7A  }
0x26: {  	[smem:$0x3F9D] =	sst s1;
	(tag) =	ssettag s2;
	_ =	strace s9  }
0x27: {  	s1 =	sld [smem:$0x3FAD]  }
0x28: {  	s2 =	sld [smem:$0x3FAE]  }
0x29: {  	s4 =	sld [smem:$0x3FB0]  }
0x2a: {  	p0 =	seq.s32 s5, $0x0;
	s5 =	sld [smem:$0x3FB1]  }
0x2b: {  	s6 =	sld [smem:$0x3FB2]  }
0x2c: {  	s7 =	sld [smem:$0x3FB3]  }
0x2d: {  	s3 =	simm.s32 $0x108;
	s8 =	sld [smem:$0x3FB4]  }
0x2e: {  	s3 =	simm.s32 @!p0 $0x1082;
	s9 =	sld [smem:$0x3FB5]  }
0x2f: {  	lr =	sadd.s32 s0, s3;
	s0 =	sld [smem:$0x3FAC]  }
0x30: {  	s3 =	sld [smem:$0x3FAF]  }
0x31: {  	[smem:$0x3FB8] =	sst s10  }
0x32: {  	s10 =	sld [smem:$0x3FB6];
	_ =	sdelay $0x3  }
0x33: {  	p0 =	seq.s32 s10, $0x1;
	s10 =	sld [smem:$0x3FB8];
	_ =	sdelay $0x3  }
0x34: {  	[smem:$0x3FB8] =	sst s10  }
0x35: {  	s10 =	sld [smem:$0x3FB7];
	_ =	sdelay $0x3  }
0x36: {  	p1 =	seq.s32 s10, $0x1;
	s10 =	sld [smem:$0x3FB8];
	_ =	sdelay $0x3  }
0x37: {  	[smem:$0x3FB8] =	sst s10  }
0x38: {  	s10 =	sld [smem:$0x3FB9]  }
0x39: {  	_ = 	snop;
	(pc) =	sbr.ind lr, $3  }
0x3a: {  	_ = 	snop  }
0x3b: {  	_ = 	snop  }
0x3c: {  	p2 =	seq.s32 s10, $0x1;
	s10 =	sld [smem:$0x3FB8]  }
0x3d: {  	_ =	shalt  }
0x3e: {  	_ =	shalt  }
0x3f: {  	_ =	shalt  }
0x40: {  	_ =	shalt  }
0x41: {  	_ =	shalt  }
0x42: {  	_ =	shalt  }
0x43: {  	_ =	shalt  }
0x44: {  	_ =	shalt  }
0x45: {  	_ =	shalt  }
0x46: {  	_ =	shalt  }
0x47: {  	_ =	shalt  }
0x48: {  	_ =	shalt  }
0x49: {  	_ =	shalt  }
0x4a: {  	_ =	shalt  }
0x4b: {  	_ =	shalt  }
0x4c: {  	_ =	shalt  }
0x4d: {  	_ =	shalt  }
0x4e: {  	_ =	shalt  }
0x4f: {  	_ =	shalt  }
0x50: {  	_ =	shalt  }
0x51: {  	_ =	shalt  }
0x52: {  	_ =	shalt  }
0x53: {  	_ =	shalt  }
0x54: {  	_ =	shalt  }
0x55: {  	_ =	shalt  }
0x56: {  	_ =	shalt  }
0x57: {  	_ =	shalt  }
0x58: {  	_ =	shalt  }
0x59: {  	_ =	shalt  }
0x5a: {  	_ =	shalt  }
0x5b: {  	_ =	shalt  }
0x5c: {  	_ =	shalt  }
0x5d: {  	_ =	shalt  }
0x5e: {  	_ =	shalt  }
0x5f: {  	_ =	shalt  }
0x60: {  	_ =	shalt  }
0x61: {  	_ =	shalt  }
0x62: {  	_ =	shalt  }
0x63: {  	_ =	shalt  }
0x64: {  	_ =	shalt  }
0x65: {  	_ =	shalt  }
0x66: {  	_ =	shalt  }
0x67: {  	_ =	shalt  }
0x68: {  	_ =	shalt  }
0x69: {  	_ =	shalt  }
0x6a: {  	_ =	shalt  }
0x6b: {  	_ =	shalt  }
0x6c: {  	_ =	shalt  }
0x6d: {  	_ =	shalt  }
0x6e: {  	_ =	shalt  }
0x6f: {  	_ =	shalt  }
0x70: {  	_ =	shalt  }
0x71: {  	_ =	shalt  }
0x72: {  	_ =	shalt  }
0x73: {  	_ =	shalt  }
0x74: {  	_ =	shalt  }
0x75: {  	_ =	shalt  }
0x76: {  	_ =	shalt  }
0x77: {  	_ =	shalt  }
0x78: {  	_ =	shalt  }
0x79: {  	_ =	shalt  }
0x7a: {  	_ =	shalt  }
0x7b: {  	_ =	shalt  }
0x7c: {  	_ =	shalt  }
0x7d: {  	_ =	shalt  }
0x7e: {  	_ =	shalt  }
0x7f: {  	_ =	shalt  }
0x80: {  	_ =	shalt  }
0x81: {  	_ =	shalt  }
0x82: {  	_ =	shalt  }
0x83: {  	_ =	shalt  }
0x84: {  	_ =	shalt  }
0x85: {  	_ =	shalt  }
0x86: {  	_ =	shalt  }
0x87: {  	_ =	shalt  }
.Lfunc_end0:
.L_simem_size_0:
called_computation_lowered:
.L_overlay_start_0:
0x88: {  	s2 =	sld [smem:$0x3FD9]  }
0x89: {  	s3 =	sld [smem:$0x3FFE];
	_ =	sdelay $0x1  }
0x8a: {  	s1 =	srdreg.scid  }
0x8b: {  	s0 =	sand.u32 $0x1, s1  }
0x8c: {  	s17 =	sshll.u32 s0, $0xA;
	s2 =	sadd.s32 s3, s2  }
0x8d: {  	s2 =	sadd.s32 s2, s17  }
0x8e: {  	[smem:$0x3FC4] =	sst s2  }
0x8f: {  	_ = 	snop  }
0x90: {  	s2 =	sld [smem:$0x3FC8]  }
0x91: {  	s18 =	sld [smem:$0x3FD0];
	(tm) =	ssettm $0x1  }
0x92: {  	s4 =	sld [smem:$0x3FFB];
	_ =	sdelay $0x3  }
0x93: {  	_ =	strace s4  }
0x94: {  	s4 =	sld [smem:$0x3FFC];
	_ =	sdelay $0x3  }
0x95: {  	_ =	strace s4  }
0x96: {  	s4 =	sld [smem:$0x3FFD];
	_ =	sdelay $0x3  }
0x97: {  	_ =	strace s4  }
0x98: {  	_ =	strace $0x8FFFFFFF  }
0x99: {  	s19 =	sld [smem:$0x3FDB];
	_ =	sdelay $0x1  }
0x9a: {  	s5 =	simm.s32 $_scs_section_size  }
0x9b: {  	s6 =	simm.s32 $_size__tile_overlayer_lowered;
	s7 =	simm.s32 $_tile_overlayer_lowered  }
0x9c: {  	s22 =	simm.s32 $0x1BFF;
	s21 =	sshll.u32 s7, $0x1;
	s4 =	sadd.s32 s5, s19  }
0x9d: {  	s8 =	simm.s32 $0x0;
	s20 =	sshll.u32 s6, $0x1;
	s6 =	sadd.s32 s21, s4  }
0x9e: {  	[timem:s8], [sflag:s22] =	dma.local [hbm:s6], s20  }
0x9f: {  	_ =	swait.ge [sflag:s22], s20  }
0xa0: {  	s5 =	ssub.s32 $0x0, s20;
	[sflag:s22] =	ssyncset.done $0x0  }
0xa1: {  	[sflag:s22] =	ssyncadd.s32 s5;
	_ =	sdelay $0x1  }
0xa2: {  	s23 =	simm.s32 $0x1B8B  }
0xa3: {  	_ =	swait.ge [sflag:s23], $0x1  }
0xa4: {  	[sflag:s23] =	ssyncset.done $0x0  }
0xa5: {  	s25 =	simm.s32 $0x1B8E;
	s24 =	sld [smem:$0x3FFE];
	[sflag:s23] =	ssyncadd.s32 $0xFFFFFFFF  }
0xa6: {  	s26 =	simm.s32 $execute0_lowered;
	[smem:$0x3FD2] =	sst s25  }
0xa7: {  	s6 =	sshll.u32 s26, $0x1;
	_ =	strace $0x80000046;
	[dreg:$0x1] =	wrdreg $0xFFFFFFFF  }
0xa8: {  	s28 =	simm.s32 $_size_execute0_lowered;
	s4 =	sadd.s32 s4, s6;
	[dreg:$0x0] =	wrdreg $0x0  }
0xa9: {  	s6 =	sshll.u32 s28, $0x1;
	[dreg:$0x2] =	wrdreg s4  }
0xaa: {  	[dreg:$0x3] =	wrdreg s6  }
0xab: {  	[dreg:$0x4] =	wrdreg $0xC0  }
0xac: {  	_ =	task [dreg:s8], $0x5FFFF  }
0xad: {  	[dreg:$0x1] =	wrdreg $0xFFFFFFFF  }
0xae: {  	[dreg:$0x0] =	wrdreg $0x60  }
0xaf: {  	[dreg:$0x2] =	wrdreg s2  }
0xb0: {  	[dreg:$0x3] =	wrdreg s24  }
0xb1: {  	[dreg:$0x4] =	wrdreg s18  }
0xb2: {  	[dreg:$0x5] =	wrdreg $0x12B800  }
0xb3: {  	[dreg:$0x6] =	wrdreg $0x18D000  }
0xb4: {  	[dreg:$0x7] =	wrdreg $0x9  }
0xb5: {  	_ =	task.clear_ibuf [dreg:s8], $0x8FFFF;
	_ =	strace $0x90000046  }
0xb6: {  	s29 =	simm.s32 $0x9;
	_ =	strace $0x80000048  }
0xb7: {  	_ =	swait.ge [sflag:s29], $0x1  }
0xb8: {  	[sflag:s29] =	ssyncadd.s32 $0xFFFFFFFF  }
0xb9: {  	_ =	strace $0x90000048  }
0xba: {  	_ =	sfence  }
0xbb: {  	s30 =	sld [smem:$0x0];
	_ =	sdelay $0x2  }
0xbc: {  	s31 =	sshll.u32 s1, $0xD;
	s1 =	sshrl.u32 s1, $0x2  }
0xbd: {  	s3 =	sand.u32 $0x4000, s31;
	s1 =	sadd.s32 s1, s30  }
0xbe: {  	s0 =	sor.u32 s3, s0;
	s1 =	sshll.u32 s1, $0x11  }
0xbf: {  	s0 =	sor.u32 s1, s0  }
0xc0: {  	s0 =	sadd.s32 $0x8F2B, s0  }
0xc1: {  	[sflag:s0] =	ssyncadd.remote.s32 $0x1  }
0xc2: {  	_ =	sfence.sel $0xFFFF  }
0xc3: {  	[dreg:$0x0] =	wrdreg $0xFFFFFFFF;
	(pc) =	sbr.abs _section_cstart, $3  }
0xc4: {  	[dreg:$0x1] =	wrdreg $0xFFFFFFFF  }
0xc5: {  	_ =	task.clear_ibuf [dreg:s8], $0x2FFFF;
	_ =	strace $0x9FFFFFFF  }
0xc6: {  	(tm) =	ssettm $0x7FFFFFFF  }
0xc7: {  	_ =	shalt  }
tec
execute0_lowered:
.L_overlay_start_1:
0x0: {  	(tag) =	ssettag $0x1  }
0x1: {  	s1 =	rddreg [dreg:$0x0]  }
0x2: {  	s0 =	rddreg [dreg:$0x1]  }
0x3: {  	s6 =	rddreg [dreg:$0x2]  }
0x4: {  	s2 =	rddreg [dreg:$0x3]  }
0x5: {  	s3 =	rddreg [dreg:$0x4];
	s4 =	simm.s32 $0x0;
	s5 =	srdreg.scid  }
0x6: {  	s7 =	stileid.u32;
	[smem:$0x7FF] =	sst s4  }
0x7: {  	s8 =	sand.u32 $0x1, s5;
	s10 =	sadd.s32 $0x800, s0;
	s18 =	sadd.s32 $0x3C00, s0  }
0x8: {  	s0 =	sand.u32 $0x7, s7;
	s16 =	sshll.u32 s7, $0xA;
	p4 =	sgt.s32 s7, $0x7  }
0x9: {  	_ =	strace $0x80000047;
	s9 =	ssub.s32 $0x2, s8;
	s5 =	smul.u32 $0x187000, s8  }
0xa: {  	s13 =	sshll.u32 s8, $0x4;
	s24 =	smul.u32 $0x30E00, s8;
	s19 =	sand.u32 $0x2000, s16  }
0xb: {  	s8 =	sshll.u32 s8, $0x8;
	p0 =	seq.s32 @p4 s7, $0x8;
	p2 =	seq.s32 @!p4 s7, $0x0  }
0xc: {  	s11 =	sshrl.u32 s9, $0x1;
	s25 =	sor.u32 s0, s13;
	s28 =	sshrl.u32 s19, $0x3  }
0xd: {  	s13 =	sor.u32 $0x8, s13;
	s8 =	sadd.s32 s10, s8;
	p1 =	por p0, !p4  }
0xe: {  	p3 =	por p2, p4;
	s11 =	ssub.s32 s9, s11;
	s22 =	sadd.s32 $0x92400, s5  }
0xf: {  	s15 =	sadd.s32 $0x61800, s5;
	s26 =	sadd.s32 s1, s24;
	s17 =	sshll.u32 s25, $0xE  }
0x10: {  	s16 =	sadd.s32 s18, s28;
	s31 =	sor.u32 s0, s13;
	[dreg:$0xc] =	wrdreg s8  }
0x11: {  	p1 =	seq.s32 @!p1 s7, $0xC;
	p3 =	seq.s32 @!p3 s7, $0x4;
	[dreg:$0x8] =	wrdreg s22  }
0x12: {  	s9 =	sshrl.u32 s22, $0x3;
	[dreg:$0xa] =	wrdreg s15;
	s15 =	sshrl.u32 s15, $0x3  }
0x13: {  	[dreg:$0xb] =	wrdreg s26;
	s29 =	sor.u32 s19, s17;
	s17 =	sshrl.u32 s13, $0x3  }
0x14: {  	s13 =	sshll.u32 s13, $0x4;
	p1 =	por @p4 !p1, p0;
	p0 =	por !p0, !p4  }
0x15: {  	s9 =	sadd.s32 s1, s9;
	s23 =	sadd.s32 s1, s15;
	s15 =	sshrl.u32 s29, $0x3  }
0x16: {  	s10 =	sadd.s32 s10, s13;
	s20 =	smul.u32 $0xC3800, s17;
	[dreg:$0x6] =	wrdreg s9  }
0x17: {  	s13 =	simm.s32 $0xC380;
	[dreg:$0x7] =	wrdreg s23;
	s9 =	smov.u32 s5  }
0x18: {  	s5 =	sadd.s32 $0x30C00, s5;
	s14 =	sadd.s32 s6, s15;
	s15 =	sshll.u32 s31, $0xE  }
0x19: {  	[dreg:$0xe] =	wrdreg s10;
	s31 =	smax.u32 s11, $0x1;
	s8 =	sor.u32 s19, s15  }
0x1a: {  	s24 =	sadd.s32 $0x30C00, s20;
	s26 =	sadd.s32 $0x61800, s20;
	s8 =	sshrl.u32 s8, $0x3  }
0x1b: {  	s30 =	sadd.s32 $0x92400, s20;
	s25 =	sshrl.u32 s24, $0x3;
	s6 =	sadd.s32 s6, s8  }
0x1c: {  	s28 =	sshrl.u32 s26, $0x3;
	[dreg:$0xf] =	wrdreg s6;
	s6 =	sadd.s32 s1, s25  }
0x1d: {  	s29 =	sshrl.u32 s30, $0x3;
	[dreg:$0x11] =	wrdreg s6;
	s6 =	sadd.s32 s1, s28  }
0x1e: {  	s10 =	sadd.s32 $0x30C00, s3;
	[dreg:$0x12] =	wrdreg s6;
	s6 =	sadd.s32 s1, s29  }
0x1f: {  	s11 =	sadd.s32 $0x30C00, s2;
	[dreg:$0x13] =	wrdreg s6;
	s6 =	simm.s32 @!p0 $0x0  }
0x20: {  	s12 =	smov.u32 s5;
	s6 =	simm.s32 @p0 $0x1;
	p0 =	por p1, !p4  }
0x21: {  	s5 =	sshrl.u32 s5, $0x3;
	[smem:$0x7F6] =	sst s6;
	s6 =	simm.s32 @!p0 $0x0  }
0x22: {  	[dreg:$0xd] =	wrdreg s14;
	p1 =	por !p1, !p4;
	s6 =	simm.s32 @p0 $0x1  }
0x23: {  	s14 =	smov.u32 s19;
	[smem:$0x7F7] =	sst s6;
	s6 =	simm.s32 @!p1 $0x0  }
0x24: {  	s19 =	smul.u32 $0x18700, s17;
	s6 =	simm.s32 @p1 $0x1;
	p1 =	por !p2, p4  }
0x25: {  	p0 =	por @!p4 !p3, p2;
	[smem:$0x7F8] =	sst s6;
	s6 =	simm.s32 @!p1 $0x0  }
0x26: {  	[dreg:$0x14] =	wrdreg s31;
	s6 =	simm.s32 @p1 $0x1;
	p1 =	por p0, p4  }
0x27: {  	s5 =	sadd.s32 s1, s5;
	[smem:$0x7F9] =	sst s6;
	s6 =	simm.s32 @!p1 $0x0  }
0x28: {  	[dreg:$0x9] =	wrdreg s5;
	s5 =	smov.u32 s18;
	s6 =	simm.s32 @p1 $0x1  }
0x29: {  	s18 =	sshll.u32 s0, $0x7;
	[smem:$0x7FA] =	sst s6;
	s6 =	simm.s32 @!p4 $0x0  }
0x2a: {  	s21 =	sadd.s32 s1, s19;
	p0 =	por !p0, p4;
	s6 =	simm.s32 @p4 $0x1  }
0x2b: {  	s22 =	sadd.s32 s18, s2;
	[smem:$0x7FB] =	sst s6;
	s6 =	simm.s32 @!p0 $0x0  }
0x2c: {  	[dreg:$0x10] =	wrdreg s21;
	s6 =	simm.s32 @p0 $0x1;
	p0 =	sne.s32 s7, $0x0  }
0x2d: {  	v0 =	vmov s0;
	s23 =	sadd.s32 s18, s3;
	[smem:$0x7FC] =	sst s6;
	s6 =	simm.s32 @!p0 $0x0  }
0x2e: {  	v0 =	vshll.u32 v0, $0x7;
	s18 =	simm.s32 $0x80;
	s21 =	simm.s32 $0x400;
	s6 =	simm.s32 @p0 $0x1  }
0x2f: {  	[tilespmem:$0x1FFF0] =	vst v0;
	v0 =	vimm.f32 $0.0e+00;
	s25 =	simm.s32 $0x3;
	[smem:$0x7FD] =	sst s6;
	s6 =	simm.s32 $0x0  }
.LBB2_1:
0x30: {  	s0 =	sld [smem:$0x7F6];
	_ =	sdelay $0x2  }
0x31: {  	[dreg:$0x15] =	wrdreg s6;
	p2 =	seq.s32 s0, $0x1  }
0x32: {  	s8 =	rddreg [dreg:$0x7];
	s0 =	sshrl.u32 @!p2 s3, $0x3;
	s6 =	simm.s32 @!p2 $0x1E01  }
0x33: {  	[spmem:s0], [sflag:s6] =	dma.local @!p2 [hbm:s8], $0x6180  }
0x34: {  	s0 =	simm.s32 @!p2 $0x1  }
0x35: {  	_ =	swait.ge @!p2 [sflag:s0], $0x6180  }
0x36: {  	s6 =	sld [smem:$0x7F7];
	_ =	sdelay $0x2  }
0x37: {  	[sflag:s0] =	ssyncset.done @!p2 $0x0;
	s8 =	rddreg [dreg:$0x6];
	p0 =	seq.s32 s6, $0x1  }
0x38: {  	[sflag:s0] =	ssyncadd.s32 @!p2 $0xFFFF9E80;
	s0 =	sshrl.u32 @!p0 s10, $0x3;
	s6 =	simm.s32 @!p0 $0x1F01  }
0x39: {  	[spmem:s0], [sflag:s6] =	dma.local @!p0 [hbm:s8], $0x6200  }
0x3a: {  	s0 =	simm.s32 @!p0 $0x1  }
0x3b: {  	_ =	swait.ge @!p0 [sflag:s0], $0x6200  }
0x3c: {  	s8 =	sld [smem:$0x7F9];
	_ =	sdelay $0x1  }
0x3d: {  	[sflag:s0] =	ssyncset.done @!p0 $0x0  }
0x3e: {  	[sflag:s0] =	ssyncadd.s32 @!p0 $0xFFFF9E00;
	p3 =	seq.s32 s8, $0x1  }
0x3f: {  	s8 =	rddreg [dreg:$0xb];
	s0 =	sshrl.u32 @!p3 s2, $0x3;
	s6 =	simm.s32 @!p3 $0x1C01  }
0x40: {  	[spmem:s0], [sflag:s6] =	dma.local @!p3 [hbm:s8], $0x6180  }
0x41: {  	s0 =	simm.s32 @!p3 $0x1  }
0x42: {  	_ =	swait.ge @!p3 [sflag:s0], $0x6180  }
0x43: {  	s15 =	sld [smem:$0x7FA];
	_ =	sdelay $0x2  }
0x44: {  	[sflag:s0] =	ssyncset.done @!p3 $0x0;
	s8 =	rddreg [dreg:$0x9];
	p4 =	seq.s32 s15, $0x1  }
0x45: {  	[sflag:s0] =	ssyncadd.s32 @!p3 $0xFFFF9E80;
	s0 =	sshrl.u32 @!p4 s11, $0x3;
	s6 =	simm.s32 @!p4 $0x1D01  }
0x46: {  	[spmem:s0], [sflag:s6] =	dma.local @!p4 [hbm:s8], $0x6180  }
0x47: {  	s0 =	simm.s32 @!p4 $0x1  }
0x48: {  	_ =	swait.ge @!p4 [sflag:s0], $0x6180  }
0x49: {  	[sflag:s0] =	ssyncset.done @!p4 $0x0  }
0x4a: {  	[sflag:s0] =	ssyncadd.s32 @!p4 $0xFFFF9E80  }
0x4b: {  	s0 =	simm.s32 $0x10C00;
	[bflag:$0x0] =	sbarrier.arrive $0xFFFF  }
0x4c: {  	[tilespmem:s0+$0xFFFFFF80] =	vst v0  }
0x4d: {  	[tilespmem:s0+$0x70] =	vst v0  }
0x4e: {  	[tilespmem:s0+$0x60] =	vst v0  }
0x4f: {  	[tilespmem:s0+$0x50] =	vst v0  }
0x50: {  	[tilespmem:s0+$0x40] =	vst v0  }
0x51: {  	[tilespmem:s0+$0x30] =	vst v0  }
0x52: {  	[tilespmem:s0+$0x20] =	vst v0  }
0x53: {  	[tilespmem:s0+$0x10] =	vst v0  }
0x54: {  	s17 =	sld [smem:$0x7F8];
	_ =	sdelay $0x1  }
0x55: {  	p5 =	por $0x0, $0x0  }
0x56: {  	p6 =	por @!p0 $0x0, $0x0;
	p1 =	por @!p0 $0x1, $0x1;
	p0 =	seq.s32 s17, $0x1  }
0x57: {  	p6 =	por @!p0 p5, p5  }
0x58: {  	p1 =	por @!p0 p5, p5;
	p0 =	por @!p2 $0x0, $0x0;
	p5 =	por p6, p6  }
0x59: {  	p5 =	por @!p2 p0, p0  }
0x5a: {  	[tilespmem:s0+$0x0] =	vst v0;
	s6 =	simm.s32 @!p5 $0x0  }
0x5b: {  	[tilespmem:s0+$0xFFFFFFF0] =	vst v0;
	s6 =	simm.s32 @p5 $0x1  }
0x5c: {  	[smem:$0x7F3] =	sst s6  }
0x5d: {  	[tilespmem:s0+$0xFFFFFFE0] =	vst v0  }
0x5e: {  	p1 =	por @!p2 p0, p0;
	p0 =	por @!p2 $0x1, $0x1;
	s19 =	sld [smem:$0x7FC];
	[tilespmem:s0+$0xFFFFFFD0] =	vst v0  }
0x5f: {  	p6 =	por @!p2 p0, p0;
	s28 =	sld [smem:$0x7FC];
	[tilespmem:s0+$0xFFFFFFC0] =	vst v0  }
0x60: {  	p0 =	por @!p4 $0x1, $0x1;
	p2 =	por @!p4 $0x0, $0x0;
	s29 =	sld [smem:$0x7FB]  }
0x61: {  	p4 =	por $0x0, $0x0;
	s31 =	sld [smem:$0x7F3];
	p5 =	seq.s32 s19, $0x1  }
0x62: {  	p0 =	por @!p5 p4, p4;
	p4 =	por $0x0, $0x0;
	p5 =	seq.s32 s28, $0x1  }
0x63: {  	p2 =	por @!p5 p4, p4;
	p4 =	por @!p3 $0x0, $0x0  }
0x64: {  	p0 =	por @!p3 p4, p4  }
0x65: {  	p2 =	por @!p3 p4, p4;
	p3 =	seq.s32 s29, $0x1;
	p4 =	seq.s32 s31, $0x1  }
0x66: {  	p4 =	por @!p3 p0, p0  }
0x67: {  	s6 =	simm.s32 @!p4 $0x0  }
0x68: {  	p1 =	por @!p3 p2, p2;
	s6 =	simm.s32 @p4 $0x1  }
0x69: {  	[smem:$0x7F3] =	sst s6;
	s6 =	simm.s32 @!p1 $0x0  }
0x6a: {  	p6 =	por @!p3 p2, p2;
	[tilespmem:s0+$0xFFFFFFB0] =	vst v0;
	s6 =	simm.s32 @p1 $0x1  }
0x6b: {  	[smem:$0x7F4] =	sst s6;
	s6 =	simm.s32 @!p6 $0x0  }
0x6c: {  	s6 =	simm.s32 @p6 $0x1  }
0x6d: {  	[smem:$0x7F5] =	sst s6  }
0x6e: {  	s15 =	simm.s32 $0x0;
	[tilespmem:s0+$0xFFFFFFA0] =	vst v0  }
.LBB2_2:
0x6f: {  	s15 =	sadd.s32 $0x100, s15;
	[tilespmem:s0+$0xFFFFFF90] =	vst v0;
	s0 =	sadd.s32 $0x100, s0  }
0x70: {  	[tilespmem:s0+$0xFFFFFF80] =	vst v0;
	p0 =	slt.u32 s15, $0x1F00  }
0x71: {  	[tilespmem:s0+$0x70] =	vst v0  }
0x72: {  	[tilespmem:s0+$0x60] =	vst v0  }
0x73: {  	[tilespmem:s0+$0x50] =	vst v0  }
0x74: {  	[tilespmem:s0+$0x40] =	vst v0  }
0x75: {  	[tilespmem:s0+$0x30] =	vst v0  }
0x76: {  	[tilespmem:s0+$0x20] =	vst v0  }
0x77: {  	[tilespmem:s0+$0x10] =	vst v0  }
0x78: {  	[tilespmem:s0+$0x0] =	vst v0  }
0x79: {  	[tilespmem:s0+$0xFFFFFFF0] =	vst v0  }
.Ltmp0:
0x7a: {  	[tilespmem:s0+$0xFFFFFFE0] =	vst v0;
	(pc) =	sbr.rel @p0 .LBB2_2-.Ltmp0, $4  }
0x7b: {  	[tilespmem:s0+$0xFFFFFFD0] =	vst v0  }
0x7c: {  	[tilespmem:s0+$0xFFFFFFC0] =	vst v0  }
0x7d: {  	[tilespmem:s0+$0xFFFFFFB0] =	vst v0  }
0x7e: {  	[tilespmem:s0+$0xFFFFFFA0] =	vst v0  }
0x7f: {  	s15 =	simm.s32 $0xCB80  }
0x80: {  	[tilespmem:s0+$0xFFFFFF90] =	vst v0;
	s0 =	simm.s32 $0x10;
	s6 =	sadd.s32 $0x0, s16;
	s17 =	simm.s32 $0xCC80  }
.LBB2_4:
0x81: {  	[tilespmem:s15], [sflag:$0x2] =	stream.linear.gather [hbm4b:s6+s4], $0x80, $0x38;
	[tilespmem:$0x1EEC0] =	vst v63  }
0x82: {  	s6 =	smov.u32 s0;
	s15 =	smov.u32 s17;
	p0 =	sne.s32 s0, $0x3F0  }
.Ltmp1:
0x83: {  	s0 =	sadd.s32 $0x10, s0;
	(pc) =	sbr.rel @p0 .LBB2_4-.Ltmp1, $2  }
0x84: {  	_ =	sdelay $0x2  }
0x85: {  	s17 =	sadd.s32 $0x100, s17;
	s6 =	sadd.s32 s6, s16  }
0x86: {  	[tilespmem:s15], [sflag:$0x2] =	stream.linear.gather [hbm4b:s6+s4], $0x80, $0x38;
	[tilespmem:$0x1EEC0] =	vst v63  }
0x87: {  	s29 =	simm.s32 $0x0;
	s0 =	rddreg [dreg:$0xc];
	s31 =	simm.s32 $0x2  }
0x88: {  	[tilespmem:s13], [sflag:$0x2] =	stream.linear.gather [hbm4b:s0+s29], $0x400, $0x38;
	[tilespmem:$0x1EEC0] =	vst v63  }
0x89: {  	_ =	swait.ge [sflag:s31], $0x2000  }
0x8a: {  	[sflag:s31] =	ssyncset.done $0x0  }
0x8b: {  	[sflag:s31] =	ssyncadd.s32 $0xFFFFE000  }
0x8c: {  	_ =	swait.ge [sflag:s31], $0x400  }
0x8d: {  	[sflag:s31] =	ssyncset.done $0x0  }
0x8e: {  	p2 =	por $0x1, $0x1;
	p6 =	por $0x0, $0x0;
	[sflag:s31] =	ssyncadd.s32 $0xFFFFFC00  }
.LBB2_6:
0x8f: {  	p0 =	seq.s32 s29, $0x0  }
0x90: {  	s6 =	simm.s32 @!p0 $0x2;
	p1 =	seq.s32 @!p0 s29, $0x19  }
0x91: {  	_ =	swait.ge @!p0 [sflag:s6], $0x2000;
	p1 =	por p0, !p1  }
.Ltmp2:
0x92: {  	[sflag:s6] =	ssyncset.done @!p0 $0x0;
	(pc) =	sbr.rel @!p1 .LBB2_10-.Ltmp2, $4  }
0x93: {  	[sflag:s6] =	ssyncadd.s32 @!p0 $0xFFFFE000  }
0x94: {  	_ =	swait.ge @!p0 [sflag:s6], $0x400  }
0x95: {  	[sflag:s6] =	ssyncset.done @!p0 $0x0  }
0x96: {  	s0 =	sand.u32 $0x1, s29;
	[sflag:s6] =	ssyncadd.s32 @!p0 $0xFFFFFC00;
	p0 =	por @!p0 $0x1, $0x1  }
0x97: {  	s15 =	sadd.s32 $0x1, s29  }
0x98: {  	s6 =	simm.s32 $0x1;
	s8 =	sshll.u32 s15, $0xE  }
0x99: {  	s6 =	simm.s32 @!p2 $0x0;
	s8 =	sor.u32 s14, s8  }
0x9a: {  	s6 =	sshll.u32 s6, $0x7;
	s8 =	sshrl.u32 s8, $0x3  }
0x9b: {  	s17 =	sxor.u32 $0x1, s0;
	s19 =	sadd.s32 $0xCB80, s6;
	s28 =	sadd.s32 s5, s8  }
0x9c: {  	s31 =	simm.s32 $0x10;
	s6 =	sadd.s32 $0x100, s19;
	s8 =	sadd.s32 $0x0, s28  }
.LBB2_8:
0x9d: {  	[tilespmem:s19], [sflag:$0x2] =	stream.linear.gather [hbm4b:s8+s4], $0x80, $0x38;
	[tilespmem:$0x1EEC0] =	vst v63  }
0x9e: {  	s8 =	smov.u32 s31;
	s19 =	smov.u32 s6;
	p0 =	sne.s32 s31, $0x3F0  }
.Ltmp3:
0x9f: {  	s31 =	sadd.s32 $0x10, s31;
	(pc) =	sbr.rel @p0 .LBB2_8-.Ltmp3, $2  }
0xa0: {  	_ =	sdelay $0x2  }
0xa1: {  	s6 =	sadd.s32 $0x100, s6;
	s8 =	sadd.s32 s8, s28  }
0xa2: {  	[tilespmem:s19], [sflag:$0x2] =	stream.linear.gather [hbm4b:s8+s4], $0x80, $0x38;
	[tilespmem:$0x1EEC0] =	vst v63  }
0xa3: {  	s6 =	sshll.u32 s15, $0x9;
	s28 =	sshll.u32 s17, $0xA;
	s31 =	rddreg [dreg:$0xc]  }
0xa4: {  	p0 =	por $0x0, $0x0;
	s8 =	sor.u32 $0xC380, s28;
	s6 =	sadd.s32 s6, s31  }
0xa5: {  	[tilespmem:s8], [sflag:$0x2] =	stream.linear.gather [hbm4b:s6+s4], $0x400, $0x38;
	[tilespmem:$0x1EEC0] =	vst v63  }
.LBB2_10:
0xa6: {  	[tilespmem:s4], [sflag:$0x3] =	stream.strided.gather [spmem:s22], $0xC300, s21, s18, $0x38;
	[tilespmem:$0x1EEC0] =	vst v63  }
0xa7: {  	p1 =	sne.s32 @!p0 s7, $0x0  }
0xa8: {  	s15 =	sadd.s32 @!p0 $0x1, s29;
	p5 =	por p1, p0  }
0xa9: {  	s6 =	smul.u32 @!p5 $0x30E000, s15  }
0xaa: {  	_ =	swait.ge [sflag:s25], $0xC300  }
0xab: {  	[sflag:s25] =	ssyncset.done $0x0;
	s6 =	sadd.s32 @!p5 s9, s6  }
0xac: {  	s8 =	sshrl.u32 @!p5 s2, $0x3;
	[sflag:s25] =	ssyncadd.s32 $0xFFFF3D00;
	s6 =	sshrl.u32 @!p5 s6, $0x3  }
0xad: {  	s17 =	simm.s32 @!p5 $0x1C01;
	[bflag:$0x0] =	sbarrier.arrive $0xFFFF;
	s6 =	sadd.s32 @!p5 s1, s6  }
0xae: {  	[spmem:s8], [sflag:s17] =	dma.local @!p5 [hbm:s6], $0x6180  }
0xaf: {  	s6 =	sld [smem:$0x7F3];
	_ =	sdelay $0x2  }
0xb0: {  	p4 =	seq.s32 s6, $0x1  }
0xb1: {  	p1 =	por !p4, p0  }
0xb2: {  	s6 =	simm.s32 $0x1;
	s8 =	smul.u32 @!p1 $0x30E000, s15  }
0xb3: {  	s6 =	simm.s32 @!p6 $0x0  }
0xb4: {  	s6 =	sshll.u32 s6, $0x7;
	s8 =	sadd.s32 @!p1 s8, s12  }
0xb5: {  	s31 =	sadd.s32 $0xCC80, s6;
	s6 =	sshrl.u32 @!p1 s8, $0x3;
	s8 =	sshll.u32 @!p1 s7, $0x6  }
0xb6: {  	s17 =	sshrl.u32 @!p1 s11, $0x3;
	s6 =	sadd.s32 @!p1 s1, s6;
	s8 =	sor.u32 @!p1 $0x1C01, s8  }
0xb7: {  	[spmem:s17], [sflag:s8] =	dma.local @!p1 [hbm:s6], $0x6180  }
0xb8: {  	v2 =	vld [tilespmem:s31+$0x70]  }
0xb9: {  	v3 =	vld [tilespmem:s31+$0xFFFFFF10]  }
0xba: {  	v4 =	vld [tilespmem:s31+$0xFFFFFF20]  }
0xbb: {  	v5 =	vld [tilespmem:s31+$0xFFFFFF30]  }
0xbc: {  	v6 =	vld [tilespmem:s31+$0xFFFFFF40]  }
0xbd: {  	v7 =	vld [tilespmem:s31+$0xFFFFFF50]  }
0xbe: {  	v8 =	vld [tilespmem:s31+$0xFFFFFF60]  }
0xbf: {  	v10 =	vld [tilespmem:s31+$0xFFFFFF70]  }
0xc0: {  	v11 =	vld [tilespmem:s31+$0x0]  }
0xc1: {  	v13 =	vld [tilespmem:s31+$0xFFFFFF00]  }
0xc2: {  	v12 =	vld [tilespmem:s31+$0x10];
	vm0 =	vlt.s32 v2, $0xC2FF  }
0xc3: {  	v14 =	vld [tilespmem:s31+$0x20];
	vm10 =	vlt.s32 v3, $0xC2FF;
	v9 =	vnsel vm0, $0xC2FF, v2  }
0xc4: {  	v16 =	vld [tilespmem:s31+$0x30];
	vm11 =	vlt.s32 v4, $0xC2FF;
	v15 =	vnsel vm10, $0xC2FF, v3  }
0xc5: {  	v18 =	vld [tilespmem:s31+$0x40];
	vm12 =	vlt.s32 v5, $0xC2FF;
	v17 =	vnsel vm11, $0xC2FF, v4  }
0xc6: {  	v20 =	vld [tilespmem:s31+$0x50];
	vm13 =	vlt.s32 v13, $0xC2FF;
	v19 =	vnsel vm12, $0xC2FF, v5  }
0xc7: {  	v21 =	vld [tilespmem:s31+$0x60];
	vm1 =	vlt.s32 v6, $0xC2FF;
	v22 =	vnsel vm13, $0xC2FF, v13  }
0xc8: {  	vm15 =	vlt.s32 v7, $0xC2FF;
	v45 =	vnsel vm1, $0xC2FF, v6;
	v9 =	vld.idx.msk [tilespmem:v9+s4+$0x0], $0xffff  }
0xc9: {  	vm5 =	vlt.s32 v10, $0xC2FF;
	v23 =	vnsel vm15, $0xC2FF, v7;
	v15 =	vld.idx.msk [tilespmem:v15+s4+$0x0], $0xffff  }
0xca: {  	vm6 =	vlt.s32 v11, $0xC2FF;
	v24 =	vnsel vm5, $0xC2FF, v10;
	v17 =	vld.idx.msk [tilespmem:v17+s4+$0x0], $0xffff  }
0xcb: {  	vm9 =	vlt.s32 v12, $0xC2FF;
	v47 =	vnsel vm6, $0xC2FF, v11;
	v19 =	vld.idx.msk [tilespmem:v19+s4+$0x0], $0xffff  }
0xcc: {  	v48 =	vnsel vm9, $0xC2FF, v12;
	vm10 =	vlt.s32 v14, $0xC2FF;
	v22 =	vld.idx.msk [tilespmem:v22+s4+$0x0], $0xffff  }
0xcd: {  	vm14 =	vlt.s32 v2, $0xC300;
	vm12 =	vlt.s32 v16, $0xC2FF;
	v50 =	vnsel vm10, $0xC2FF, v14;
	v2 =	vld.idx.msk [tilespmem:v45+s4+$0x0], $0xffff  }
0xce: {  	vm4 =	vlt.s32 v8, $0xC2FF;
	vm15 =	vlt.s32 v18, $0xC2FF;
	v51 =	vnsel vm12, $0xC2FF, v16;
	v23 =	vld.idx.msk [tilespmem:v23+s4+$0x0], $0xffff  }
0xcf: {  	v46 =	vnsel vm4, $0xC2FF, v8;
	vm4 =	vlt.s32 v20, $0xC2FF;
	v54 =	vnsel vm15, $0xC2FF, v18;
	v49 =	vld.idx.msk [tilespmem:v24+s4+$0x0], $0xffff  }
0xd0: {  	vm7 =	vlt.s32 v3, $0xC300;
	v55 =	vnsel vm4, $0xC2FF, v20;
	v3 =	vld.idx.msk [tilespmem:v47+s4+$0x0], $0xffff  }
0xd1: {  	vm8 =	vlt.s32 v13, $0xC300;
	v13 =	vld.idx.msk [tilespmem:v48+s4+$0x0], $0xffff  }
0xd2: {  	vm11 =	vlt.s32 v4, $0xC300;
	v4 =	vld.idx.msk [tilespmem:v50+s4+$0x0], $0xffff  }
0xd3: {  	v57 =	vld.idx.msk [tilespmem:v51+s4+$0x0], $0xffff  }
0xd4: {  	vm13 =	vlt.s32 v5, $0xC300;
	v5 =	vld.idx.msk [tilespmem:v54+s4+$0x0], $0xffff  }
0xd5: {  	s28 =	simm.s32 $0x10C70;
	v9 =	vnsel vm14, $0x0, v9;
	vm14 =	vlt.s32 v6, $0xC300;
	v6 =	vld.idx.msk [tilespmem:v55+s4+$0x0], $0xffff  }
0xd6: {  	[tilespmem:s28+$0x0] =	vst.add.f32.msk $0xffff, v9  }
0xd7: {  	v15 =	vnsel vm7, $0x0, v15;
	v9 =	vld.idx.msk [tilespmem:v46+s4+$0x0], $0xffff  }
0xd8: {  	v22 =	vnsel vm8, $0x0, v22;
	[tilespmem:s28+$0xFFFFFF20] =	vst.add.f32.msk $0xffff, v15  }
0xd9: {  	v52 =	vnsel vm11, $0x0, v17;
	[tilespmem:s28+$0xFFFFFF10] =	vst.add.f32.msk $0xffff, v22  }
0xda: {  	vm5 =	vlt.s32 v21, $0xC2FF;
	vm6 =	vlt.s32 v7, $0xC300;
	v53 =	vnsel vm13, $0x0, v19;
	[tilespmem:s28+$0xFFFFFF30] =	vst.add.f32.msk $0xffff, v52  }
0xdb: {  	vm9 =	vlt.s32 v11, $0xC300;
	v56 =	vnsel vm5, $0xC2FF, v21;
	v7 =	vnsel vm6, $0x0, v23;
	[tilespmem:s28+$0xFFFFFF40] =	vst.add.f32.msk $0xffff, v53  }
0xdc: {  	vm10 =	vlt.s32 v12, $0xC300;
	v3 =	vnsel vm9, $0x0, v3;
	[tilespmem:s28+$0xFFFFFF60] =	vst.add.f32.msk $0xffff, v7  }
0xdd: {  	v59 =	vnsel vm10, $0x0, v13;
	[tilespmem:s28+$0xFFFFFF90] =	vst.add.f32.msk $0xffff, v3  }
0xde: {  	v2 =	vnsel vm14, $0x0, v2;
	[tilespmem:s28+$0xFFFFFFA0] =	vst.add.f32.msk $0xffff, v59  }
0xdf: {  	vm8 =	vlt.s32 v10, $0xC300;
	[tilespmem:s28+$0xFFFFFF50] =	vst.add.f32.msk $0xffff, v2  }
0xe0: {  	vm11 =	vlt.s32 v14, $0xC300;
	v58 =	vnsel vm8, $0x0, v49;
	v2 =	vld.idx.msk [tilespmem:v56+s4+$0x0], $0xffff  }
0xe1: {  	vm12 =	vlt.s32 v16, $0xC300;
	v60 =	vnsel vm11, $0x0, v4;
	[tilespmem:s28+$0xFFFFFF80] =	vst.add.f32.msk $0xffff, v58  }
0xe2: {  	vm13 =	vlt.s32 v18, $0xC300;
	v61 =	vnsel vm12, $0x0, v57;
	[tilespmem:s28+$0xFFFFFFB0] =	vst.add.f32.msk $0xffff, v60  }
0xe3: {  	v62 =	vnsel vm13, $0x0, v5;
	vm14 =	vlt.s32 v20, $0xC300;
	[tilespmem:s28+$0xFFFFFFC0] =	vst.add.f32.msk $0xffff, v61  }
0xe4: {  	vm7 =	vlt.s32 v8, $0xC300;
	[tilespmem:s28+$0xFFFFFFD0] =	vst.add.f32.msk $0xffff, v62;
	v63 =	vnsel vm14, $0x0, v6  }
0xe5: {  	vm15 =	vlt.s32 v21, $0xC300;
	v8 =	vnsel vm7, $0x0, v9;
	[tilespmem:s28+$0xFFFFFFE0] =	vst.add.f32.msk $0xffff, v63  }
0xe6: {  	[tilespmem:s28+$0xFFFFFF70] =	vst.add.f32.msk $0xffff, v8;
	v2 =	vnsel vm15, $0x0, v2  }
0xe7: {  	s19 =	sadd.s32 $0x200, s31;
	s17 =	simm.s32 $0x0;
	[tilespmem:s28+$0xFFFFFFF0] =	vst.add.f32.msk $0xffff, v2  }
.LBB2_11:
0xe8: {  	v2 =	vld [tilespmem:s19+$0x70]  }
0xe9: {  	v3 =	vld [tilespmem:s19+$0xFFFFFF10]  }
0xea: {  	v4 =	vld [tilespmem:s19+$0xFFFFFF20]  }
0xeb: {  	v5 =	vld [tilespmem:s19+$0xFFFFFF30]  }
0xec: {  	v6 =	vld [tilespmem:s19+$0xFFFFFF40]  }
0xed: {  	v7 =	vld [tilespmem:s19+$0xFFFFFF50]  }
0xee: {  	v8 =	vld [tilespmem:s19+$0xFFFFFF60]  }
0xef: {  	v10 =	vld [tilespmem:s19+$0xFFFFFF70]  }
0xf0: {  	v11 =	vld [tilespmem:s19+$0x0]  }
0xf1: {  	v12 =	vld [tilespmem:s19+$0x10]  }
0xf2: {  	v13 =	vld [tilespmem:s19+$0x20]  }
0xf3: {  	v0 =	vimm.s32 $0x0;
	v14 =	vld [tilespmem:s19+$0x30];
	vm1 =	vlt.s32 v2, $0xC2FF  }
0xf4: {  	v15 =	vld [tilespmem:s19+$0x40];
	vm0 =	vlt.s32 v3, $0xC300;
	vm2 =	vlt.s32 v3, $0xC2FF;
	v9 =	vnsel vm1, $0xC2FF, v2  }
0xf5: {  	v16 =	vld [tilespmem:s19+$0x50];
	vm14 =	vlt.s32 v4, $0xC2FF;
	vm3 =	vlt.s32 v5, $0xC2FF;
	v3 =	vnsel vm2, $0xC2FF, v3  }
0xf6: {  	v17 =	vld [tilespmem:s19+$0x60];
	v0 =	vsel vm0, $0xFFFFFFFF, v0;
	vm1 =	vlt.s32 v4, $0xC300;
	v4 =	vnsel vm14, $0xC2FF, v4  }
0xf7: {  	v18 =	vld [tilespmem:s19+$0xFFFFFF00];
	vm4 =	vlt.s32 v6, $0xC2FF;
	vm2 =	vlt.s32 v5, $0xC300;
	v5 =	vnsel vm3, $0xC2FF, v5;
	[tilespmem:$0x1FFE0] =	vst v0  }
0xf8: {  	vm5 =	vlt.s32 v7, $0xC2FF;
	vm3 =	vlt.s32 v6, $0xC300;
	v6 =	vnsel vm4, $0xC2FF, v6;
	v0 =	vld [tilespmem:$0x1FFE0]  }
0xf9: {  	vm6 =	vlt.s32 v8, $0xC2FF;
	vm4 =	vlt.s32 v7, $0xC300;
	v7 =	vnsel vm5, $0xC2FF, v7;
	v9 =	vld.idx.msk [tilespmem:v9+s4+$0x0], $0xffff  }
0xfa: {  	vm7 =	vlt.s32 v10, $0xC2FF;
	vm5 =	vlt.s32 v8, $0xC300;
	v8 =	vnsel vm6, $0xC2FF, v8;
	v52 =	vld.idx.msk [tilespmem:v3+s4+$0x0], $0xffff  }
0xfb: {  	vm8 =	vlt.s32 v11, $0xC2FF;
	vm6 =	vlt.s32 v10, $0xC300;
	v10 =	vnsel vm7, $0xC2FF, v10;
	v55 =	vld.idx.msk [tilespmem:v4+s4+$0x0], $0xffff  }
0xfc: {  	vm15 =	vlt.s32 v12, $0xC2FF;
	vm7 =	vlt.s32 v11, $0xC300;
	v11 =	vnsel vm8, $0xC2FF, v11;
	v5 =	vld.idx.msk [tilespmem:v5+s4+$0x0], $0xffff  }
0xfd: {  	vm9 =	vlt.s32 v12, $0xC300;
	vm10 =	vlt.s32 v13, $0xC2FF;
	v12 =	vnsel vm15, $0xC2FF, v12;
	v6 =	vld.idx.msk [tilespmem:v6+s4+$0x0], $0xffff  }
0xfe: {  	vm13 =	vlt.s32 v16, $0xC2FF;
	vm8 =	vlt.s32 v13, $0xC300;
	v13 =	vnsel vm10, $0xC2FF, v13;
	v7 =	vld.idx.msk [tilespmem:v7+s4+$0x0], $0xffff  }
0xff: {  	vm0 =	vlt.s32 v15, $0xC2FF;
	v57 =	vnsel vm13, $0xC2FF, v16;
	v8 =	vld.idx.msk [tilespmem:v8+s4+$0x0], $0xffff  }
0x100: {  	v56 =	vnsel vm0, $0xC2FF, v15;
	vm0 =	vlt.s32 v18, $0xC2FF;
	v10 =	vld.idx.msk [tilespmem:v10+s4+$0x0], $0xffff  }
0x101: {  	vm12 =	vlt.s32 v14, $0xC2FF;
	v59 =	vnsel vm0, $0xC2FF, v18;
	v11 =	vld.idx.msk [tilespmem:v11+s4+$0x0], $0xffff  }
0x102: {  	v54 =	vnsel vm12, $0xC2FF, v14;
	vm15 =	vlt.s32 v17, $0xC2FF;
	v12 =	vld.idx.msk [tilespmem:v12+s4+$0x0], $0xffff  }
0x103: {  	v58 =	vnsel vm15, $0xC2FF, v17;
	v13 =	vld.idx.msk [tilespmem:v13+s4+$0x0], $0xffff  }
0x104: {  	vm10 =	vlt.s32 v14, $0xC300;
	v14 =	vld.idx.msk [tilespmem:v57+s4+$0x0], $0xffff  }
0x105: {  	v4 =	vld.idx.msk [tilespmem:v56+s4+$0x0], $0xffff  }
0x106: {  	vm11 =	vlt.s32 v2, $0xC300;
	vm12 =	vlt.s32 v16, $0xC300;
	v16 =	vld.idx.msk [tilespmem:v59+s4+$0x0], $0xffff  }
0x107: {  	v53 =	vnsel vm11, $0x0, v9;
	v9 =	vld.idx.msk [tilespmem:v54+s4+$0x0], $0xffff  }
0x108: {  	s28 =	sadd.s32 $0x100, s28;
	vm15 =	vnez.u8 v0;
	vm11 =	vlt.s32 v15, $0xC300;
	v15 =	vld.idx.msk [tilespmem:v58+s4+$0x0], $0xffff  }
0x109: {  	v2 =	vnsel vm15, $0x0, v52;
	[tilespmem:s28+$0x0] =	vst.add.f32.msk $0xffff, v53  }
0x10a: {  	v3 =	vnsel vm1, $0x0, v55;
	[tilespmem:s28+$0xFFFFFF20] =	vst.add.f32.msk $0xffff, v2  }
0x10b: {  	v5 =	vnsel vm2, $0x0, v5;
	[tilespmem:s28+$0xFFFFFF30] =	vst.add.f32.msk $0xffff, v3  }
0x10c: {  	v6 =	vnsel vm3, $0x0, v6;
	[tilespmem:s28+$0xFFFFFF40] =	vst.add.f32.msk $0xffff, v5  }
0x10d: {  	v7 =	vnsel vm4, $0x0, v7;
	[tilespmem:s28+$0xFFFFFF50] =	vst.add.f32.msk $0xffff, v6  }
0x10e: {  	v8 =	vnsel vm5, $0x0, v8;
	[tilespmem:s28+$0xFFFFFF60] =	vst.add.f32.msk $0xffff, v7  }
0x10f: {  	v10 =	vnsel vm6, $0x0, v10;
	[tilespmem:s28+$0xFFFFFF70] =	vst.add.f32.msk $0xffff, v8  }
0x110: {  	v11 =	vnsel vm7, $0x0, v11;
	[tilespmem:s28+$0xFFFFFF80] =	vst.add.f32.msk $0xffff, v10  }
0x111: {  	v12 =	vnsel vm9, $0x0, v12;
	[tilespmem:s28+$0xFFFFFF90] =	vst.add.f32.msk $0xffff, v11  }
0x112: {  	s17 =	sadd.s32 $0x100, s17;
	v60 =	vnsel vm8, $0x0, v13;
	[tilespmem:s28+$0xFFFFFFA0] =	vst.add.f32.msk $0xffff, v12  }
0x113: {  	p3 =	slt.u32 s17, $0x1F00;
	v62 =	vnsel vm12, $0x0, v14;
	[tilespmem:s28+$0xFFFFFFB0] =	vst.add.f32.msk $0xffff, v60  }
.Ltmp4:
0x114: {  	vm14 =	vlt.s32 v18, $0xC300;
	v4 =	vnsel vm11, $0x0, v4;
	[tilespmem:s28+$0xFFFFFFE0] =	vst.add.f32.msk $0xffff, v62;
	(pc) =	sbr.rel @p3 .LBB2_11-.Ltmp4, $4  }
0x115: {  	v16 =	vnsel vm14, $0x0, v16;
	[tilespmem:s28+$0xFFFFFFD0] =	vst.add.f32.msk $0xffff, v4  }
0x116: {  	vm13 =	vlt.s32 v17, $0xC300;
	[tilespmem:s28+$0xFFFFFF10] =	vst.add.f32.msk $0xffff, v16;
	v61 =	vnsel vm10, $0x0, v9  }
0x117: {  	v63 =	vnsel vm13, $0x0, v15;
	[tilespmem:s28+$0xFFFFFFC0] =	vst.add.f32.msk $0xffff, v61  }
0x118: {  	s19 =	sadd.s32 $0x200, s19;
	[tilespmem:s28+$0xFFFFFFF0] =	vst.add.f32.msk $0xffff, v63  }
0x119: {  	[tilespmem:s4], [sflag:$0x3] =	stream.strided.gather [spmem:s23], $0xC380, s21, s18, $0x38;
	[tilespmem:$0x1EEC0] =	vst v63  }
0x11a: {  	s6 =	sld [smem:$0x7F5];
	_ =	swait.ge [sflag:s25], $0xC380  }
0x11b: {  	[sflag:s25] =	ssyncset.done $0x0  }
0x11c: {  	[sflag:s25] =	ssyncadd.s32 $0xFFFF3C80  }
0x11d: {  	s8 =	rddreg [dreg:$0xa];
	p3 =	seq.s32 s6, $0x1;
	[bflag:$0x0] =	sbarrier.arrive $0xFFFF  }
0x11e: {  	p3 =	por !p3, p0;
	s17 =	sld [smem:$0x7F4]  }
0x11f: {  	s6 =	smul.u32 @!p3 $0x30E000, s15;
	_ =	sdelay $0x1  }
0x120: {  	s6 =	sadd.s32 @!p3 s6, s8;
	s8 =	sshll.u32 @!p3 s7, $0x6;
	p4 =	seq.s32 s17, $0x1  }
0x121: {  	s6 =	sshrl.u32 @!p3 s6, $0x3;
	s8 =	sor.u32 @!p3 $0x1C01, s8;
	p0 =	por !p4, p0  }
0x122: {  	s17 =	sshrl.u32 @!p3 s3, $0x3;
	s6 =	sadd.s32 @!p3 s1, s6;
	s15 =	smul.u32 @!p0 $0x30E000, s15  }
0x123: {  	[spmem:s17], [sflag:s8] =	dma.local @!p3 [hbm:s6], $0x6180  }
0x124: {  	s6 =	rddreg [dreg:$0x8]  }
0x125: {  	s6 =	sadd.s32 @!p0 s15, s6  }
0x126: {  	s8 =	sshll.u32 @!p0 s7, $0x6;
	s6 =	sshrl.u32 @!p0 s6, $0x3  }
0x127: {  	s8 =	sor.u32 @!p0 $0x1C01, s8;
	s15 =	sshrl.u32 @!p0 s10, $0x3;
	s6 =	sadd.s32 @!p0 s1, s6  }
0x128: {  	[spmem:s15], [sflag:s8] =	dma.local @!p0 [hbm:s6], $0x6200  }
0x129: {  	v16 =	vld [tilespmem:s31+$0x70]  }
0x12a: {  	v15 =	vld [tilespmem:s31+$0xFFFFFF10]  }
0x12b: {  	v14 =	vld [tilespmem:s31+$0xFFFFFF20]  }
0x12c: {  	v11 =	vld [tilespmem:s31+$0xFFFFFF30]  }
0x12d: {  	v9 =	vld [tilespmem:s31+$0xFFFFFF40]  }
0x12e: {  	v0 =	vld [tilespmem:$0x1FFF0]  }
0x12f: {  	v7 =	vld [tilespmem:s31+$0xFFFFFF50]  }
0x130: {  	v4 =	vld [tilespmem:s31+$0xFFFFFF60]  }
0x131: {  	v5 =	vld [tilespmem:s31+$0xFFFFFF70]  }
0x132: {  	v6 =	vld [tilespmem:s31+$0x0]  }
0x133: {  	s0 =	sshll.u32 s0, $0xA;
	v13 =	vld [tilespmem:s31+$0x50]  }
0x134: {  	v2 =	vor.u32 s0, v0;
	v3 =	vadd.s32 $0xFFFE7980, v16  }
0x135: {  	v18 =	vadd.s32 $0xFFFF3D00, v16;
	v17 =	vadd.s32 $0xFFFE7980, v15;
	v19 =	vadd.s32 $0xFFFE7980, v14  }
0x136: {  	v21 =	vadd.s32 $0xFFFE7980, v11;
	v22 =	vadd.s32 $0xFFFE7980, v9;
	v24 =	vadd.s32 $0xFFFE7980, v7  }
0x137: {  	v25 =	vadd.s32 $0xFFFE7980, v4;
	v26 =	vadd.s32 $0xFFFE7980, v5;
	v27 =	vadd.s32 $0xFFFE7980, v6  }
0x138: {  	v34 =	vadd.s32 $0xFFFE7980, v13;
	vm9 =	vlt.s32 v16, $0x18680;
	vm15 =	vgt.s32 v16, $0x1867F  }
0x139: {  	v36 =	vadd.s32 $0xFFFF3D00, v15;
	v37 =	vadd.s32 $0xFFFF3D00, v14;
	v38 =	vadd.s32 $0xFFFF3D00, v11  }
0x13a: {  	v39 =	vadd.s32 $0xFFFF3D00, v9;
	v40 =	vadd.s32 $0xFFFF3D00, v7;
	v41 =	vadd.s32 $0xFFFF3D00, v4  }
0x13b: {  	v42 =	vadd.s32 $0xFFFF3D00, v5;
	v43 =	vadd.s32 $0xFFFF3D00, v6;
	v49 =	vadd.s32 $0xFFFF3D00, v13  }
0x13c: {  	v0 =	vbroadcast v2, $0x0;
	vm0 =	vgt.s32 v3, $0x0;
	vm1 =	vgt.s32 v18, $0x0  }
0x13d: {  	vm13 =	vgt.s32 v17, $0x0;
	vm2 =	vgt.s32 v19, $0x0;
	vm3 =	vgt.s32 v21, $0x0  }
0x13e: {  	vm4 =	vgt.s32 v22, $0x0;
	vm5 =	vgt.s32 v24, $0x0;
	vm6 =	vgt.s32 v25, $0x0  }
0x13f: {  	vm7 =	vgt.s32 v26, $0x0;
	vm8 =	vgt.s32 v18, $0xFFFFFFFF;
	vm10 =	vgt.s32 v34, $0x0  }
0x140: {  	v8 =	vnsel vm0, $0x0, v3;
	v10 =	vnsel vm1, $0x0, v18;
	vm0 =	vgt.s32 v27, $0x0  }
0x141: {  	v29 =	vnsel vm13, $0x0, v17;
	v31 =	vnsel vm2, $0x0, v19;
	v21 =	vnsel vm3, $0x0, v21  }
0x142: {  	v22 =	vnsel vm4, $0x0, v22;
	v24 =	vnsel vm5, $0x0, v24;
	vm14 =	vmand vm9, vm8  }
0x143: {  	v34 =	vnsel vm10, $0x0, v34;
	vm5 =	vgt.s32 v39, $0x0;
	vm8 =	vgt.s32 v42, $0x0  }
0x144: {  	vm9 =	vgt.s32 v43, $0x0;
	v12 =	vand.u32 $0x7FFFFF80, v8;
	v20 =	vmin.u32 v10, $0xC37F  }
0x145: {  	v3 =	vld [tilespmem:s31+$0x10];
	v10 =	vand.u32 $0x7F, v8;
	v50 =	vand.u32 $0x7FFFFF80, v29;
	v54 =	vand.u32 $0x7FFFFF80, v31  }
0x146: {  	v17 =	vld [tilespmem:s31+$0x60];
	v29 =	vand.u32 $0x7F, v29;
	v55 =	vand.u32 $0x7FFFFF80, v21;
	v31 =	vand.u32 $0x7F, v31  }
0x147: {  	v8 =	vld [tilespmem:s31+$0x20];
	v21 =	vand.u32 $0x7F, v21;
	v56 =	vand.u32 $0x7FFFFF80, v22;
	v57 =	vand.u32 $0x7FFFFF80, v24  }
0x148: {  	v22 =	vand.u32 $0x7F, v22;
	v12 =	vadd.s32 v0, v12;
	v50 =	vadd.s32 v0, v50  }
0x149: {  	v23 =	vor.u32 v10, v12;
	v10 =	vld [tilespmem:s31+$0x30];
	v29 =	vor.u32 v29, v50;
	v50 =	vadd.s32 v0, v55  }
0x14a: {  	v24 =	vand.u32 $0x7F, v24;
	v12 =	vld [tilespmem:s31+$0x40];
	v21 =	vor.u32 v21, v50;
	v50 =	vadd.s32 v0, v57  }
0x14b: {  	v28 =	vadd.s32 $0xFFFE7980, v3;
	v35 =	vadd.s32 $0xFFFE7980, v17;
	v44 =	vadd.s32 $0xFFFF3D00, v3  }
0x14c: {  	v19 =	vld [tilespmem:s31+$0xFFFFFF00];
	v24 =	vor.u32 v24, v50;
	v30 =	vadd.s32 $0xFFFE7980, v8;
	vm1 =	vgt.s32 v28, $0x0  }
0x14d: {  	v20 =	vld.idx.msk [tilespmem:v20+s4+$0x0], $0xffff;
	vm12 =	vgt.s32 v35, $0x0;
	v45 =	vadd.s32 $0xFFFF3D00, v8;
	vm10 =	vgt.s32 v44, $0x0  }
0x14e: {  	vm2 =	vgt.s32 v30, $0x0;
	v35 =	vnsel vm12, $0x0, v35;
	vm11 =	vgt.s32 v45, $0x0  }
0x14f: {  	v23 =	vld.idx.msk [tilespmem:v23+s13+$0x0], $0xffff;
	v32 =	vadd.s32 $0xFFFE7980, v10;
	v33 =	vadd.s32 $0xFFFE7980, v12;
	v46 =	vadd.s32 $0xFFFF3D00, v10  }
0x150: {  	v48 =	vadd.s32 $0xFFFF3D00, v12;
	vm3 =	vgt.s32 v32, $0x0;
	vm4 =	vgt.s32 v33, $0x0  }
0x151: {  	vm12 =	vgt.s32 v46, $0x0;
	v53 =	vnsel vm4, $0x0, v33;
	v33 =	vadd.s32 $0xFFFF3D00, v19  }
0x152: {  	vm4 =	vgt.s32 v38, $0x0;
	v16 =	vnsel vm14, $0x0, v20;
	v20 =	vadd.s32 $0xFFFE7980, v19  }
0x153: {  	v52 =	vand.u32 $0x7FFFFF80, v53;
	vm14 =	vgt.s32 v36, $0xFFFFFFFF;
	vm13 =	vgt.s32 v20, $0x0  }
0x154: {  	v18 =	vnsel vm15, $0x0, v23;
	v23 =	vnsel vm6, $0x0, v25;
	v25 =	vnsel vm7, $0x0, v26  }
0x155: {  	v20 =	vnsel vm13, $0x0, v20;
	v26 =	vnsel vm0, $0x0, v27;
	v27 =	vnsel vm1, $0x0, v28  }
0x156: {  	v28 =	vnsel vm2, $0x0, v30;
	v30 =	vnsel vm3, $0x0, v32;
	v32 =	vand.u32 $0x7F, v53  }
0x157: {  	v53 =	vand.u32 $0x7FFFFF80, v34;
	v34 =	vand.u32 $0x7F, v34;
	vm0 =	vgt.s32 v33, $0x0  }
0x158: {  	vm2 =	vgt.s32 v36, $0x0;
	vm3 =	vgt.s32 v37, $0x0;
	vm6 =	vgt.s32 v40, $0x0  }
0x159: {  	vm7 =	vgt.s32 v41, $0x0;
	vm13 =	vgt.s32 v48, $0x0;
	vm1 =	vgt.s32 v49, $0x0  }
0x15a: {  	v47 =	vand.u32 $0x7FFFFF80, v20;
	v20 =	vand.u32 $0x7F, v20;
	v58 =	vand.u32 $0x7FFFFF80, v23  }
0x15b: {  	v23 =	vand.u32 $0x7F, v23;
	v59 =	vand.u32 $0x7FFFFF80, v25;
	v60 =	vand.u32 $0x7FFFFF80, v26  }
0x15c: {  	v25 =	vand.u32 $0x7F, v25;
	v61 =	vand.u32 $0x7FFFFF80, v27;
	v26 =	vand.u32 $0x7F, v26  }
0x15d: {  	v27 =	vand.u32 $0x7F, v27;
	v62 =	vand.u32 $0x7FFFFF80, v28;
	v63 =	vand.u32 $0x7FFFFF80, v30  }
0x15e: {  	v28 =	vand.u32 $0x7F, v28;
	v30 =	vand.u32 $0x7F, v30;
	v55 =	vnsel vm0, $0x0, v33  }
0x15f: {  	vm0 =	vgt.s32 v33, $0xFFFFFFFF;
	v33 =	vnsel vm2, $0x0, v36;
	v36 =	vnsel vm3, $0x0, v37  }
0x160: {  	vm2 =	vgt.s32 v37, $0xFFFFFFFF;
	v37 =	vnsel vm4, $0x0, v38;
	vm3 =	vgt.s32 v38, $0xFFFFFFFF  }
0x161: {  	vm4 =	vgt.s32 v39, $0xFFFFFFFF;
	v57 =	vnsel vm6, $0x0, v40;
	vm6 =	vgt.s32 v41, $0xFFFFFFFF  }
0x162: {  	v18 =	vadd.f32 v16, v18;
	v47 =	vadd.s32 v0, v47;
	v50 =	vadd.s32 v0, v59  }
0x163: {  	v59 =	vnsel vm8, $0x0, v42;
	vm8 =	vgt.s32 v43, $0xFFFFFFFF;
	v55 =	vmin.u32 v55, $0xC37F  }
0x164: {  	v33 =	vmin.u32 v33, $0xC37F;
	v36 =	vmin.u32 v36, $0xC37F;
	v37 =	vmin.u32 v37, $0xC37F  }
0x165: {  	v20 =	vor.u32 v20, v47;
	v47 =	vadd.s32 v0, v54;
	v25 =	vor.u32 v25, v50  }
0x166: {  	v50 =	vadd.s32 v0, v61;
	v54 =	vand.u32 $0x7FFFFF80, v35;
	v35 =	vand.u32 $0x7F, v35  }
0x167: {  	v61 =	vnsel vm10, $0x0, v44;
	vm10 =	vgt.s32 v45, $0xFFFFFFFF;
	v31 =	vor.u32 v31, v47  }
0x168: {  	v47 =	vadd.s32 v0, v56;
	v27 =	vor.u32 v27, v50;
	v50 =	vadd.s32 v0, v63  }
0x169: {  	v56 =	vnsel vm5, $0x0, v39;
	vm5 =	vgt.s32 v40, $0xFFFFFFFF;
	v22 =	vor.u32 v22, v47  }
0x16a: {  	v47 =	vadd.s32 v0, v58;
	v30 =	vor.u32 v30, v50;
	v50 =	vadd.s32 v0, v53  }
0x16b: {  	v53 =	vnsel vm1, $0x0, v49;
	v23 =	vor.u32 v23, v47;
	v47 =	vadd.s32 v0, v60  }
0x16c: {  	[tilespmem:$0x1FFB0] =	vst v0;
	vm1 =	vlt.s32 v19, $0x18680;
	v26 =	vor.u32 v26, v47;
	v47 =	vadd.s32 v0, v62  }
0x16d: {  	v29 =	vld.idx.msk [tilespmem:v29+s13+$0x0], $0xffff;
	v34 =	vor.u32 v34, v50;
	v28 =	vor.u32 v28, v47;
	v47 =	vadd.s32 v0, v52  }
0x16e: {  	v21 =	vld.idx.msk [tilespmem:v21+s13+$0x0], $0xffff;
	v50 =	vadd.s32 v0, v54;
	v32 =	vor.u32 v32, v47;
	v47 =	vadd.s32 $0xFFFF3D00, v17  }
0x16f: {  	vm0 =	vmand vm1, vm0;
	v20 =	vld.idx.msk [tilespmem:v20+s13+$0x0], $0xffff;
	v0 =	vimm.s32 $0x0;
	vm15 =	vgt.s32 v47, $0x0  }
0x170: {  	v31 =	vld.idx.msk [tilespmem:v31+s13+$0x0], $0xffff;
	v0 =	vsel vm0, $0xFFFFFFFF, v0;
	v54 =	vnsel vm15, $0x0, v47;
	vm15 =	vlt.s32 v15, $0x18680  }
0x171: {  	v63 =	vnsel vm12, $0x0, v46;
	v22 =	vld.idx.msk [tilespmem:v22+s13+$0x0], $0xffff;
	[tilespmem:$0x1FFC0] =	vst v0;
	v0 =	vimm.s32 $0x0;
	vm14 =	vmand vm15, vm14  }
0x172: {  	vm12 =	vgt.s32 v48, $0xFFFFFFFF;
	v58 =	vnsel vm7, $0x0, v41;
	v0 =	vsel vm14, $0xFFFFFFFF, v0  }
0x173: {  	vm7 =	vgt.s32 v42, $0xFFFFFFFF;
	v38 =	vmin.u32 v56, $0xC37F;
	v60 =	vnsel vm9, $0x0, v43;
	[tilespmem:$0x1FFD0] =	vst v0;
	v0 =	vld [tilespmem:$0x1FFC0]  }
0x174: {  	vm9 =	vgt.s32 v44, $0xFFFFFFFF;
	v35 =	vor.u32 v35, v50;
	v62 =	vnsel vm11, $0x0, v45;
	v24 =	vld.idx.msk [tilespmem:v24+s13+$0x0], $0xffff  }
0x175: {  	vm11 =	vgt.s32 v46, $0xFFFFFFFF;
	v52 =	vnsel vm13, $0x0, v48;
	vm0 =	vlt.s32 v14, $0x18680;
	v23 =	vld.idx.msk [tilespmem:v23+s13+$0x0], $0xffff  }
0x176: {  	vm13 =	vgt.s32 v49, $0xFFFFFFFF;
	vm2 =	vmand vm0, vm2;
	vm0 =	vlt.s32 v9, $0x18680;
	v25 =	vld.idx.msk [tilespmem:v25+s13+$0x0], $0xffff  }
0x177: {  	vm1 =	vgt.s32 v47, $0xFFFFFFFF;
	vm4 =	vmand vm0, vm4;
	vm0 =	vlt.s32 v4, $0x18680;
	v26 =	vld.idx.msk [tilespmem:v26+s13+$0x0], $0xffff  }
0x178: {  	vm6 =	vmand vm0, vm6;
	vm15 =	vlt.s32 v6, $0x18680;
	vm14 =	vlt.s32 v11, $0x18680;
	v27 =	vld.idx.msk [tilespmem:v27+s13+$0x0], $0xffff  }
0x179: {  	vm8 =	vmand vm15, vm8;
	vm3 =	vmand vm14, vm3;
	vm14 =	vlt.s32 v7, $0x18680;
	v28 =	vld.idx.msk [tilespmem:v28+s13+$0x0], $0xffff  }
0x17a: {  	vm15 =	vlt.s32 v3, $0x18680;
	vm5 =	vmand vm14, vm5;
	vm14 =	vlt.s32 v5, $0x18680;
	v30 =	vld.idx.msk [tilespmem:v30+s13+$0x0], $0xffff  }
0x17b: {  	vm9 =	vmand vm15, vm9;
	v32 =	vld.idx.msk [tilespmem:v32+s13+$0x0], $0xffff;
	vm7 =	vmand vm14, vm7;
	vm14 =	vlt.s32 v8, $0x18680  }
0x17c: {  	vm15 =	vlt.s32 v10, $0x18680;
	v34 =	vld.idx.msk [tilespmem:v34+s13+$0x0], $0xffff;
	vm10 =	vmand vm14, vm10;
	vm14 =	vlt.s32 v12, $0x18680  }
0x17d: {  	vm11 =	vmand vm15, vm11;
	vm15 =	vlt.s32 v13, $0x18680;
	v35 =	vld.idx.msk [tilespmem:v35+s13+$0x0], $0xffff;
	vm12 =	vmand vm14, vm12  }
0x17e: {  	v56 =	vld.idx.msk [tilespmem:v55+s4+$0x0], $0xffff;
	vm14 =	vmand vm15, vm13;
	vm15 =	vgt.s32 v19, $0x1867F;
	v19 =	vmin.u32 v57, $0xC37F  }
0x17f: {  	v33 =	vld.idx.msk [tilespmem:v33+s4+$0x0], $0xffff;
	v20 =	vnsel vm15, $0x0, v20;
	vm15 =	vgt.s32 v15, $0x1867F;
	v15 =	vmin.u32 v58, $0xC37F  }
0x180: {  	v37 =	vld.idx.msk [tilespmem:v37+s4+$0x0], $0xffff;
	v58 =	vmin.u32 v60, $0xC37F;
	v57 =	vnsel vm15, $0x0, v29;
	vm15 =	vgt.s32 v14, $0x1867F  }
0x181: {  	v38 =	vld.idx.msk [tilespmem:v38+s4+$0x0], $0xffff;
	v14 =	vmin.u32 v59, $0xC37F;
	v31 =	vnsel vm15, $0x0, v31;
	vm15 =	vgt.s32 v11, $0x1867F  }
0x182: {  	v29 =	vld.idx.msk [tilespmem:v36+s4+$0x0], $0xffff;
	v11 =	vnsel vm15, $0x0, v21;
	vm15 =	vgt.s32 v9, $0x1867F;
	v21 =	vmin.u32 v61, $0xC37F  }
0x183: {  	v9 =	vnsel vm15, $0x0, v22;
	vm15 =	vgt.s32 v7, $0x1867F;
	v22 =	vmin.u32 v62, $0xC37F;
	v19 =	vld.idx.msk [tilespmem:v19+s4+$0x0], $0xffff  }
0x184: {  	v7 =	vnsel vm15, $0x0, v24;
	vm15 =	vgt.s32 v4, $0x1867F;
	v24 =	vmin.u32 v63, $0xC37F;
	v59 =	vld.idx.msk [tilespmem:v15+s4+$0x0], $0xffff  }
0x185: {  	v36 =	vld.idx.msk [tilespmem:v58+s4+$0x0], $0xffff;
	v4 =	vnsel vm15, $0x0, v23;
	vm15 =	vgt.s32 v5, $0x1867F;
	v23 =	vmin.u32 v52, $0xC37F  }
0x186: {  	vm13 =	vlt.s32 v17, $0x18680;
	v60 =	vld.idx.msk [tilespmem:v14+s4+$0x0], $0xffff;
	v5 =	vnsel vm15, $0x0, v25;
	vm15 =	vgt.s32 v6, $0x1867F  }
0x187: {  	v25 =	vmin.u32 v53, $0xC37F;
	v6 =	vnsel vm15, $0x0, v26;
	vm15 =	vgt.s32 v3, $0x1867F;
	v21 =	vld.idx.msk [tilespmem:v21+s4+$0x0], $0xffff  }
0x188: {  	v26 =	vmin.u32 v54, $0xC37F;
	v14 =	vnsel vm15, $0x0, v27;
	v22 =	vld.idx.msk [tilespmem:v22+s4+$0x0], $0xffff;
	vm15 =	vgt.s32 v10, $0x1867F  }
0x189: {  	vm0 =	vgt.s32 v8, $0x1867F;
	vm13 =	vmand vm13, vm1;
	v8 =	vnsel vm15, $0x0, v30;
	v30 =	vld.idx.msk [tilespmem:v24+s4+$0x0], $0xffff  }
0x18a: {  	vm1 =	vgt.s32 v17, $0x1867F;
	v15 =	vnsel vm0, $0x0, v28;
	vm15 =	vgt.s32 v12, $0x1867F;
	v23 =	vld.idx.msk [tilespmem:v23+s4+$0x0], $0xffff  }
0x18b: {  	vm0 =	vgt.s32 v13, $0x1867F;
	v10 =	vnsel vm15, $0x0, v32;
	vm15 =	vnez.u8 v0;
	v0 =	vld [tilespmem:$0x1FFD0]  }
0x18c: {  	v13 =	vnsel vm0, $0x0, v34;
	v62 =	vnsel vm2, $0x0, v29;
	v29 =	vnsel vm4, $0x0, v38;
	v61 =	vld.idx.msk [tilespmem:v25+s4+$0x0], $0xffff  }
0x18d: {  	s0 =	simm.s32 $0x10C70;
	v3 =	vnsel vm3, $0x0, v37;
	v28 =	vnsel vm5, $0x0, v19;
	v12 =	vnsel vm1, $0x0, v35;
	v63 =	vld.idx.msk [tilespmem:v26+s4+$0x0], $0xffff  }
0x18e: {  	v27 =	vnsel vm6, $0x0, v59;
	[tilespmem:s0+$0x0] =	vst.add.f32.msk $0xffff, v18;
	v18 =	vadd.f32 v62, v31;
	v17 =	vnsel vm15, $0x0, v56  }
0x18f: {  	v25 =	vnsel vm8, $0x0, v36;
	v26 =	vnsel vm7, $0x0, v60;
	v19 =	vnsel vm9, $0x0, v21  }
0x190: {  	v20 =	vadd.f32 v17, v20;
	v24 =	vnsel vm10, $0x0, v22;
	vm15 =	vnez.u8 v0  }
0x191: {  	v22 =	vnsel vm11, $0x0, v30;
	v23 =	vnsel vm12, $0x0, v23;
	v33 =	vnsel vm15, $0x0, v33  }
0x192: {  	s28 =	sadd.s32 $0x200, s31;
	s15 =	simm.s32 $0x0;
	s31 =	simm.s32 $0x10C70;
	v16 =	vnsel vm14, $0x0, v61;
	v17 =	vnsel vm13, $0x0, v63;
	v21 =	vadd.f32 v33, v57  }
.LBB2_13:
0x193: {  	v30 =	vld [tilespmem:s28+$0x70]  }
0x194: {  	v0 =	vld [tilespmem:s28+$0xFFFFFF10]  }
0x195: {  	v1 =	vld [tilespmem:s28+$0xFFFFFF20]  }
0x196: {  	v29 =	vadd.f32 v29, v9;
	v9 =	vld [tilespmem:s28+$0xFFFFFF30]  }
0x197: {  	v31 =	vadd.f32 v3, v11;
	v3 =	vld [tilespmem:s28+$0xFFFFFF40]  }
0x198: {  	v27 =	vadd.f32 v27, v4;
	v4 =	vld [tilespmem:s28+$0xFFFFFF50]  }
0x199: {  	v26 =	vadd.f32 v26, v5;
	v5 =	vld [tilespmem:s28+$0xFFFFFF60]  }
0x19a: {  	v28 =	vadd.f32 v28, v7;
	v32 =	vadd.f32 v25, v6;
	v2 =	vld [tilespmem:s28+$0x0]  }
0x19b: {  	v41 =	vadd.f32 v19, v14;
	v19 =	vadd.f32 v24, v15;
	v6 =	vld [tilespmem:s28+$0x10]  }
0x19c: {  	v22 =	vadd.f32 v22, v8;
	v39 =	vadd.f32 v23, v10;
	v15 =	vld [tilespmem:s28+$0x50]  }
0x19d: {  	v38 =	vadd.f32 v16, v13;
	v35 =	vadd.f32 v17, v12  }
0x19e: {  	v10 =	vadd.s32 $0xFFFE7980, v30;
	v16 =	vadd.s32 $0xFFFE7980, v0;
	v23 =	vadd.s32 $0xFFFF3D00, v30  }
0x19f: {  	v17 =	vadd.s32 $0xFFFE7980, v1;
	v24 =	vadd.s32 $0xFFFE7980, v9;
	v37 =	vadd.s32 $0xFFFE7980, v3  }
0x1a0: {  	v40 =	vadd.s32 $0xFFFE7980, v4;
	v42 =	vadd.s32 $0xFFFE7980, v5;
	v44 =	vadd.s32 $0xFFFE7980, v2  }
0x1a1: {  	[tilespmem:s0+$0xFFFFFF50] =	vst.add.f32.msk $0xffff, v29;
	v45 =	vadd.s32 $0xFFFE7980, v6;
	v49 =	vadd.s32 $0xFFFE7980, v15;
	vm10 =	vlt.s32 v30, $0x18680  }
0x1a2: {  	[tilespmem:s31+$0xFFFFFF70] =	vst.add.f32.msk $0xffff, v27;
	vm15 =	vgt.s32 v30, $0x1867F;
	v27 =	vadd.s32 $0xFFFF3D00, v9;
	v29 =	vadd.s32 $0xFFFF3D00, v4  }
0x1a3: {  	[tilespmem:s31+$0xFFFFFF90] =	vst.add.f32.msk $0xffff, v32;
	v30 =	vadd.s32 $0xFFFF3D00, v5;
	v32 =	vadd.s32 $0xFFFF3D00, v2;
	vm0 =	vgt.s32 v10, $0x0  }
0x1a4: {  	vm1 =	vgt.s32 v23, $0x0;
	vm3 =	vgt.s32 v16, $0x0;
	vm4 =	vgt.s32 v17, $0x0  }
0x1a5: {  	vm5 =	vgt.s32 v24, $0x0;
	vm6 =	vgt.s32 v37, $0x0;
	vm8 =	vgt.s32 v40, $0x0  }
0x1a6: {  	vm9 =	vgt.s32 v23, $0xFFFFFFFF;
	v12 =	vnsel vm0, $0x0, v10;
	v13 =	vnsel vm1, $0x0, v23  }
0x1a7: {  	vm1 =	vgt.s32 v42, $0x0;
	vm0 =	vgt.s32 v44, $0x0;
	v33 =	vnsel vm3, $0x0, v16  }
0x1a8: {  	vm3 =	vgt.s32 v45, $0x0;
	v36 =	vnsel vm5, $0x0, v24;
	v37 =	vnsel vm6, $0x0, v37  }
0x1a9: {  	v7 =	vmovc v0;
	[tilespmem:$0x1FD70] =	vst v0;
	v0 =	vld [tilespmem:$0x1FFB0];
	v40 =	vnsel vm8, $0x0, v40;
	vm14 =	vmand vm10, vm9;
	v14 =	vand.u32 $0x7FFFFF80, v12  }
0x1aa: {  	v25 =	vmin.u32 v13, $0xC37F;
	v13 =	vand.u32 $0x7F, v12;
	v42 =	vnsel vm1, $0x0, v42  }
0x1ab: {  	v44 =	vnsel vm0, $0x0, v44;
	v45 =	vnsel vm3, $0x0, v45;
	v53 =	vand.u32 $0x7FFFFF80, v36  }
0x1ac: {  	v54 =	vand.u32 $0x7FFFFF80, v40;
	v36 =	vand.u32 $0x7F, v36;
	v40 =	vand.u32 $0x7F, v40  }
0x1ad: {  	v16 =	vld [tilespmem:s28+$0x60];
	v55 =	vand.u32 $0x7FFFFF80, v42;
	v56 =	vand.u32 $0x7FFFFF80, v44;
	v57 =	vand.u32 $0x7FFFFF80, v45  }
0x1ae: {  	[tilespmem:$0x1FDA0] =	vst v3;
	v10 =	vmovc v3;
	v3 =	vld [tilespmem:s28+$0x20];
	v42 =	vand.u32 $0x7F, v42;
	v44 =	vand.u32 $0x7F, v44;
	v14 =	vadd.s32 v0, v14  }
0x1af: {  	v45 =	vand.u32 $0x7F, v45;
	v53 =	vadd.s32 v0, v53;
	v34 =	vor.u32 v13, v14;
	v13 =	vld [tilespmem:s28+$0x30]  }
0x1b0: {  	v54 =	vadd.s32 v0, v54;
	v55 =	vadd.s32 v0, v55;
	v56 =	vadd.s32 v0, v56;
	v14 =	vld [tilespmem:s28+$0x40]  }
0x1b1: {  	v57 =	vadd.s32 v0, v57;
	v36 =	vor.u32 v36, v53;
	v53 =	vor.u32 v40, v54;
	v25 =	vld.idx.msk [tilespmem:v25+s4+$0x0], $0xffff  }
0x1b2: {  	[tilespmem:s0+$0xFFFFFF30] =	vst.add.f32.msk $0xffff, v18;
	v54 =	vor.u32 v42, v55;
	v55 =	vor.u32 v44, v56;
	v18 =	vadd.s32 $0xFFFE7980, v16  }
0x1b3: {  	v56 =	vor.u32 v45, v57;
	v46 =	vadd.s32 $0xFFFE7980, v3;
	vm12 =	vgt.s32 v18, $0x0  }
0x1b4: {  	v51 =	vnsel vm12, $0x0, v18;
	v47 =	vld.idx.msk [tilespmem:v34+s13+$0x0], $0xffff;
	v34 =	vnsel vm4, $0x0, v17;
	v48 =	vadd.s32 $0xFFFE7980, v13  }
0x1b5: {  	vm4 =	vgt.s32 v46, $0x0;
	v17 =	vld [tilespmem:s28+$0xFFFFFF00];
	v24 =	vadd.s32 $0xFFFE7980, v14;
	vm5 =	vgt.s32 v48, $0x0  }
0x1b6: {  	[tilespmem:s0+$0xFFFFFF10] =	vst.add.f32.msk $0xffff, v20;
	vm6 =	vgt.s32 v24, $0x0;
	v46 =	vnsel vm4, $0x0, v46;
	v20 =	vnsel vm14, $0x0, v25  }
0x1b7: {  	v48 =	vnsel vm5, $0x0, v48;
	v50 =	vnsel vm6, $0x0, v24;
	v25 =	vadd.s32 $0xFFFF3D00, v7  }
0x1b8: {  	v58 =	vand.u32 $0x7FFFFF80, v46;
	v46 =	vand.u32 $0x7F, v46;
	v59 =	vand.u32 $0x7FFFFF80, v48  }
0x1b9: {  	v60 =	vand.u32 $0x7FFFFF80, v50;
	v58 =	vadd.s32 v0, v58;
	v48 =	vand.u32 $0x7F, v48  }
0x1ba: {  	v50 =	vand.u32 $0x7F, v50;
	v59 =	vadd.s32 v0, v59;
	v60 =	vadd.s32 v0, v60  }
0x1bb: {  	[tilespmem:s0+$0xFFFFFF20] =	vst.add.f32.msk $0xffff, v21;
	v57 =	vor.u32 v46, v58;
	v21 =	vnsel vm15, $0x0, v47;
	v23 =	vadd.s32 $0xFFFE7980, v17  }
0x1bc: {  	v24 =	vadd.s32 $0xFFFF3D00, v17;
	v58 =	vor.u32 v48, v59;
	v59 =	vor.u32 v50, v60  }
0x1bd: {  	v20 =	vadd.f32 v20, v21;
	vm13 =	vgt.s32 v23, $0x0;
	v21 =	vadd.s32 $0xFFFF3D00, v14  }
0x1be: {  	[tilespmem:s0+$0xFFFFFF40] =	vst.add.f32.msk $0xffff, v31;
	vm0 =	vgt.s32 v24, $0x0;
	v47 =	vnsel vm13, $0x0, v23;
	v23 =	vadd.s32 $0xFFFF3D00, v16  }
0x1bf: {  	[tilespmem:s31+$0xFFFFFF60] =	vst.add.f32.msk $0xffff, v28;
	vm12 =	vgt.s32 v21, $0x0;
	v63 =	vnsel vm0, $0x0, v24;
	vm14 =	vgt.s32 v23, $0x0  }
0x1c0: {  	v8 =	vmovc v1;
	[tilespmem:$0x1FD80] =	vst v1;
	v1 =	vld [tilespmem:s28+$0xFFFFFF70];
	v11 =	vnsel vm12, $0x0, v21;
	v60 =	vmin.u32 v63, $0xC37F;
	v12 =	vnsel vm14, $0x0, v23  }
0x1c1: {  	[tilespmem:s31+$0xFFFFFF80] =	vst.add.f32.msk $0xffff, v26;
	v63 =	vmin.u32 v11, $0xC37F;
	vm14 =	vgt.s32 v25, $0xFFFFFFFF;
	v11 =	vimm.s32 $0x0  }
0x1c2: {  	vm7 =	vgt.s32 v49, $0x0;
	v26 =	vadd.s32 $0xFFFF3D00, v8;
	[tilespmem:s31+$0xFFFFFFB0] =	vst.add.f32.msk $0xffff, v19;
	v11 =	vsel vm14, $0xFFFFFFFF, v11  }
0x1c3: {  	v28 =	vadd.s32 $0xFFFF3D00, v10;
	vm15 =	vgt.s32 v26, $0xFFFFFFFF;
	[tilespmem:$0x1FE10] =	vst v11;
	v11 =	vimm.s32 $0x0  }
0x1c4: {  	[tilespmem:$0x1FE00] =	vst v3;
	v19 =	vadd.s32 $0xFFFF3D00, v3;
	vm4 =	vgt.s32 v28, $0x0;
	v11 =	vsel vm15, $0xFFFFFFFF, v11  }
0x1c5: {  	v3 =	vnsel vm4, $0x0, v28;
	vm4 =	vgt.s32 v27, $0xFFFFFFFF;
	[tilespmem:$0x1FE20] =	vst v11;
	v11 =	vimm.s32 $0x0  }
0x1c6: {  	[tilespmem:$0x1FDB0] =	vst v4;
	v49 =	vnsel vm7, $0x0, v49;
	vm5 =	vgt.s32 v29, $0x0;
	v11 =	vsel vm4, $0xFFFFFFFF, v11  }
0x1c7: {  	v4 =	vnsel vm5, $0x0, v29;
	vm5 =	vgt.s32 v28, $0xFFFFFFFF;
	[tilespmem:$0x1FE30] =	vst v11;
	v11 =	vimm.s32 $0x0  }
0x1c8: {  	[tilespmem:$0x1FDC0] =	vst v5;
	v31 =	vadd.s32 $0xFFFF3D00, v1;
	vm6 =	vgt.s32 v30, $0x0;
	v11 =	vsel vm5, $0xFFFFFFFF, v11  }
0x1c9: {  	v5 =	vnsel vm6, $0x0, v30;
	vm6 =	vgt.s32 v29, $0xFFFFFFFF;
	[tilespmem:$0x1FE40] =	vst v11;
	v11 =	vimm.s32 $0x0  }
0x1ca: {  	[tilespmem:$0x1FDF0] =	vst v6;
	vm7 =	vgt.s32 v31, $0x0;
	v18 =	vadd.s32 $0xFFFF3D00, v6;
	v11 =	vsel vm6, $0xFFFFFFFF, v11  }
0x1cb: {  	v6 =	vnsel vm7, $0x0, v31;
	vm7 =	vgt.s32 v30, $0xFFFFFFFF;
	[tilespmem:$0x1FE50] =	vst v11;
	v11 =	vimm.s32 $0x0  }
0x1cc: {  	vm8 =	vgt.s32 v32, $0x0;
	v11 =	vsel vm7, $0xFFFFFFFF, v11  }
0x1cd: {  	v7 =	vnsel vm8, $0x0, v32;
	vm8 =	vgt.s32 v31, $0xFFFFFFFF;
	[tilespmem:$0x1FE60] =	vst v11;
	v11 =	vimm.s32 $0x0  }
0x1ce: {  	[tilespmem:$0x1FD90] =	vst v9;
	vm10 =	vgt.s32 v19, $0x0;
	vm9 =	vgt.s32 v18, $0x0;
	v11 =	vsel vm8, $0xFFFFFFFF, v11  }
0x1cf: {  	s0 =	sadd.s32 $0x100, s0;
	v8 =	vnsel vm9, $0x0, v18;
	vm9 =	vgt.s32 v32, $0xFFFFFFFF;
	[tilespmem:$0x1FE70] =	vst v11;
	v11 =	vimm.s32 $0x0  }
0x1d0: {  	v9 =	vnsel vm10, $0x0, v19;
	[tilespmem:s0+$0x0] =	vst.add.f32.msk $0xffff, v20;
	v11 =	vsel vm9, $0xFFFFFFFF, v11  }
0x1d1: {  	vm10 =	vgt.s32 v18, $0xFFFFFFFF;
	v20 =	vadd.s32 $0xFFFF3D00, v13;
	[tilespmem:$0x1FE80] =	vst v11;
	v11 =	vimm.s32 $0x0  }
0x1d2: {  	[tilespmem:s31+$0xFFFFFFC0] =	vst.add.f32.msk $0xffff, v22;
	v22 =	vadd.s32 $0xFFFF3D00, v15;
	vm11 =	vgt.s32 v20, $0x0;
	v11 =	vsel vm10, $0xFFFFFFFF, v11  }
0x1d3: {  	v10 =	vnsel vm11, $0x0, v20;
	vm11 =	vgt.s32 v19, $0xFFFFFFFF;
	[tilespmem:$0x1FE90] =	vst v11;
	v11 =	vimm.s32 $0x0  }
0x1d4: {  	[tilespmem:s31+$0xFFFFFFA0] =	vst.add.f32.msk $0xffff, v41;
	v41 =	vand.u32 $0x7FFFFF80, v47;
	v47 =	vand.u32 $0x7F, v47;
	v11 =	vsel vm11, $0xFFFFFFFF, v11  }
0x1d5: {  	v41 =	vadd.s32 v0, v41;
	vm12 =	vgt.s32 v20, $0xFFFFFFFF;
	[tilespmem:$0x1FEA0] =	vst v11;
	v11 =	vimm.s32 $0x0  }
0x1d6: {  	[tilespmem:s31+$0xFFFFFFE0] =	vst.add.f32.msk $0xffff, v38;
	vm13 =	vgt.s32 v22, $0x0;
	v41 =	vor.u32 v47, v41;
	v11 =	vsel vm12, $0xFFFFFFFF, v11  }
0x1d7: {  	v47 =	vnsel vm13, $0x0, v22;
	vm13 =	vgt.s32 v21, $0xFFFFFFFF;
	[tilespmem:$0x1FEB0] =	vst v11;
	v11 =	vimm.s32 $0x0  }
0x1d8: {  	v38 =	vand.u32 $0x7FFFFF80, v37;
	[tilespmem:s31+$0xFFFFFFD0] =	vst.add.f32.msk $0xffff, v39;
	v11 =	vsel vm13, $0xFFFFFFFF, v11  }
0x1d9: {  	v43 =	vadd.s32 $0xFFFE7980, v1;
	vm14 =	vgt.s32 v22, $0xFFFFFFFF;
	[tilespmem:$0x1FEC0] =	vst v11;
	v11 =	vimm.s32 $0x0  }
0x1da: {  	v61 =	vand.u32 $0x7FFFFF80, v49;
	vm2 =	vgt.s32 v43, $0x0;
	v29 =	vld [tilespmem:$0x1FE10];
	v11 =	vsel vm14, $0xFFFFFFFF, v11  }
0x1db: {  	v38 =	vadd.s32 v0, v38;
	v39 =	vand.u32 $0x7FFFFF80, v33;
	v43 =	vnsel vm2, $0x0, v43;
	[tilespmem:$0x1FED0] =	vst v11;
	v11 =	vld [tilespmem:$0x1FD70]  }
0x1dc: {  	[tilespmem:s31+$0xFFFFFFF0] =	vst.add.f32.msk $0xffff, v35;
	v61 =	vadd.s32 v0, v61;
	v39 =	vadd.s32 v0, v39;
	v35 =	vand.u32 $0x7FFFFF80, v43  }
0x1dd: {  	v35 =	vadd.s32 v0, v35;
	v62 =	vand.u32 $0x7FFFFF80, v51;
	v52 =	vand.u32 $0x7FFFFF80, v34  }
0x1de: {  	v62 =	vadd.s32 v0, v62;
	v52 =	vadd.s32 v0, v52;
	vm1 =	vgt.s32 v25, $0x0  }
0x1df: {  	v0 =	vnsel vm1, $0x0, v25;
	vm1 =	vgt.s32 v24, $0xFFFFFFFF;
	vm15 =	vlt.s32 v17, $0x18680  }
0x1e0: {  	vm1 =	vmand vm15, vm1;
	vm15 =	vnez.u8 v29;
	vm0 =	vlt.s32 v11, $0x18680  }
0x1e1: {  	v29 =	vimm.s32 $0x0;
	vm0 =	vmand vm0, vm15  }
0x1e2: {  	v30 =	vld [tilespmem:$0x1FD80];
	v29 =	vsel vm0, $0xFFFFFFFF, v29  }
0x1e3: {  	[tilespmem:$0x1FEF0] =	vst v29;
	v29 =	vld [tilespmem:$0x1FE20];
	_ =	sdelay $0x4  }
0x1e4: {  	vm12 =	vlt.s32 v30, $0x18680;
	vm15 =	vnez.u8 v29  }
0x1e5: {  	v29 =	vimm.s32 $0x0;
	vm0 =	vmand vm12, vm15  }
0x1e6: {  	v31 =	vld [tilespmem:$0x1FD90];
	v29 =	vsel vm0, $0xFFFFFFFF, v29  }
0x1e7: {  	[tilespmem:$0x1FF00] =	vst v29;
	v29 =	vld [tilespmem:$0x1FE30];
	_ =	sdelay $0x4  }
0x1e8: {  	vm13 =	vlt.s32 v31, $0x18680;
	vm12 =	vnez.u8 v29  }
0x1e9: {  	v34 =	vand.u32 $0x7F, v34;
	v29 =	vimm.s32 $0x0;
	vm0 =	vmand vm13, vm12  }
0x1ea: {  	v34 =	vor.u32 v34, v52;
	v52 =	vld [tilespmem:$0x1FDA0];
	v29 =	vsel vm0, $0xFFFFFFFF, v29  }
0x1eb: {  	[tilespmem:$0x1FF10] =	vst v29;
	v29 =	vld [tilespmem:$0x1FE40];
	_ =	sdelay $0x3  }
0x1ec: {  	vm3 =	vgt.s32 v27, $0x0  }
0x1ed: {  	[tilespmem:$0x1FDE0] =	vst v2;
	v2 =	vnsel vm3, $0x0, v27;
	vm3 =	vlt.s32 v52, $0x18680;
	vm15 =	vnez.u8 v29  }
0x1ee: {  	v24 =	vld.idx.msk [tilespmem:v53+s13+$0x0], $0xffff;
	v29 =	vimm.s32 $0x0;
	vm0 =	vmand vm3, vm15  }
0x1ef: {  	v53 =	vld [tilespmem:$0x1FDB0];
	v29 =	vsel vm0, $0xFFFFFFFF, v29  }
0x1f0: {  	[tilespmem:$0x1FF20] =	vst v29;
	v29 =	vld [tilespmem:$0x1FE50];
	_ =	sdelay $0x4  }
0x1f1: {  	vm4 =	vlt.s32 v53, $0x18680;
	vm12 =	vnez.u8 v29  }
0x1f2: {  	v25 =	vld.idx.msk [tilespmem:v54+s13+$0x0], $0xffff;
	v29 =	vimm.s32 $0x0;
	vm0 =	vmand vm4, vm12  }
0x1f3: {  	v54 =	vld [tilespmem:$0x1FDC0];
	v29 =	vsel vm0, $0xFFFFFFFF, v29  }
0x1f4: {  	[tilespmem:$0x1FF30] =	vst v29;
	v29 =	vld [tilespmem:$0x1FE60];
	_ =	sdelay $0x4  }
0x1f5: {  	vm5 =	vlt.s32 v54, $0x18680;
	vm13 =	vnez.u8 v29  }
0x1f6: {  	[tilespmem:$0x1FDD0] =	vst v1;
	v27 =	vld.idx.msk [tilespmem:v55+s13+$0x0], $0xffff;
	v29 =	vimm.s32 $0x0;
	vm0 =	vmand vm5, vm13  }
0x1f7: {  	v55 =	vld [tilespmem:$0x1FDD0];
	v29 =	vsel vm0, $0xFFFFFFFF, v29  }
0x1f8: {  	[tilespmem:$0x1FF40] =	vst v29;
	v29 =	vld [tilespmem:$0x1FE70];
	_ =	sdelay $0x4  }
0x1f9: {  	vm6 =	vlt.s32 v55, $0x18680;
	vm15 =	vnez.u8 v29  }
0x1fa: {  	v18 =	vld.idx.msk [tilespmem:v56+s13+$0x0], $0xffff;
	v29 =	vimm.s32 $0x0;
	vm0 =	vmand vm6, vm15  }
0x1fb: {  	v56 =	vld [tilespmem:$0x1FDE0];
	v29 =	vsel vm0, $0xFFFFFFFF, v29  }
0x1fc: {  	[tilespmem:$0x1FF50] =	vst v29;
	v29 =	vld [tilespmem:$0x1FE80];
	_ =	sdelay $0x4  }
0x1fd: {  	vm7 =	vlt.s32 v56, $0x18680;
	vm4 =	vnez.u8 v29  }
0x1fe: {  	v19 =	vld.idx.msk [tilespmem:v57+s13+$0x0], $0xffff;
	v29 =	vimm.s32 $0x0;
	vm0 =	vmand vm7, vm4  }
0x1ff: {  	v57 =	vld [tilespmem:$0x1FDF0];
	v29 =	vsel vm0, $0xFFFFFFFF, v29  }
0x200: {  	[tilespmem:$0x1FF60] =	vst v29;
	v29 =	vld [tilespmem:$0x1FE90];
	_ =	sdelay $0x2  }
0x201: {  	v3 =	vmin.u32 v3, $0xC37F;
	_ =	sdelay $0x1  }
0x202: {  	vm8 =	vlt.s32 v57, $0x18680;
	vm5 =	vnez.u8 v29  }
0x203: {  	v20 =	vld.idx.msk [tilespmem:v58+s13+$0x0], $0xffff;
	v29 =	vimm.s32 $0x0;
	vm0 =	vmand vm8, vm5  }
0x204: {  	v58 =	vld [tilespmem:$0x1FE00];
	v29 =	vsel vm0, $0xFFFFFFFF, v29  }
0x205: {  	[tilespmem:$0x1FF70] =	vst v29;
	v29 =	vld.idx.msk [tilespmem:v3+s4+$0x0], $0xffff  }
0x206: {  	v3 =	vld [tilespmem:$0x1FEA0];
	_ =	sdelay $0x4  }
0x207: {  	vm9 =	vlt.s32 v58, $0x18680;
	vm6 =	vnez.u8 v3  }
0x208: {  	v3 =	vimm.s32 $0x0;
	vm0 =	vmand vm9, vm6  }
0x209: {  	v3 =	vsel vm0, $0xFFFFFFFF, v3  }
0x20a: {  	[tilespmem:$0x1FF80] =	vst v3;
	v3 =	vld [tilespmem:$0x1FEB0];
	_ =	sdelay $0x4  }
0x20b: {  	vm10 =	vlt.s32 v13, $0x18680;
	vm7 =	vnez.u8 v3  }
0x20c: {  	v3 =	vimm.s32 $0x0;
	vm0 =	vmand vm10, vm7  }
0x20d: {  	v3 =	vsel vm0, $0xFFFFFFFF, v3  }
0x20e: {  	[tilespmem:$0x1FF90] =	vst v3;
	v3 =	vld [tilespmem:$0x1FEC0];
	_ =	sdelay $0x4  }
0x20f: {  	vm11 =	vlt.s32 v14, $0x18680;
	vm8 =	vnez.u8 v3  }
0x210: {  	v37 =	vand.u32 $0x7F, v37;
	v3 =	vimm.s32 $0x0;
	vm0 =	vmand vm11, vm8  }
0x211: {  	v37 =	vor.u32 v37, v38;
	v3 =	vsel vm0, $0xFFFFFFFF, v3  }
0x212: {  	[tilespmem:$0x1FFA0] =	vst v3;
	v3 =	vld [tilespmem:$0x1FED0];
	_ =	sdelay $0x1  }
0x213: {  	v51 =	vand.u32 $0x7F, v51;
	v28 =	vimm.s32 $0x0  }
0x214: {  	v62 =	vor.u32 v51, v62;
	v28 =	vsel vm1, $0xFFFFFFFF, v28  }
0x215: {  	v37 =	vld.idx.msk [tilespmem:v37+s13+$0x0], $0xffff;
	v9 =	vmin.u32 v9, $0xC37F;
	[tilespmem:$0x1FEE0] =	vst v28  }
0x216: {  	vm9 =	vnez.u8 v3;
	v3 =	vld [tilespmem:$0x1FEE0];
	_ =	sdelay $0x2  }
0x217: {  	vm14 =	vgt.s32 v23, $0xFFFFFFFF;
	v23 =	vld.idx.msk [tilespmem:v62+s13+$0x0], $0xffff  }
0x218: {  	v7 =	vmin.u32 v7, $0xC37F;
	v62 =	vld.idx.msk [tilespmem:v9+s4+$0x0], $0xffff;
	vm10 =	vgt.s32 v52, $0x1867F  }
0x219: {  	v9 =	vnsel vm10, $0x0, v37;
	vm10 =	vnez.u8 v3;
	v3 =	vld [tilespmem:$0x1FEF0];
	_ =	sdelay $0x2  }
0x21a: {  	v21 =	vld.idx.msk [tilespmem:v59+s13+$0x0], $0xffff  }
0x21b: {  	v4 =	vmin.u32 v4, $0xC37F;
	v59 =	vld.idx.msk [tilespmem:v7+s4+$0x0], $0xffff;
	vm12 =	vgt.s32 v53, $0x1867F  }
0x21c: {  	v7 =	vnsel vm12, $0x0, v24;
	vm12 =	vnez.u8 v3;
	v3 =	vld [tilespmem:$0x1FF00]  }
0x21d: {  	v2 =	vmin.u32 v2, $0xC37F;
	_ =	sdelay $0x2  }
0x21e: {  	vm13 =	vgt.s32 v54, $0x1867F;
	vm11 =	vgt.s32 v17, $0x1867F;
	v17 =	vld.idx.msk [tilespmem:v4+s4+$0x0], $0xffff  }
0x21f: {  	v10 =	vmin.u32 v10, $0xC37F;
	v4 =	vnsel vm13, $0x0, v25;
	vm13 =	vnez.u8 v3;
	v3 =	vld [tilespmem:$0x1FF10]  }
0x220: {  	v2 =	vld.idx.msk [tilespmem:v2+s4+$0x0], $0xffff  }
0x221: {  	vm2 =	vgt.s32 v26, $0x0  }
0x222: {  	v43 =	vand.u32 $0x7F, v43;
	v1 =	vnsel vm2, $0x0, v26;
	vm2 =	vlt.s32 v16, $0x18680  }
0x223: {  	v35 =	vor.u32 v43, v35;
	v12 =	vmin.u32 v12, $0xC37F;
	vm4 =	vgt.s32 v14, $0x1867F  }
0x224: {  	vm5 =	vgt.s32 v16, $0x1867F;
	v16 =	vld.idx.msk [tilespmem:v10+s4+$0x0], $0xffff;
	v10 =	vnsel vm4, $0x0, v21;
	vm4 =	vnez.u8 v3  }
0x225: {  	v3 =	vnsel vm4, $0x0, v2;
	v2 =	vld [tilespmem:$0x1FF20];
	_ =	sdelay $0x2  }
0x226: {  	v26 =	vld.idx.msk [tilespmem:v35+s13+$0x0], $0xffff  }
0x227: {  	v5 =	vmin.u32 v5, $0xC37F;
	v21 =	vld.idx.msk [tilespmem:v12+s4+$0x0], $0xffff  }
0x228: {  	v12 =	vnsel vm5, $0x0, v23;
	vm5 =	vnez.u8 v2;
	v2 =	vld [tilespmem:$0x1FF30];
	_ =	sdelay $0x1  }
0x229: {  	v33 =	vand.u32 $0x7F, v33  }
0x22a: {  	v33 =	vor.u32 v33, v39;
	v36 =	vld.idx.msk [tilespmem:v36+s13+$0x0], $0xffff;
	vm1 =	vlt.s32 v15, $0x18680  }
0x22b: {  	vm6 =	vgt.s32 v55, $0x1867F;
	vm15 =	vmand vm1, vm9;
	vm9 =	vgt.s32 v30, $0x1867F;
	v30 =	vld.idx.msk [tilespmem:v5+s4+$0x0], $0xffff  }
0x22c: {  	v5 =	vnsel vm6, $0x0, v26;
	vm6 =	vnez.u8 v2;
	v2 =	vld [tilespmem:$0x1FF40];
	_ =	sdelay $0x3  }
0x22d: {  	v33 =	vld.idx.msk [tilespmem:v33+s13+$0x0], $0xffff;
	vm7 =	vgt.s32 v31, $0x1867F  }
0x22e: {  	vm8 =	vgt.s32 v11, $0x1867F;
	v11 =	vnsel vm7, $0x0, v36;
	vm7 =	vnez.u8 v2;
	v2 =	vld [tilespmem:$0x1FF50];
	_ =	sdelay $0x3  }
0x22f: {  	v34 =	vld.idx.msk [tilespmem:v34+s13+$0x0], $0xffff  }
0x230: {  	v33 =	vnsel vm8, $0x0, v33;
	vm8 =	vnez.u8 v2;
	v2 =	vld [tilespmem:$0x1FF60]  }
0x231: {  	v49 =	vand.u32 $0x7F, v49  }
0x232: {  	v61 =	vor.u32 v49, v61;
	_ =	sdelay $0x1  }
0x233: {  	v8 =	vmin.u32 v8, $0xC37F;
	v28 =	vld.idx.msk [tilespmem:v60+s4+$0x0], $0xffff  }
0x234: {  	v34 =	vnsel vm9, $0x0, v34;
	vm9 =	vnez.u8 v2;
	v2 =	vld [tilespmem:$0x1FF70];
	_ =	sdelay $0x1  }
0x235: {  	v22 =	vld.idx.msk [tilespmem:v61+s13+$0x0], $0xffff  }
0x236: {  	v41 =	vld.idx.msk [tilespmem:v41+s13+$0x0], $0xffff  }
0x237: {  	v0 =	vmin.u32 v0, $0xC37F;
	v60 =	vld.idx.msk [tilespmem:v8+s4+$0x0], $0xffff;
	vm3 =	vgt.s32 v13, $0x1867F  }
0x238: {  	v8 =	vnsel vm3, $0x0, v20;
	v20 =	vnsel vm10, $0x0, v28;
	vm10 =	vnez.u8 v2;
	v2 =	vld [tilespmem:$0x1FF80];
	_ =	sdelay $0x1  }
0x239: {  	v1 =	vmin.u32 v1, $0xC37F;
	_ =	sdelay $0x1  }
0x23a: {  	v6 =	vmin.u32 v6, $0xC37F;
	v0 =	vld.idx.msk [tilespmem:v0+s4+$0x0], $0xffff;
	v61 =	vnsel vm11, $0x0, v41;
	vm11 =	vgt.s32 v15, $0x1867F  }
0x23b: {  	v13 =	vnsel vm11, $0x0, v22;
	vm11 =	vnez.u8 v2;
	v2 =	vld [tilespmem:$0x1FF90]  }
0x23c: {  	v51 =	vmin.u32 v47, $0xC37F  }
0x23d: {  	v1 =	vld.idx.msk [tilespmem:v1+s4+$0x0], $0xffff  }
0x23e: {  	v63 =	vld.idx.msk [tilespmem:v63+s4+$0x0], $0xffff;
	vm14 =	vmand vm2, vm14;
	vm2 =	vgt.s32 v58, $0x1867F  }
0x23f: {  	v31 =	vld.idx.msk [tilespmem:v6+s4+$0x0], $0xffff;
	vm0 =	vgt.s32 v56, $0x1867F;
	v15 =	vnsel vm2, $0x0, v19  }
0x240: {  	s15 =	sadd.s32 $0x100, s15;
	vm1 =	vgt.s32 v57, $0x1867F;
	v0 =	vnsel vm12, $0x0, v0;
	vm12 =	vnez.u8 v2;
	v2 =	vld [tilespmem:$0x1FFA0]  }
0x241: {  	p4 =	slt.u32 s15, $0x1F00;
	v6 =	vnsel vm0, $0x0, v27;
	v14 =	vnsel vm1, $0x0, v18;
	v18 =	vld.idx.msk [tilespmem:v51+s4+$0x0], $0xffff;
	v20 =	vadd.f32 v20, v61  }
.Ltmp5:
0x242: {  	v1 =	vnsel vm13, $0x0, v1;
	v29 =	vnsel vm5, $0x0, v29;
	v28 =	vnsel vm6, $0x0, v17;
	(pc) =	sbr.rel @p4 .LBB2_13-.Ltmp5, $4  }
0x243: {  	v17 =	vnsel vm14, $0x0, v21;
	v21 =	vadd.f32 v0, v33;
	v27 =	vnsel vm7, $0x0, v30  }
0x244: {  	v26 =	vnsel vm8, $0x0, v31;
	v25 =	vnsel vm9, $0x0, v59;
	v19 =	vnsel vm10, $0x0, v60  }
0x245: {  	v24 =	vnsel vm11, $0x0, v62;
	v22 =	vnsel vm12, $0x0, v16;
	vm13 =	vnez.u8 v2  }
0x246: {  	s28 =	sadd.s32 $0x200, s28;
	s31 =	smov.u32 s0;
	v16 =	vnsel vm15, $0x0, v18;
	v18 =	vadd.f32 v1, v34;
	v23 =	vnsel vm13, $0x0, v63  }
0x247: {  	[tilespmem:s0+$0xFFFFFF10] =	vst.add.f32.msk $0xffff, v20  }
0x248: {  	v0 =	vadd.f32 v3, v11;
	[tilespmem:s0+$0xFFFFFF20] =	vst.add.f32.msk $0xffff, v21  }
0x249: {  	v1 =	vadd.f32 v29, v9;
	[tilespmem:s0+$0xFFFFFF30] =	vst.add.f32.msk $0xffff, v18  }
0x24a: {  	v2 =	vadd.f32 v28, v7;
	[tilespmem:s0+$0xFFFFFF40] =	vst.add.f32.msk $0xffff, v0  }
0x24b: {  	v0 =	vadd.f32 v27, v4;
	[tilespmem:s0+$0xFFFFFF50] =	vst.add.f32.msk $0xffff, v1  }
0x24c: {  	v1 =	vadd.f32 v26, v5;
	[tilespmem:s31+$0xFFFFFF60] =	vst.add.f32.msk $0xffff, v2  }
0x24d: {  	v2 =	vadd.f32 v25, v6;
	[tilespmem:s31+$0xFFFFFF70] =	vst.add.f32.msk $0xffff, v0  }
0x24e: {  	v0 =	vadd.f32 v19, v14;
	[tilespmem:s31+$0xFFFFFF80] =	vst.add.f32.msk $0xffff, v1  }
0x24f: {  	v1 =	vadd.f32 v24, v15;
	[tilespmem:s31+$0xFFFFFF90] =	vst.add.f32.msk $0xffff, v2  }
0x250: {  	v2 =	vadd.f32 v22, v8;
	[tilespmem:s31+$0xFFFFFFA0] =	vst.add.f32.msk $0xffff, v0  }
0x251: {  	v0 =	vadd.f32 v23, v10;
	[tilespmem:s31+$0xFFFFFFB0] =	vst.add.f32.msk $0xffff, v1  }
0x252: {  	v1 =	vadd.f32 v16, v13;
	[tilespmem:s31+$0xFFFFFFC0] =	vst.add.f32.msk $0xffff, v2  }
0x253: {  	v2 =	vadd.f32 v17, v12;
	[tilespmem:s31+$0xFFFFFFD0] =	vst.add.f32.msk $0xffff, v0  }
0x254: {  	[tilespmem:s31+$0xFFFFFFE0] =	vst.add.f32.msk $0xffff, v1  }
0x255: {  	s0 =	simm.s32 @!p5 $0x1;
	[tilespmem:s31+$0xFFFFFFF0] =	vst.add.f32.msk $0xffff, v2  }
0x256: {  	_ =	swait.ge @!p5 [sflag:s0], $0x6180  }
0x257: {  	[sflag:s0] =	ssyncset.done @!p5 $0x0  }
0x258: {  	[sflag:s0] =	ssyncadd.s32 @!p5 $0xFFFF9E80;
	s0 =	simm.s32 @!p1 $0x1  }
0x259: {  	_ =	swait.ge @!p1 [sflag:s0], $0x6180  }
0x25a: {  	[sflag:s0] =	ssyncset.done @!p1 $0x0  }
0x25b: {  	[sflag:s0] =	ssyncadd.s32 @!p1 $0xFFFF9E80;
	s0 =	simm.s32 @!p3 $0x1  }
0x25c: {  	_ =	swait.ge @!p3 [sflag:s0], $0x6180  }
0x25d: {  	[sflag:s0] =	ssyncset.done @!p3 $0x0  }
0x25e: {  	[sflag:s0] =	ssyncadd.s32 @!p3 $0xFFFF9E80;
	s0 =	simm.s32 @!p0 $0x1  }
0x25f: {  	_ =	swait.ge @!p0 [sflag:s0], $0x6200  }
0x260: {  	s29 =	sadd.s32 $0x1, s29;
	[sflag:s0] =	ssyncset.done @!p0 $0x0  }
0x261: {  	[sflag:s0] =	ssyncadd.s32 @!p0 $0xFFFF9E00;
	p0 =	sne.s32 s29, $0x1A  }
.Ltmp6:
0x262: {  	_ = 	snop;
	(pc) =	sbr.rel @p0 .LBB2_6-.Ltmp6, $3  }
0x263: {  	_ =	sdelay $0x1  }
0x264: {  	[bflag:$0x0] =	sbarrier.arrive $0xFFFF  }
0x265: {  	p2 =	por !p2, !p2;
	p6 =	por !p6, !p6;
	v0 =	vimm.f32 $0.0e+00  }
0x266: {  	s0 =	rddreg [dreg:$0xd];
	s6 =	simm.s32 $0x10B80  }
0x267: {  	[hbm4b:s0+s4] =	stream.linear.scatter [tilespmem:s6], [sflag:$0x3], $0x2000, $0x38;
	[tilespmem:$0x1EEC0] =	vst v63  }
0x268: {  	_ =	swait.ge [sflag:s25], $0x2000  }
0x269: {  	s19 =	sld [smem:$0x7FD];
	_ =	sdelay $0x2  }
0x26a: {  	[sflag:s25] =	ssyncset.done $0x0;
	s8 =	rddreg [dreg:$0x10];
	p0 =	seq.s32 s19, $0x1  }
0x26b: {  	[sflag:s25] =	ssyncadd.s32 $0xFFFFE000;
	s0 =	sshrl.u32 @!p0 s2, $0x3;
	s6 =	simm.s32 @!p0 $0x1C01  }
0x26c: {  	[spmem:s0], [sflag:s6] =	dma.local @!p0 [hbm:s8], $0x6180  }
0x26d: {  	s0 =	simm.s32 @!p0 $0x1  }
0x26e: {  	_ =	swait.ge @!p0 [sflag:s0], $0x6180  }
0x26f: {  	s28 =	sld [smem:$0x7F3];
	_ =	sdelay $0x2  }
0x270: {  	p1 =	seq.s32 s28, $0x1  }
0x271: {  	[sflag:s0] =	ssyncset.done @!p0 $0x0;
	s8 =	rddreg [dreg:$0x11];
	s6 =	sshll.u32 @p1 s7, $0x6  }
0x272: {  	[sflag:s0] =	ssyncadd.s32 @!p0 $0xFFFF9E80;
	s0 =	sor.u32 @p1 $0x1C01, s6;
	s6 =	sshrl.u32 @p1 s11, $0x3  }
0x273: {  	[spmem:s6], [sflag:s0] =	dma.local @p1 [hbm:s8], $0x6180  }
0x274: {  	s0 =	simm.s32 @p1 $0x1  }
0x275: {  	_ =	swait.ge @p1 [sflag:s0], $0x6180  }
0x276: {  	s29 =	sld [smem:$0x7F5];
	_ =	sdelay $0x2  }
0x277: {  	p0 =	seq.s32 s29, $0x1  }
0x278: {  	[sflag:s0] =	ssyncset.done @p1 $0x0;
	s8 =	rddreg [dreg:$0x12];
	s6 =	sshll.u32 @p0 s7, $0x6  }
0x279: {  	[sflag:s0] =	ssyncadd.s32 @p1 $0xFFFF9E80;
	s0 =	sor.u32 @p0 $0x1C01, s6;
	s6 =	sshrl.u32 @p0 s3, $0x3  }
0x27a: {  	[spmem:s6], [sflag:s0] =	dma.local @p0 [hbm:s8], $0x6180  }
0x27b: {  	s0 =	simm.s32 @p0 $0x1  }
0x27c: {  	_ =	swait.ge @p0 [sflag:s0], $0x6180  }
0x27d: {  	s31 =	sld [smem:$0x7F4];
	_ =	sdelay $0x2  }
0x27e: {  	p1 =	seq.s32 s31, $0x1  }
0x27f: {  	[sflag:s0] =	ssyncset.done @p0 $0x0;
	s8 =	rddreg [dreg:$0x13];
	s6 =	sshll.u32 @p1 s7, $0x6  }
0x280: {  	[sflag:s0] =	ssyncadd.s32 @p0 $0xFFFF9E80;
	s0 =	sor.u32 @p1 $0x1C01, s6;
	s6 =	sshrl.u32 @p1 s10, $0x3  }
0x281: {  	[spmem:s6], [sflag:s0] =	dma.local @p1 [hbm:s8], $0x6200  }
0x282: {  	s0 =	simm.s32 @p1 $0x1  }
0x283: {  	_ =	swait.ge @p1 [sflag:s0], $0x6200  }
0x284: {  	[sflag:s0] =	ssyncset.done @p1 $0x0  }
0x285: {  	[sflag:s0] =	ssyncadd.s32 @p1 $0xFFFF9E00  }
0x286: {  	s0 =	simm.s32 $0x10C00;
	[bflag:$0x0] =	sbarrier.arrive $0xFFFF  }
0x287: {  	[tilespmem:s0+$0xFFFFFF80] =	vst v0  }
0x288: {  	[tilespmem:s0+$0x70] =	vst v0  }
0x289: {  	[tilespmem:s0+$0x60] =	vst v0  }
0x28a: {  	[tilespmem:s0+$0x50] =	vst v0  }
0x28b: {  	[tilespmem:s0+$0x40] =	vst v0  }
0x28c: {  	[tilespmem:s0+$0x30] =	vst v0  }
0x28d: {  	[tilespmem:s0+$0x20] =	vst v0  }
0x28e: {  	[tilespmem:s0+$0x10] =	vst v0  }
0x28f: {  	[tilespmem:s0+$0x0] =	vst v0  }
0x290: {  	[tilespmem:s0+$0xFFFFFFF0] =	vst v0  }
0x291: {  	[tilespmem:s0+$0xFFFFFFE0] =	vst v0  }
0x292: {  	[tilespmem:s0+$0xFFFFFFD0] =	vst v0  }
0x293: {  	[tilespmem:s0+$0xFFFFFFC0] =	vst v0  }
0x294: {  	[tilespmem:s0+$0xFFFFFFB0] =	vst v0  }
0x295: {  	s15 =	simm.s32 $0x0;
	[tilespmem:s0+$0xFFFFFFA0] =	vst v0  }
.LBB2_16:
0x296: {  	s15 =	sadd.s32 $0x100, s15;
	[tilespmem:s0+$0xFFFFFF90] =	vst v0;
	s0 =	sadd.s32 $0x100, s0  }
0x297: {  	[tilespmem:s0+$0xFFFFFF80] =	vst v0;
	p0 =	slt.u32 s15, $0x1F00  }
0x298: {  	[tilespmem:s0+$0x70] =	vst v0  }
0x299: {  	[tilespmem:s0+$0x60] =	vst v0  }
0x29a: {  	[tilespmem:s0+$0x50] =	vst v0  }
0x29b: {  	[tilespmem:s0+$0x40] =	vst v0  }
0x29c: {  	[tilespmem:s0+$0x30] =	vst v0  }
0x29d: {  	[tilespmem:s0+$0x20] =	vst v0  }
0x29e: {  	[tilespmem:s0+$0x10] =	vst v0  }
0x29f: {  	[tilespmem:s0+$0x0] =	vst v0  }
0x2a0: {  	[tilespmem:s0+$0xFFFFFFF0] =	vst v0  }
.Ltmp7:
0x2a1: {  	[tilespmem:s0+$0xFFFFFFE0] =	vst v0;
	(pc) =	sbr.rel @p0 .LBB2_16-.Ltmp7, $4  }
0x2a2: {  	[tilespmem:s0+$0xFFFFFFD0] =	vst v0  }
0x2a3: {  	[tilespmem:s0+$0xFFFFFFC0] =	vst v0  }
0x2a4: {  	[tilespmem:s0+$0xFFFFFFB0] =	vst v0  }
0x2a5: {  	s17 =	simm.s32 $0xCB80;
	[tilespmem:s0+$0xFFFFFFA0] =	vst v0  }
0x2a6: {  	[tilespmem:s0+$0xFFFFFF90] =	vst v0;
	s0 =	simm.s32 $0x10;
	s8 =	sadd.s32 $0x0, s16;
	s6 =	simm.s32 $0xCC80  }
.LBB2_18:
0x2a7: {  	[tilespmem:s17], [sflag:$0x2] =	stream.linear.gather [hbm4b:s8+s4], $0x80, $0x38;
	[tilespmem:$0x1EEC0] =	vst v63  }
0x2a8: {  	s8 =	smov.u32 s0;
	s17 =	smov.u32 s6;
	p0 =	sne.s32 s0, $0x3F0  }
.Ltmp8:
0x2a9: {  	s0 =	sadd.s32 $0x10, s0;
	(pc) =	sbr.rel @p0 .LBB2_18-.Ltmp8, $2  }
0x2aa: {  	_ =	sdelay $0x2  }
0x2ab: {  	s6 =	sadd.s32 $0x100, s6;
	s8 =	sadd.s32 s8, s16  }
0x2ac: {  	[tilespmem:s17], [sflag:$0x2] =	stream.linear.gather [hbm4b:s8+s4], $0x80, $0x38;
	[tilespmem:$0x1EEC0] =	vst v63  }
0x2ad: {  	s29 =	simm.s32 $0x0;
	s0 =	rddreg [dreg:$0xe];
	s31 =	simm.s32 $0x2  }
0x2ae: {  	[tilespmem:s13], [sflag:$0x2] =	stream.linear.gather [hbm4b:s0+s29], $0x400, $0x38;
	[tilespmem:$0x1EEC0] =	vst v63  }
0x2af: {  	_ =	swait.ge [sflag:s31], $0x2000  }
0x2b0: {  	[sflag:s31] =	ssyncset.done $0x0  }
0x2b1: {  	[sflag:s31] =	ssyncadd.s32 $0xFFFFE000  }
0x2b2: {  	_ =	swait.ge [sflag:s31], $0x400  }
0x2b3: {  	[sflag:s31] =	ssyncset.done $0x0  }
0x2b4: {  	p2 =	por $0x1, $0x1;
	p6 =	por $0x0, $0x0;
	[sflag:s31] =	ssyncadd.s32 $0xFFFFFC00  }
.LBB2_20:
0x2b5: {  	p0 =	seq.s32 s29, $0x0  }
0x2b6: {  	s6 =	simm.s32 @!p0 $0x2;
	p1 =	seq.s32 @!p0 s29, $0x19  }
0x2b7: {  	_ =	swait.ge @!p0 [sflag:s6], $0x2000;
	p1 =	por p0, !p1  }
.Ltmp9:
0x2b8: {  	[sflag:s6] =	ssyncset.done @!p0 $0x0;
	(pc) =	sbr.rel @!p1 .LBB2_24-.Ltmp9, $4  }
0x2b9: {  	[sflag:s6] =	ssyncadd.s32 @!p0 $0xFFFFE000  }
0x2ba: {  	_ =	swait.ge @!p0 [sflag:s6], $0x400  }
0x2bb: {  	[sflag:s6] =	ssyncset.done @!p0 $0x0  }
0x2bc: {  	s0 =	sand.u32 $0x1, s29;
	[sflag:s6] =	ssyncadd.s32 @!p0 $0xFFFFFC00;
	p0 =	por @!p0 $0x1, $0x1  }
0x2bd: {  	s15 =	sadd.s32 $0x1, s29  }
0x2be: {  	s6 =	simm.s32 $0x1;
	s8 =	sshll.u32 s15, $0xE  }
0x2bf: {  	s6 =	simm.s32 @!p2 $0x0;
	s8 =	sor.u32 s14, s8  }
0x2c0: {  	s6 =	sshll.u32 s6, $0x7;
	s8 =	sshrl.u32 s8, $0x3  }
0x2c1: {  	s17 =	sxor.u32 $0x1, s0;
	s19 =	sadd.s32 $0xCB80, s6;
	s28 =	sadd.s32 s5, s8  }
0x2c2: {  	s31 =	simm.s32 $0x10;
	s6 =	sadd.s32 $0x100, s19;
	s8 =	sadd.s32 $0x0, s28  }
.LBB2_22:
0x2c3: {  	[tilespmem:s19], [sflag:$0x2] =	stream.linear.gather [hbm4b:s8+s4], $0x80, $0x38;
	[tilespmem:$0x1EEC0] =	vst v63  }
0x2c4: {  	s8 =	smov.u32 s31;
	s19 =	smov.u32 s6;
	p0 =	sne.s32 s31, $0x3F0  }
.Ltmp10:
0x2c5: {  	s31 =	sadd.s32 $0x10, s31;
	(pc) =	sbr.rel @p0 .LBB2_22-.Ltmp10, $2  }
0x2c6: {  	_ =	sdelay $0x2  }
0x2c7: {  	s6 =	sadd.s32 $0x100, s6;
	s8 =	sadd.s32 s8, s28  }
0x2c8: {  	[tilespmem:s19], [sflag:$0x2] =	stream.linear.gather [hbm4b:s8+s4], $0x80, $0x38;
	[tilespmem:$0x1EEC0] =	vst v63  }
0x2c9: {  	s6 =	sshll.u32 s15, $0x9;
	s28 =	sshll.u32 s17, $0xA;
	s31 =	rddreg [dreg:$0xe]  }
0x2ca: {  	p0 =	por $0x0, $0x0;
	s8 =	sor.u32 $0xC380, s28;
	s6 =	sadd.s32 s6, s31  }
0x2cb: {  	[tilespmem:s8], [sflag:$0x2] =	stream.linear.gather [hbm4b:s6+s4], $0x400, $0x38;
	[tilespmem:$0x1EEC0] =	vst v63  }
.LBB2_24:
0x2cc: {  	[tilespmem:s4], [sflag:$0x3] =	stream.strided.gather [spmem:s22], $0xC300, s21, s18, $0x38;
	[tilespmem:$0x1EEC0] =	vst v63  }
0x2cd: {  	p1 =	sne.s32 @!p0 s7, $0x0  }
0x2ce: {  	s15 =	sadd.s32 @!p0 $0x1, s29;
	p5 =	por p1, p0  }
0x2cf: {  	s6 =	smul.u32 @!p5 $0x30E000, s15  }
0x2d0: {  	_ =	swait.ge [sflag:s25], $0xC300  }
0x2d1: {  	[sflag:s25] =	ssyncset.done $0x0;
	s6 =	sadd.s32 @!p5 s20, s6  }
0x2d2: {  	s8 =	sshrl.u32 @!p5 s2, $0x3;
	[sflag:s25] =	ssyncadd.s32 $0xFFFF3D00;
	s6 =	sshrl.u32 @!p5 s6, $0x3  }
0x2d3: {  	s17 =	simm.s32 @!p5 $0x1C01;
	[bflag:$0x0] =	sbarrier.arrive $0xFFFF;
	s6 =	sadd.s32 @!p5 s1, s6  }
0x2d4: {  	[spmem:s8], [sflag:s17] =	dma.local @!p5 [hbm:s6], $0x6180  }
0x2d5: {  	s6 =	sld [smem:$0x7F3];
	_ =	sdelay $0x2  }
0x2d6: {  	p4 =	seq.s32 s6, $0x1  }
0x2d7: {  	p1 =	por !p4, p0  }
0x2d8: {  	s6 =	simm.s32 $0x1;
	s8 =	smul.u32 @!p1 $0x30E000, s15  }
0x2d9: {  	s6 =	simm.s32 @!p6 $0x0  }
0x2da: {  	s6 =	sshll.u32 s6, $0x7;
	s8 =	sadd.s32 @!p1 s8, s24  }
0x2db: {  	s31 =	sadd.s32 $0xCC80, s6;
	s6 =	sshrl.u32 @!p1 s8, $0x3;
	s8 =	sshll.u32 @!p1 s7, $0x6  }
0x2dc: {  	s17 =	sshrl.u32 @!p1 s11, $0x3;
	s6 =	sadd.s32 @!p1 s1, s6;
	s8 =	sor.u32 @!p1 $0x1C01, s8  }
0x2dd: {  	[spmem:s17], [sflag:s8] =	dma.local @!p1 [hbm:s6], $0x6180  }
0x2de: {  	v0 =	vld [tilespmem:s31+$0x70]  }
0x2df: {  	v1 =	vld [tilespmem:s31+$0xFFFFFF10]  }
0x2e0: {  	v2 =	vld [tilespmem:s31+$0xFFFFFF20]  }
0x2e1: {  	v3 =	vld [tilespmem:s31+$0xFFFFFF30]  }
0x2e2: {  	v4 =	vld [tilespmem:s31+$0xFFFFFF40]  }
0x2e3: {  	v5 =	vld [tilespmem:s31+$0xFFFFFF50]  }
0x2e4: {  	v6 =	vld [tilespmem:s31+$0xFFFFFF60]  }
0x2e5: {  	v8 =	vld [tilespmem:s31+$0xFFFFFF70]  }
0x2e6: {  	v9 =	vld [tilespmem:s31+$0x0]  }
0x2e7: {  	v11 =	vld [tilespmem:s31+$0xFFFFFF00]  }
0x2e8: {  	v10 =	vld [tilespmem:s31+$0x10];
	vm0 =	vlt.s32 v0, $0xC2FF  }
0x2e9: {  	v12 =	vld [tilespmem:s31+$0x20];
	vm10 =	vlt.s32 v1, $0xC2FF;
	v7 =	vnsel vm0, $0xC2FF, v0  }
0x2ea: {  	v14 =	vld [tilespmem:s31+$0x30];
	vm11 =	vlt.s32 v2, $0xC2FF;
	v13 =	vnsel vm10, $0xC2FF, v1  }
0x2eb: {  	v16 =	vld [tilespmem:s31+$0x40];
	vm12 =	vlt.s32 v3, $0xC2FF;
	v15 =	vnsel vm11, $0xC2FF, v2  }
0x2ec: {  	v18 =	vld [tilespmem:s31+$0x50];
	vm13 =	vlt.s32 v11, $0xC2FF;
	v17 =	vnsel vm12, $0xC2FF, v3  }
0x2ed: {  	v19 =	vld [tilespmem:s31+$0x60];
	vm1 =	vlt.s32 v4, $0xC2FF;
	v20 =	vnsel vm13, $0xC2FF, v11  }
0x2ee: {  	vm15 =	vlt.s32 v5, $0xC2FF;
	v45 =	vnsel vm1, $0xC2FF, v4;
	v7 =	vld.idx.msk [tilespmem:v7+s4+$0x0], $0xffff  }
0x2ef: {  	vm5 =	vlt.s32 v8, $0xC2FF;
	v21 =	vnsel vm15, $0xC2FF, v5;
	v13 =	vld.idx.msk [tilespmem:v13+s4+$0x0], $0xffff  }
0x2f0: {  	vm6 =	vlt.s32 v9, $0xC2FF;
	v22 =	vnsel vm5, $0xC2FF, v8;
	v15 =	vld.idx.msk [tilespmem:v15+s4+$0x0], $0xffff  }
0x2f1: {  	vm9 =	vlt.s32 v10, $0xC2FF;
	v47 =	vnsel vm6, $0xC2FF, v9;
	v17 =	vld.idx.msk [tilespmem:v17+s4+$0x0], $0xffff  }
0x2f2: {  	v48 =	vnsel vm9, $0xC2FF, v10;
	vm10 =	vlt.s32 v12, $0xC2FF;
	v20 =	vld.idx.msk [tilespmem:v20+s4+$0x0], $0xffff  }
0x2f3: {  	vm14 =	vlt.s32 v0, $0xC300;
	vm12 =	vlt.s32 v14, $0xC2FF;
	v50 =	vnsel vm10, $0xC2FF, v12;
	v0 =	vld.idx.msk [tilespmem:v45+s4+$0x0], $0xffff  }
0x2f4: {  	vm4 =	vlt.s32 v6, $0xC2FF;
	vm15 =	vlt.s32 v16, $0xC2FF;
	v51 =	vnsel vm12, $0xC2FF, v14;
	v21 =	vld.idx.msk [tilespmem:v21+s4+$0x0], $0xffff  }
0x2f5: {  	v46 =	vnsel vm4, $0xC2FF, v6;
	vm4 =	vlt.s32 v18, $0xC2FF;
	v54 =	vnsel vm15, $0xC2FF, v16;
	v49 =	vld.idx.msk [tilespmem:v22+s4+$0x0], $0xffff  }
0x2f6: {  	vm7 =	vlt.s32 v1, $0xC300;
	v55 =	vnsel vm4, $0xC2FF, v18;
	v1 =	vld.idx.msk [tilespmem:v47+s4+$0x0], $0xffff  }
0x2f7: {  	vm8 =	vlt.s32 v11, $0xC300;
	v11 =	vld.idx.msk [tilespmem:v48+s4+$0x0], $0xffff  }
0x2f8: {  	vm11 =	vlt.s32 v2, $0xC300;
	v2 =	vld.idx.msk [tilespmem:v50+s4+$0x0], $0xffff  }
0x2f9: {  	v57 =	vld.idx.msk [tilespmem:v51+s4+$0x0], $0xffff  }
0x2fa: {  	vm13 =	vlt.s32 v3, $0xC300;
	v3 =	vld.idx.msk [tilespmem:v54+s4+$0x0], $0xffff  }
0x2fb: {  	s28 =	simm.s32 $0x10C70;
	v7 =	vnsel vm14, $0x0, v7;
	vm14 =	vlt.s32 v4, $0xC300;
	v4 =	vld.idx.msk [tilespmem:v55+s4+$0x0], $0xffff  }
0x2fc: {  	[tilespmem:s28+$0x0] =	vst.add.f32.msk $0xffff, v7  }
0x2fd: {  	v13 =	vnsel vm7, $0x0, v13;
	v7 =	vld.idx.msk [tilespmem:v46+s4+$0x0], $0xffff  }
0x2fe: {  	v20 =	vnsel vm8, $0x0, v20;
	[tilespmem:s28+$0xFFFFFF20] =	vst.add.f32.msk $0xffff, v13  }
0x2ff: {  	v52 =	vnsel vm11, $0x0, v15;
	[tilespmem:s28+$0xFFFFFF10] =	vst.add.f32.msk $0xffff, v20  }
0x300: {  	vm5 =	vlt.s32 v19, $0xC2FF;
	vm6 =	vlt.s32 v5, $0xC300;
	v53 =	vnsel vm13, $0x0, v17;
	[tilespmem:s28+$0xFFFFFF30] =	vst.add.f32.msk $0xffff, v52  }
0x301: {  	vm9 =	vlt.s32 v9, $0xC300;
	v56 =	vnsel vm5, $0xC2FF, v19;
	v5 =	vnsel vm6, $0x0, v21;
	[tilespmem:s28+$0xFFFFFF40] =	vst.add.f32.msk $0xffff, v53  }
0x302: {  	vm10 =	vlt.s32 v10, $0xC300;
	v1 =	vnsel vm9, $0x0, v1;
	[tilespmem:s28+$0xFFFFFF60] =	vst.add.f32.msk $0xffff, v5  }
0x303: {  	v59 =	vnsel vm10, $0x0, v11;
	[tilespmem:s28+$0xFFFFFF90] =	vst.add.f32.msk $0xffff, v1  }
0x304: {  	v0 =	vnsel vm14, $0x0, v0;
	[tilespmem:s28+$0xFFFFFFA0] =	vst.add.f32.msk $0xffff, v59  }
0x305: {  	vm8 =	vlt.s32 v8, $0xC300;
	[tilespmem:s28+$0xFFFFFF50] =	vst.add.f32.msk $0xffff, v0  }
0x306: {  	vm11 =	vlt.s32 v12, $0xC300;
	v58 =	vnsel vm8, $0x0, v49;
	v0 =	vld.idx.msk [tilespmem:v56+s4+$0x0], $0xffff  }
0x307: {  	vm12 =	vlt.s32 v14, $0xC300;
	v60 =	vnsel vm11, $0x0, v2;
	[tilespmem:s28+$0xFFFFFF80] =	vst.add.f32.msk $0xffff, v58  }
0x308: {  	vm13 =	vlt.s32 v16, $0xC300;
	v61 =	vnsel vm12, $0x0, v57;
	[tilespmem:s28+$0xFFFFFFB0] =	vst.add.f32.msk $0xffff, v60  }
0x309: {  	v62 =	vnsel vm13, $0x0, v3;
	vm14 =	vlt.s32 v18, $0xC300;
	[tilespmem:s28+$0xFFFFFFC0] =	vst.add.f32.msk $0xffff, v61  }
0x30a: {  	vm7 =	vlt.s32 v6, $0xC300;
	[tilespmem:s28+$0xFFFFFFD0] =	vst.add.f32.msk $0xffff, v62;
	v63 =	vnsel vm14, $0x0, v4  }
0x30b: {  	vm15 =	vlt.s32 v19, $0xC300;
	v6 =	vnsel vm7, $0x0, v7;
	[tilespmem:s28+$0xFFFFFFE0] =	vst.add.f32.msk $0xffff, v63  }
0x30c: {  	[tilespmem:s28+$0xFFFFFF70] =	vst.add.f32.msk $0xffff, v6;
	v0 =	vnsel vm15, $0x0, v0  }
0x30d: {  	s19 =	sadd.s32 $0x200, s31;
	s17 =	simm.s32 $0x0;
	[tilespmem:s28+$0xFFFFFFF0] =	vst.add.f32.msk $0xffff, v0  }
.LBB2_25:
0x30e: {  	v0 =	vld [tilespmem:s19+$0x70]  }
0x30f: {  	v1 =	vld [tilespmem:s19+$0xFFFFFF10]  }
0x310: {  	v2 =	vld [tilespmem:s19+$0xFFFFFF20]  }
0x311: {  	v3 =	vld [tilespmem:s19+$0xFFFFFF30]  }
0x312: {  	v4 =	vld [tilespmem:s19+$0xFFFFFF40]  }
0x313: {  	v5 =	vld [tilespmem:s19+$0xFFFFFF50]  }
0x314: {  	v50 =	vld [tilespmem:s19+$0xFFFFFF60]  }
0x315: {  	v8 =	vld [tilespmem:s19+$0xFFFFFF70]  }
0x316: {  	v9 =	vld [tilespmem:s19+$0x0]  }
0x317: {  	v10 =	vld [tilespmem:s19+$0x10]  }
0x318: {  	v11 =	vld [tilespmem:s19+$0x20]  }
0x319: {  	v6 =	vimm.s32 $0x0;
	v12 =	vld [tilespmem:s19+$0x30];
	vm1 =	vlt.s32 v0, $0xC2FF  }
0x31a: {  	v13 =	vld [tilespmem:s19+$0x40];
	vm0 =	vlt.s32 v1, $0xC300;
	vm2 =	vlt.s32 v1, $0xC2FF;
	v7 =	vnsel vm1, $0xC2FF, v0  }
0x31b: {  	v14 =	vld [tilespmem:s19+$0x50];
	vm14 =	vlt.s32 v2, $0xC2FF;
	vm3 =	vlt.s32 v3, $0xC2FF;
	v1 =	vnsel vm2, $0xC2FF, v1  }
0x31c: {  	v15 =	vld [tilespmem:s19+$0x60];
	v6 =	vsel vm0, $0xFFFFFFFF, v6;
	vm1 =	vlt.s32 v2, $0xC300;
	v2 =	vnsel vm14, $0xC2FF, v2  }
0x31d: {  	v16 =	vld [tilespmem:s19+$0xFFFFFF00];
	vm4 =	vlt.s32 v4, $0xC2FF;
	vm2 =	vlt.s32 v3, $0xC300;
	v3 =	vnsel vm3, $0xC2FF, v3;
	[tilespmem:$0x1FD60] =	vst v6  }
0x31e: {  	vm5 =	vlt.s32 v5, $0xC2FF;
	vm3 =	vlt.s32 v4, $0xC300;
	v4 =	vnsel vm4, $0xC2FF, v4;
	v59 =	vld [tilespmem:$0x1FD60]  }
0x31f: {  	vm15 =	vlt.s32 v10, $0xC2FF;
	vm4 =	vlt.s32 v5, $0xC300;
	v5 =	vnsel vm5, $0xC2FF, v5;
	v7 =	vld.idx.msk [tilespmem:v7+s4+$0x0], $0xffff  }
0x320: {  	vm9 =	vlt.s32 v10, $0xC300;
	vm13 =	vlt.s32 v14, $0xC2FF;
	v10 =	vnsel vm15, $0xC2FF, v10;
	v51 =	vld.idx.msk [tilespmem:v1+s4+$0x0], $0xffff  }
0x321: {  	vm6 =	vlt.s32 v50, $0xC2FF;
	vm7 =	vlt.s32 v8, $0xC2FF;
	v56 =	vnsel vm13, $0xC2FF, v14;
	v54 =	vld.idx.msk [tilespmem:v2+s4+$0x0], $0xffff  }
0x322: {  	vm8 =	vlt.s32 v9, $0xC2FF;
	vm10 =	vlt.s32 v11, $0xC2FF;
	v6 =	vnsel vm6, $0xC2FF, v50;
	v3 =	vld.idx.msk [tilespmem:v3+s4+$0x0], $0xffff  }
0x323: {  	vm12 =	vlt.s32 v12, $0xC2FF;
	vm6 =	vlt.s32 v8, $0xC300;
	v8 =	vnsel vm7, $0xC2FF, v8;
	v4 =	vld.idx.msk [tilespmem:v4+s4+$0x0], $0xffff  }
0x324: {  	v53 =	vnsel vm12, $0xC2FF, v12;
	vm7 =	vlt.s32 v9, $0xC300;
	v9 =	vnsel vm8, $0xC2FF, v9;
	v5 =	vld.idx.msk [tilespmem:v5+s4+$0x0], $0xffff  }
0x325: {  	vm0 =	vlt.s32 v13, $0xC2FF;
	vm8 =	vlt.s32 v11, $0xC300;
	v11 =	vnsel vm10, $0xC2FF, v11;
	v10 =	vld.idx.msk [tilespmem:v10+s4+$0x0], $0xffff  }
0x326: {  	vm10 =	vlt.s32 v12, $0xC300;
	v55 =	vnsel vm0, $0xC2FF, v13;
	vm0 =	vlt.s32 v16, $0xC2FF;
	v12 =	vld.idx.msk [tilespmem:v56+s4+$0x0], $0xffff  }
0x327: {  	v58 =	vnsel vm0, $0xC2FF, v16;
	v6 =	vld.idx.msk [tilespmem:v6+s4+$0x0], $0xffff  }
0x328: {  	vm15 =	vlt.s32 v15, $0xC2FF;
	v8 =	vld.idx.msk [tilespmem:v8+s4+$0x0], $0xffff  }
0x329: {  	v57 =	vnsel vm15, $0xC2FF, v15;
	v9 =	vld.idx.msk [tilespmem:v9+s4+$0x0], $0xffff  }
0x32a: {  	v11 =	vld.idx.msk [tilespmem:v11+s4+$0x0], $0xffff  }
0x32b: {  	v2 =	vld.idx.msk [tilespmem:v55+s4+$0x0], $0xffff  }
0x32c: {  	vm11 =	vlt.s32 v0, $0xC300;
	vm12 =	vlt.s32 v14, $0xC300;
	v14 =	vld.idx.msk [tilespmem:v58+s4+$0x0], $0xffff  }
0x32d: {  	v52 =	vnsel vm11, $0x0, v7;
	v7 =	vld.idx.msk [tilespmem:v53+s4+$0x0], $0xffff  }
0x32e: {  	s28 =	sadd.s32 $0x100, s28;
	vm15 =	vnez.u8 v59;
	vm11 =	vlt.s32 v13, $0xC300;
	v13 =	vld.idx.msk [tilespmem:v57+s4+$0x0], $0xffff  }
0x32f: {  	v0 =	vnsel vm15, $0x0, v51;
	[tilespmem:s28+$0x0] =	vst.add.f32.msk $0xffff, v52  }
0x330: {  	v1 =	vnsel vm1, $0x0, v54;
	[tilespmem:s28+$0xFFFFFF20] =	vst.add.f32.msk $0xffff, v0  }
0x331: {  	v3 =	vnsel vm2, $0x0, v3;
	[tilespmem:s28+$0xFFFFFF30] =	vst.add.f32.msk $0xffff, v1  }
0x332: {  	v4 =	vnsel vm3, $0x0, v4;
	[tilespmem:s28+$0xFFFFFF40] =	vst.add.f32.msk $0xffff, v3  }
0x333: {  	v5 =	vnsel vm4, $0x0, v5;
	[tilespmem:s28+$0xFFFFFF50] =	vst.add.f32.msk $0xffff, v4  }
0x334: {  	v10 =	vnsel vm9, $0x0, v10;
	[tilespmem:s28+$0xFFFFFF60] =	vst.add.f32.msk $0xffff, v5  }
0x335: {  	vm5 =	vlt.s32 v50, $0xC300;
	v62 =	vnsel vm12, $0x0, v12;
	[tilespmem:s28+$0xFFFFFFA0] =	vst.add.f32.msk $0xffff, v10  }
0x336: {  	v6 =	vnsel vm5, $0x0, v6;
	[tilespmem:s28+$0xFFFFFFE0] =	vst.add.f32.msk $0xffff, v62  }
0x337: {  	v8 =	vnsel vm6, $0x0, v8;
	[tilespmem:s28+$0xFFFFFF70] =	vst.add.f32.msk $0xffff, v6  }
0x338: {  	s17 =	sadd.s32 $0x100, s17;
	v9 =	vnsel vm7, $0x0, v9;
	[tilespmem:s28+$0xFFFFFF80] =	vst.add.f32.msk $0xffff, v8  }
0x339: {  	p3 =	slt.u32 s17, $0x1F00;
	v60 =	vnsel vm8, $0x0, v11;
	[tilespmem:s28+$0xFFFFFF90] =	vst.add.f32.msk $0xffff, v9  }
.Ltmp11:
0x33a: {  	vm14 =	vlt.s32 v16, $0xC300;
	v2 =	vnsel vm11, $0x0, v2;
	[tilespmem:s28+$0xFFFFFFB0] =	vst.add.f32.msk $0xffff, v60;
	(pc) =	sbr.rel @p3 .LBB2_25-.Ltmp11, $4  }
0x33b: {  	v14 =	vnsel vm14, $0x0, v14;
	[tilespmem:s28+$0xFFFFFFD0] =	vst.add.f32.msk $0xffff, v2  }
0x33c: {  	vm13 =	vlt.s32 v15, $0xC300;
	[tilespmem:s28+$0xFFFFFF10] =	vst.add.f32.msk $0xffff, v14;
	v61 =	vnsel vm10, $0x0, v7  }
0x33d: {  	v63 =	vnsel vm13, $0x0, v13;
	[tilespmem:s28+$0xFFFFFFC0] =	vst.add.f32.msk $0xffff, v61  }
0x33e: {  	s19 =	sadd.s32 $0x200, s19;
	[tilespmem:s28+$0xFFFFFFF0] =	vst.add.f32.msk $0xffff, v63  }
0x33f: {  	[tilespmem:s4], [sflag:$0x3] =	stream.strided.gather [spmem:s23], $0xC380, s21, s18, $0x38;
	[tilespmem:$0x1EEC0] =	vst v63  }
0x340: {  	s6 =	sld [smem:$0x7F5];
	_ =	swait.ge [sflag:s25], $0xC380  }
0x341: {  	[sflag:s25] =	ssyncset.done $0x0  }
0x342: {  	[sflag:s25] =	ssyncadd.s32 $0xFFFF3C80  }
0x343: {  	p3 =	seq.s32 s6, $0x1;
	[bflag:$0x0] =	sbarrier.arrive $0xFFFF  }
0x344: {  	p3 =	por !p3, p0;
	s17 =	sld [smem:$0x7F4]  }
0x345: {  	s6 =	smul.u32 @!p3 $0x30E000, s15;
	_ =	sdelay $0x1  }
0x346: {  	s8 =	sshll.u32 @!p3 s7, $0x6;
	s6 =	sadd.s32 @!p3 s6, s26;
	p4 =	seq.s32 s17, $0x1  }
0x347: {  	s8 =	sor.u32 @!p3 $0x1C01, s8;
	s6 =	sshrl.u32 @!p3 s6, $0x3;
	p0 =	por !p4, p0  }
0x348: {  	s17 =	sshrl.u32 @!p3 s3, $0x3;
	s6 =	sadd.s32 @!p3 s1, s6;
	s15 =	smul.u32 @!p0 $0x30E000, s15  }
0x349: {  	[spmem:s17], [sflag:s8] =	dma.local @!p3 [hbm:s6], $0x6180  }
0x34a: {  	s6 =	sadd.s32 @!p0 s15, s30  }
0x34b: {  	s8 =	sshll.u32 @!p0 s7, $0x6;
	s6 =	sshrl.u32 @!p0 s6, $0x3  }
0x34c: {  	s8 =	sor.u32 @!p0 $0x1C01, s8;
	s15 =	sshrl.u32 @!p0 s10, $0x3;
	s6 =	sadd.s32 @!p0 s1, s6  }
0x34d: {  	[spmem:s15], [sflag:s8] =	dma.local @!p0 [hbm:s6], $0x6200  }
0x34e: {  	v0 =	vld [tilespmem:s31+$0x70]  }
0x34f: {  	v15 =	vld [tilespmem:s31+$0xFFFFFF10]  }
0x350: {  	v14 =	vld [tilespmem:s31+$0xFFFFFF20]  }
0x351: {  	v11 =	vld [tilespmem:s31+$0xFFFFFF30]  }
0x352: {  	v9 =	vld [tilespmem:s31+$0xFFFFFF40]  }
0x353: {  	v1 =	vld [tilespmem:$0x1FFF0]  }
0x354: {  	v7 =	vld [tilespmem:s31+$0xFFFFFF50]  }
0x355: {  	v4 =	vld [tilespmem:s31+$0xFFFFFF60]  }
0x356: {  	v5 =	vld [tilespmem:s31+$0xFFFFFF70]  }
0x357: {  	v6 =	vld [tilespmem:s31+$0x0]  }
0x358: {  	v13 =	vld [tilespmem:s31+$0x50]  }
0x359: {  	s0 =	sshll.u32 s0, $0xA  }
0x35a: {  	v1 =	vor.u32 s0, v1;
	v3 =	vadd.s32 $0xFFFE7980, v0  }
0x35b: {  	v16 =	vadd.s32 $0xFFFE7980, v15;
	v17 =	vadd.s32 $0xFFFE7980, v14;
	v20 =	vadd.s32 $0xFFFE7980, v11  }
0x35c: {  	v21 =	vadd.s32 $0xFFFE7980, v9;
	v22 =	vadd.s32 $0xFFFE7980, v7;
	v23 =	vadd.s32 $0xFFFE7980, v4  }
0x35d: {  	v24 =	vadd.s32 $0xFFFE7980, v5;
	v25 =	vadd.s32 $0xFFFE7980, v6;
	v33 =	vadd.s32 $0xFFFE7980, v13  }
0x35e: {  	vm9 =	vlt.s32 v0, $0x18680;
	vm15 =	vgt.s32 v0, $0x1867F;
	v34 =	vadd.s32 $0xFFFF3D00, v15  }
0x35f: {  	v35 =	vadd.s32 $0xFFFF3D00, v14;
	v36 =	vadd.s32 $0xFFFF3D00, v11;
	v37 =	vadd.s32 $0xFFFF3D00, v9  }
0x360: {  	v38 =	vadd.s32 $0xFFFF3D00, v7;
	v39 =	vadd.s32 $0xFFFF3D00, v4;
	v40 =	vadd.s32 $0xFFFF3D00, v5  }
0x361: {  	v41 =	vadd.s32 $0xFFFF3D00, v6;
	v47 =	vadd.s32 $0xFFFF3D00, v13;
	v2 =	vbroadcast v1, $0x0  }
0x362: {  	v1 =	vadd.s32 $0xFFFF3D00, v0;
	vm0 =	vgt.s32 v3, $0x0;
	vm13 =	vgt.s32 v16, $0x0  }
0x363: {  	vm2 =	vgt.s32 v17, $0x0;
	vm3 =	vgt.s32 v20, $0x0;
	vm4 =	vgt.s32 v21, $0x0  }
0x364: {  	vm5 =	vgt.s32 v22, $0x0;
	vm6 =	vgt.s32 v23, $0x0;
	vm7 =	vgt.s32 v24, $0x0  }
0x365: {  	vm10 =	vgt.s32 v33, $0x0;
	vm1 =	vgt.s32 v1, $0x0;
	v8 =	vnsel vm0, $0x0, v3  }
0x366: {  	vm0 =	vgt.s32 v25, $0x0;
	v27 =	vnsel vm13, $0x0, v16;
	v30 =	vnsel vm2, $0x0, v17  }
0x367: {  	v20 =	vnsel vm3, $0x0, v20;
	v21 =	vnsel vm4, $0x0, v21;
	vm8 =	vgt.s32 v1, $0xFFFFFFFF  }
0x368: {  	v23 =	vnsel vm6, $0x0, v23;
	v24 =	vnsel vm7, $0x0, v24;
	v33 =	vnsel vm10, $0x0, v33  }
0x369: {  	vm6 =	vgt.s32 v38, $0x0;
	vm7 =	vgt.s32 v39, $0x0;
	v10 =	vnsel vm1, $0x0, v1  }
0x36a: {  	v12 =	vand.u32 $0x7FFFFF80, v8;
	v1 =	vnsel vm5, $0x0, v22;
	vm14 =	vmand vm9, vm8  }
0x36b: {  	v25 =	vnsel vm0, $0x0, v25;
	v48 =	vand.u32 $0x7FFFFF80, v27;
	v56 =	vand.u32 $0x7FFFFF80, v30  }
0x36c: {  	v27 =	vand.u32 $0x7F, v27;
	v57 =	vand.u32 $0x7FFFFF80, v20;
	v30 =	vand.u32 $0x7F, v30  }
0x36d: {  	v20 =	vand.u32 $0x7F, v20;
	v58 =	vand.u32 $0x7FFFFF80, v21;
	v21 =	vand.u32 $0x7F, v21  }
0x36e: {  	v60 =	vand.u32 $0x7FFFFF80, v23;
	v23 =	vand.u32 $0x7F, v23;
	v61 =	vand.u32 $0x7FFFFF80, v24  }
0x36f: {  	v24 =	vand.u32 $0x7F, v24;
	v55 =	vand.u32 $0x7FFFFF80, v33;
	v33 =	vand.u32 $0x7F, v33  }
0x370: {  	v3 =	vld [tilespmem:s31+$0x10];
	vm5 =	vgt.s32 v37, $0x0;
	vm8 =	vgt.s32 v40, $0x0;
	vm9 =	vgt.s32 v41, $0x0  }
0x371: {  	v17 =	vld [tilespmem:s31+$0x60];
	v18 =	vmin.u32 v10, $0xC37F;
	v10 =	vand.u32 $0x7F, v8;
	v12 =	vadd.s32 v2, v12  }
0x372: {  	v48 =	vadd.s32 v2, v48;
	v59 =	vand.u32 $0x7FFFFF80, v1;
	v1 =	vand.u32 $0x7F, v1  }
0x373: {  	v62 =	vand.u32 $0x7FFFFF80, v25;
	v25 =	vand.u32 $0x7F, v25;
	v49 =	vnsel vm8, $0x0, v40  }
0x374: {  	v50 =	vnsel vm9, $0x0, v41;
	v27 =	vor.u32 v27, v48;
	v48 =	vadd.s32 v2, v57  }
0x375: {  	v8 =	vld [tilespmem:s31+$0x20];
	vm8 =	vgt.s32 v41, $0xFFFFFFFF;
	v19 =	vor.u32 v10, v12;
	v20 =	vor.u32 v20, v48  }
0x376: {  	v48 =	vadd.s32 v2, v59;
	v26 =	vadd.s32 $0xFFFE7980, v3;
	v0 =	vadd.s32 $0xFFFE7980, v17  }
0x377: {  	v10 =	vld [tilespmem:s31+$0x30];
	v42 =	vadd.s32 $0xFFFF3D00, v3;
	v1 =	vor.u32 v1, v48;
	v48 =	vadd.s32 v2, v61  }
0x378: {  	v12 =	vld [tilespmem:s31+$0x40];
	v61 =	vnsel vm5, $0x0, v37;
	vm5 =	vgt.s32 v38, $0xFFFFFFFF;
	vm1 =	vgt.s32 v26, $0x0  }
0x379: {  	vm12 =	vgt.s32 v0, $0x0;
	v24 =	vor.u32 v24, v48;
	vm10 =	vgt.s32 v42, $0x0  }
0x37a: {  	vm9 =	vgt.s32 v42, $0xFFFFFFFF;
	v28 =	vadd.s32 $0xFFFE7980, v8;
	v26 =	vnsel vm1, $0x0, v26  }
0x37b: {  	v0 =	vnsel vm12, $0x0, v0;
	v43 =	vadd.s32 $0xFFFF3D00, v8;
	vm1 =	vgt.s32 v47, $0x0  }
0x37c: {  	v51 =	vnsel vm10, $0x0, v42;
	vm2 =	vgt.s32 v28, $0x0;
	v31 =	vadd.s32 $0xFFFE7980, v10  }
0x37d: {  	v18 =	vld.idx.msk [tilespmem:v18+s4+$0x0], $0xffff;
	v32 =	vadd.s32 $0xFFFE7980, v12;
	v44 =	vadd.s32 $0xFFFF3D00, v10;
	v46 =	vadd.s32 $0xFFFF3D00, v12  }
0x37e: {  	v29 =	vld.idx.msk [tilespmem:v19+s13+$0x0], $0xffff;
	v63 =	vand.u32 $0x7FFFFF80, v26;
	v26 =	vand.u32 $0x7F, v26;
	vm11 =	vgt.s32 v43, $0x0  }
0x37f: {  	v19 =	vld [tilespmem:s31+$0xFFFFFF00];
	vm10 =	vgt.s32 v43, $0xFFFFFFFF;
	vm3 =	vgt.s32 v31, $0x0;
	vm4 =	vgt.s32 v32, $0x0  }
0x380: {  	v28 =	vnsel vm2, $0x0, v28;
	v48 =	vadd.s32 v2, v63;
	vm2 =	vgt.s32 v34, $0x0  }
0x381: {  	vm12 =	vgt.s32 v44, $0x0;
	v63 =	vnsel vm7, $0x0, v39;
	vm7 =	vgt.s32 v40, $0xFFFFFFFF  }
0x382: {  	v52 =	vand.u32 $0x7FFFFF80, v28;
	v26 =	vor.u32 v26, v48;
	v28 =	vand.u32 $0x7F, v28  }
0x383: {  	v16 =	vnsel vm14, $0x0, v18;
	vm14 =	vgt.s32 v34, $0xFFFFFFFF;
	v18 =	vnsel vm15, $0x0, v29  }
0x384: {  	v22 =	vadd.s32 $0xFFFE7980, v19;
	v29 =	vnsel vm3, $0x0, v31;
	v31 =	vnsel vm4, $0x0, v32  }
0x385: {  	v32 =	vadd.s32 $0xFFFF3D00, v19;
	vm3 =	vgt.s32 v35, $0x0;
	vm4 =	vgt.s32 v36, $0x0  }
0x386: {  	vm13 =	vgt.s32 v22, $0x0;
	v53 =	vand.u32 $0x7FFFFF80, v29;
	v54 =	vand.u32 $0x7FFFFF80, v31  }
0x387: {  	v29 =	vand.u32 $0x7F, v29;
	v31 =	vand.u32 $0x7F, v31;
	vm0 =	vgt.s32 v32, $0x0  }
0x388: {  	v59 =	vnsel vm3, $0x0, v35;
	vm3 =	vgt.s32 v36, $0xFFFFFFFF;
	v22 =	vnsel vm13, $0x0, v22  }
0x389: {  	v48 =	vadd.s32 v2, v53;
	vm13 =	vgt.s32 v46, $0x0;
	v57 =	vnsel vm0, $0x0, v32  }
0x38a: {  	vm0 =	vgt.s32 v32, $0xFFFFFFFF;
	v53 =	vnsel vm12, $0x0, v44;
	vm12 =	vgt.s32 v46, $0xFFFFFFFF  }
0x38b: {  	v45 =	vand.u32 $0x7FFFFF80, v22;
	v22 =	vand.u32 $0x7F, v22;
	v29 =	vor.u32 v29, v48  }
0x38c: {  	v48 =	vadd.s32 v2, v55;
	v55 =	vnsel vm1, $0x0, v47;
	vm1 =	vlt.s32 v19, $0x18680  }
0x38d: {  	v57 =	vmin.u32 v57, $0xC37F;
	v45 =	vadd.s32 v2, v45;
	v33 =	vor.u32 v33, v48  }
0x38e: {  	vm0 =	vmand vm1, vm0;
	v22 =	vor.u32 v22, v45;
	v45 =	vadd.s32 v2, v56  }
0x38f: {  	v56 =	vand.u32 $0x7FFFFF80, v0;
	v30 =	vor.u32 v30, v45;
	v45 =	vadd.s32 v2, v58  }
0x390: {  	v0 =	vand.u32 $0x7F, v0;
	v21 =	vor.u32 v21, v45;
	v45 =	vadd.s32 v2, v60  }
0x391: {  	v48 =	vadd.s32 v2, v56;
	v23 =	vor.u32 v23, v45;
	v45 =	vadd.s32 v2, v62  }
0x392: {  	[tilespmem:$0x1FD30] =	vst v2;
	v58 =	vnsel vm2, $0x0, v34;
	v25 =	vor.u32 v25, v45;
	v45 =	vadd.s32 v2, v52  }
0x393: {  	v27 =	vld.idx.msk [tilespmem:v27+s13+$0x0], $0xffff;
	vm2 =	vgt.s32 v35, $0xFFFFFFFF;
	v28 =	vor.u32 v28, v45;
	v45 =	vadd.s32 v2, v54  }
0x394: {  	v20 =	vld.idx.msk [tilespmem:v20+s13+$0x0], $0xffff;
	v34 =	vmin.u32 v59, $0xC37F;
	v31 =	vor.u32 v31, v45;
	v45 =	vadd.s32 $0xFFFF3D00, v17  }
0x395: {  	v0 =	vor.u32 v0, v48;
	v22 =	vld.idx.msk [tilespmem:v22+s13+$0x0], $0xffff;
	v2 =	vimm.s32 $0x0;
	vm15 =	vgt.s32 v45, $0x0  }
0x396: {  	v30 =	vld.idx.msk [tilespmem:v30+s13+$0x0], $0xffff;
	v2 =	vsel vm0, $0xFFFFFFFF, v2;
	v56 =	vnsel vm15, $0x0, v45;
	vm15 =	vlt.s32 v15, $0x18680  }
0x397: {  	v60 =	vnsel vm4, $0x0, v36;
	v21 =	vld.idx.msk [tilespmem:v21+s13+$0x0], $0xffff;
	[tilespmem:$0x1FD40] =	vst v2;
	v2 =	vimm.s32 $0x0;
	vm14 =	vmand vm15, vm14  }
0x398: {  	vm4 =	vgt.s32 v37, $0xFFFFFFFF;
	v32 =	vmin.u32 v58, $0xC37F;
	v2 =	vsel vm14, $0xFFFFFFFF, v2  }
0x399: {  	v36 =	vmin.u32 v61, $0xC37F;
	v61 =	vmin.u32 v50, $0xC37F;
	v62 =	vnsel vm6, $0x0, v38;
	[tilespmem:$0x1FD50] =	vst v2;
	v2 =	vld [tilespmem:$0x1FD40]  }
0x39a: {  	vm6 =	vgt.s32 v39, $0xFFFFFFFF;
	v35 =	vmin.u32 v60, $0xC37F;
	v52 =	vnsel vm11, $0x0, v43;
	v1 =	vld.idx.msk [tilespmem:v1+s13+$0x0], $0xffff  }
0x39b: {  	vm11 =	vgt.s32 v44, $0xFFFFFFFF;
	v54 =	vnsel vm13, $0x0, v46;
	vm0 =	vlt.s32 v14, $0x18680;
	v23 =	vld.idx.msk [tilespmem:v23+s13+$0x0], $0xffff  }
0x39c: {  	vm13 =	vgt.s32 v47, $0xFFFFFFFF;
	vm2 =	vmand vm0, vm2;
	vm0 =	vlt.s32 v9, $0x18680;
	v24 =	vld.idx.msk [tilespmem:v24+s13+$0x0], $0xffff  }
0x39d: {  	vm1 =	vgt.s32 v45, $0xFFFFFFFF;
	vm4 =	vmand vm0, vm4;
	vm0 =	vlt.s32 v4, $0x18680;
	v25 =	vld.idx.msk [tilespmem:v25+s13+$0x0], $0xffff  }
0x39e: {  	vm6 =	vmand vm0, vm6;
	vm15 =	vlt.s32 v6, $0x18680;
	vm0 =	vgt.s32 v8, $0x1867F;
	v26 =	vld.idx.msk [tilespmem:v26+s13+$0x0], $0xffff  }
0x39f: {  	vm14 =	vlt.s32 v11, $0x18680;
	vm8 =	vmand vm15, vm8;
	vm15 =	vlt.s32 v3, $0x18680;
	v28 =	vld.idx.msk [tilespmem:v28+s13+$0x0], $0xffff  }
0x3a0: {  	vm3 =	vmand vm14, vm3;
	vm14 =	vlt.s32 v7, $0x18680;
	vm9 =	vmand vm15, vm9;
	v29 =	vld.idx.msk [tilespmem:v29+s13+$0x0], $0xffff  }
0x3a1: {  	vm15 =	vlt.s32 v10, $0x18680;
	vm5 =	vmand vm14, vm5;
	vm14 =	vlt.s32 v5, $0x18680;
	v31 =	vld.idx.msk [tilespmem:v31+s13+$0x0], $0xffff  }
0x3a2: {  	vm11 =	vmand vm15, vm11;
	v33 =	vld.idx.msk [tilespmem:v33+s13+$0x0], $0xffff;
	vm7 =	vmand vm14, vm7;
	vm14 =	vlt.s32 v8, $0x18680  }
0x3a3: {  	vm15 =	vlt.s32 v13, $0x18680;
	v0 =	vld.idx.msk [tilespmem:v0+s13+$0x0], $0xffff;
	vm10 =	vmand vm14, vm10;
	vm14 =	vlt.s32 v12, $0x18680  }
0x3a4: {  	v58 =	vld.idx.msk [tilespmem:v57+s4+$0x0], $0xffff;
	vm12 =	vmand vm14, vm12;
	vm14 =	vmand vm15, vm13;
	vm15 =	vgt.s32 v19, $0x1867F  }
0x3a5: {  	v35 =	vld.idx.msk [tilespmem:v35+s4+$0x0], $0xffff;
	v19 =	vmin.u32 v62, $0xC37F;
	v59 =	vnsel vm15, $0x0, v22;
	vm15 =	vgt.s32 v15, $0x1867F  }
0x3a6: {  	v36 =	vld.idx.msk [tilespmem:v36+s4+$0x0], $0xffff;
	v15 =	vmin.u32 v63, $0xC37F;
	v60 =	vnsel vm15, $0x0, v27;
	vm15 =	vgt.s32 v14, $0x1867F  }
0x3a7: {  	v22 =	vld.idx.msk [tilespmem:v32+s4+$0x0], $0xffff;
	v14 =	vmin.u32 v49, $0xC37F;
	v30 =	vnsel vm15, $0x0, v30;
	vm15 =	vgt.s32 v11, $0x1867F  }
0x3a8: {  	v27 =	vld.idx.msk [tilespmem:v34+s4+$0x0], $0xffff;
	v11 =	vnsel vm15, $0x0, v20;
	vm15 =	vgt.s32 v9, $0x1867F;
	v20 =	vmin.u32 v51, $0xC37F  }
0x3a9: {  	v34 =	vld.idx.msk [tilespmem:v61+s4+$0x0], $0xffff;
	v9 =	vnsel vm15, $0x0, v21;
	vm15 =	vgt.s32 v7, $0x1867F;
	v21 =	vmin.u32 v52, $0xC37F  }
0x3aa: {  	v19 =	vld.idx.msk [tilespmem:v19+s4+$0x0], $0xffff;
	v7 =	vnsel vm15, $0x0, v1;
	vm15 =	vgt.s32 v4, $0x1867F;
	v1 =	vmin.u32 v53, $0xC37F  }
0x3ab: {  	vm13 =	vlt.s32 v17, $0x18680;
	v38 =	vld.idx.msk [tilespmem:v15+s4+$0x0], $0xffff;
	v4 =	vnsel vm15, $0x0, v23;
	vm15 =	vgt.s32 v5, $0x1867F  }
0x3ac: {  	v23 =	vmin.u32 v54, $0xC37F;
	v39 =	vld.idx.msk [tilespmem:v14+s4+$0x0], $0xffff;
	v5 =	vnsel vm15, $0x0, v24;
	vm15 =	vgt.s32 v6, $0x1867F  }
0x3ad: {  	v24 =	vmin.u32 v55, $0xC37F;
	v6 =	vnsel vm15, $0x0, v25;
	vm15 =	vgt.s32 v3, $0x1867F;
	v20 =	vld.idx.msk [tilespmem:v20+s4+$0x0], $0xffff  }
0x3ae: {  	v25 =	vmin.u32 v56, $0xC37F;
	v14 =	vnsel vm15, $0x0, v26;
	v21 =	vld.idx.msk [tilespmem:v21+s4+$0x0], $0xffff;
	vm15 =	vgt.s32 v10, $0x1867F  }
0x3af: {  	v15 =	vnsel vm0, $0x0, v28;
	v8 =	vnsel vm15, $0x0, v29;
	vm15 =	vgt.s32 v12, $0x1867F;
	v1 =	vld.idx.msk [tilespmem:v1+s4+$0x0], $0xffff  }
0x3b0: {  	vm0 =	vgt.s32 v13, $0x1867F;
	v10 =	vnsel vm15, $0x0, v31;
	vm15 =	vnez.u8 v2;
	v2 =	vld [tilespmem:$0x1FD50]  }
0x3b1: {  	vm13 =	vmand vm13, vm1;
	vm1 =	vgt.s32 v17, $0x1867F;
	v13 =	vnsel vm0, $0x0, v33;
	v23 =	vld.idx.msk [tilespmem:v23+s4+$0x0], $0xffff  }
0x3b2: {  	v62 =	vnsel vm2, $0x0, v27;
	v3 =	vnsel vm3, $0x0, v35;
	v12 =	vnsel vm1, $0x0, v0;
	v0 =	vld.idx.msk [tilespmem:v24+s4+$0x0], $0xffff  }
0x3b3: {  	v28 =	vnsel vm5, $0x0, v19;
	v29 =	vnsel vm4, $0x0, v36;
	v27 =	vnsel vm6, $0x0, v38;
	v63 =	vld.idx.msk [tilespmem:v25+s4+$0x0], $0xffff  }
0x3b4: {  	v26 =	vnsel vm7, $0x0, v39;
	v17 =	vnsel vm15, $0x0, v58;
	v25 =	vnsel vm8, $0x0, v34  }
0x3b5: {  	v19 =	vnsel vm9, $0x0, v20;
	v20 =	vadd.f32 v17, v59;
	vm15 =	vnez.u8 v2  }
0x3b6: {  	v31 =	vnsel vm15, $0x0, v22;
	v22 =	vnsel vm11, $0x0, v1;
	v1 =	vadd.f32 v16, v18  }
0x3b7: {  	s0 =	simm.s32 $0x10C70;
	v24 =	vnsel vm10, $0x0, v21;
	v23 =	vnsel vm12, $0x0, v23;
	v16 =	vnsel vm14, $0x0, v0  }
0x3b8: {  	s28 =	sadd.s32 $0x200, s31;
	s15 =	simm.s32 $0x0;
	s31 =	simm.s32 $0x10C70;
	v18 =	vadd.f32 v62, v30;
	v17 =	vnsel vm13, $0x0, v63;
	v21 =	vadd.f32 v31, v60;
	[tilespmem:s0+$0x0] =	vst.add.f32.msk $0xffff, v1  }
.LBB2_27:
0x3b9: {  	v0 =	vld [tilespmem:s28+$0x70]  }
0x3ba: {  	v29 =	vadd.f32 v29, v9;
	v9 =	vld [tilespmem:s28+$0xFFFFFF10]  }
0x3bb: {  	v1 =	vadd.f32 v3, v11;
	v11 =	vld [tilespmem:s28+$0xFFFFFF20]  }
0x3bc: {  	v27 =	vadd.f32 v27, v4;
	v4 =	vld [tilespmem:s28+$0xFFFFFF30]  }
0x3bd: {  	v26 =	vadd.f32 v26, v5;
	v5 =	vld [tilespmem:s28+$0xFFFFFF40]  }
0x3be: {  	v30 =	vadd.f32 v25, v6;
	v6 =	vld [tilespmem:s28+$0xFFFFFF50]  }
0x3bf: {  	v28 =	vadd.f32 v28, v7;
	v7 =	vld [tilespmem:s28+$0xFFFFFF60]  }
0x3c0: {  	v3 =	vld [tilespmem:s28+$0xFFFFFF70]  }
0x3c1: {  	v31 =	vadd.f32 v19, v14;
	v22 =	vadd.f32 v22, v8;
	v8 =	vld [tilespmem:s28+$0x10]  }
0x3c2: {  	v19 =	vadd.f32 v24, v15;
	v39 =	vadd.f32 v23, v10;
	v15 =	vld [tilespmem:s28+$0x50]  }
0x3c3: {  	v38 =	vadd.f32 v16, v13;
	v35 =	vadd.f32 v17, v12  }
0x3c4: {  	v10 =	vadd.s32 $0xFFFE7980, v0;
	v16 =	vadd.s32 $0xFFFE7980, v9;
	v23 =	vadd.s32 $0xFFFF3D00, v0  }
0x3c5: {  	v17 =	vadd.s32 $0xFFFE7980, v11;
	v24 =	vadd.s32 $0xFFFE7980, v4;
	v32 =	vadd.s32 $0xFFFE7980, v5  }
0x3c6: {  	v40 =	vadd.s32 $0xFFFE7980, v6;
	v41 =	vadd.s32 $0xFFFE7980, v7;
	v42 =	vadd.s32 $0xFFFE7980, v3  }
0x3c7: {  	[tilespmem:s0+$0xFFFFFF50] =	vst.add.f32.msk $0xffff, v29;
	v44 =	vadd.s32 $0xFFFE7980, v8;
	v51 =	vadd.s32 $0xFFFE7980, v15;
	vm10 =	vlt.s32 v0, $0x18680  }
0x3c8: {  	[tilespmem:s31+$0xFFFFFF80] =	vst.add.f32.msk $0xffff, v26;
	vm15 =	vgt.s32 v0, $0x1867F;
	v26 =	vadd.s32 $0xFFFF3D00, v11;
	v29 =	vadd.s32 $0xFFFF3D00, v6  }
0x3c9: {  	[tilespmem:s31+$0xFFFFFFA0] =	vst.add.f32.msk $0xffff, v31;
	v31 =	vadd.s32 $0xFFFF3D00, v3;
	vm0 =	vgt.s32 v10, $0x0;
	vm1 =	vgt.s32 v23, $0x0  }
0x3ca: {  	vm3 =	vgt.s32 v16, $0x0;
	vm4 =	vgt.s32 v17, $0x0;
	vm5 =	vgt.s32 v24, $0x0  }
0x3cb: {  	vm6 =	vgt.s32 v32, $0x0;
	vm8 =	vgt.s32 v40, $0x0;
	vm2 =	vgt.s32 v42, $0x0  }
0x3cc: {  	vm7 =	vgt.s32 v51, $0x0;
	vm9 =	vgt.s32 v23, $0xFFFFFFFF;
	v12 =	vnsel vm0, $0x0, v10  }
0x3cd: {  	v13 =	vnsel vm1, $0x0, v23;
	vm1 =	vgt.s32 v41, $0x0;
	v33 =	vnsel vm3, $0x0, v16  }
0x3ce: {  	vm3 =	vgt.s32 v44, $0x0;
	v36 =	vnsel vm5, $0x0, v24;
	v37 =	vnsel vm6, $0x0, v32  }
0x3cf: {  	v40 =	vnsel vm8, $0x0, v40;
	vm14 =	vmand vm10, vm9;
	v42 =	vnsel vm2, $0x0, v42  }
0x3d0: {  	v2 =	vld [tilespmem:$0x1FD30];
	v48 =	vnsel vm7, $0x0, v51;
	vm2 =	vgt.s32 v26, $0x0;
	vm7 =	vgt.s32 v31, $0x0  }
0x3d1: {  	[tilespmem:$0x1FB10] =	vst v4;
	v10 =	vmovc v4;
	v4 =	vld [tilespmem:s28+$0x0];
	v14 =	vand.u32 $0x7FFFFF80, v12;
	v25 =	vmin.u32 v13, $0xC37F;
	v13 =	vand.u32 $0x7F, v12  }
0x3d2: {  	v41 =	vnsel vm1, $0x0, v41;
	v44 =	vnsel vm3, $0x0, v44;
	[tilespmem:s31+$0xFFFFFF90] =	vst.add.f32.msk $0xffff, v30;
	v30 =	vadd.s32 $0xFFFF3D00, v7  }
0x3d3: {  	[tilespmem:s31+$0xFFFFFFE0] =	vst.add.f32.msk $0xffff, v38;
	v51 =	vand.u32 $0x7FFFFF80, v36;
	v38 =	vand.u32 $0x7FFFFF80, v37;
	v52 =	vand.u32 $0x7FFFFF80, v40  }
0x3d4: {  	[tilespmem:s31+$0xFFFFFF70] =	vst.add.f32.msk $0xffff, v27;
	v36 =	vand.u32 $0x7F, v36;
	v37 =	vand.u32 $0x7F, v37;
	v40 =	vand.u32 $0x7F, v40  }
0x3d5: {  	[tilespmem:$0x1FB30] =	vst v6;
	v63 =	vnsel vm2, $0x0, v26;
	v6 =	vnsel vm7, $0x0, v31;
	v14 =	vadd.s32 v2, v14  }
0x3d6: {  	[tilespmem:$0x1FB20] =	vst v5;
	v16 =	vld [tilespmem:s28+$0x60];
	v27 =	vadd.s32 $0xFFFF3D00, v10;
	v53 =	vand.u32 $0x7FFFFF80, v41;
	v55 =	vand.u32 $0x7FFFFF80, v44  }
0x3d7: {  	v51 =	vadd.s32 v2, v51;
	v38 =	vadd.s32 v2, v38;
	v52 =	vadd.s32 v2, v52;
	v12 =	vmovc v5;
	v5 =	vld [tilespmem:s28+$0x20]  }
0x3d8: {  	v41 =	vand.u32 $0x7F, v41;
	v44 =	vand.u32 $0x7F, v44;
	v34 =	vor.u32 v13, v14;
	v13 =	vld [tilespmem:s28+$0x30]  }
0x3d9: {  	vm7 =	vgt.s32 v30, $0xFFFFFFFF;
	[tilespmem:s31+$0xFFFFFFC0] =	vst.add.f32.msk $0xffff, v22;
	v22 =	vadd.s32 $0xFFFF3D00, v15;
	v53 =	vadd.s32 v2, v53  }
0x3da: {  	v14 =	vld [tilespmem:s28+$0x40];
	v55 =	vadd.s32 v2, v55;
	v36 =	vor.u32 v36, v51;
	v37 =	vor.u32 v37, v38  }
0x3db: {  	[tilespmem:s31+$0xFFFFFF60] =	vst.add.f32.msk $0xffff, v28;
	v38 =	vor.u32 v40, v52;
	v28 =	vadd.s32 $0xFFFF3D00, v12;
	v52 =	vor.u32 v41, v53  }
0x3dc: {  	v0 =	vadd.s32 $0xFFFE7980, v16;
	v23 =	vadd.s32 $0xFFFF3D00, v16;
	v43 =	vadd.s32 $0xFFFE7980, v4  }
0x3dd: {  	[tilespmem:s0+$0xFFFFFF20] =	vst.add.f32.msk $0xffff, v21;
	vm12 =	vgt.s32 v0, $0x0;
	v32 =	vadd.s32 $0xFFFF3D00, v4;
	vm0 =	vgt.s32 v43, $0x0  }
0x3de: {  	v25 =	vld.idx.msk [tilespmem:v25+s4+$0x0], $0xffff;
	v0 =	vnsel vm12, $0x0, v0;
	vm8 =	vgt.s32 v32, $0x0;
	v45 =	vadd.s32 $0xFFFE7980, v5  }
0x3df: {  	v46 =	vld.idx.msk [tilespmem:v34+s13+$0x0], $0xffff;
	v34 =	vnsel vm4, $0x0, v17;
	v47 =	vadd.s32 $0xFFFE7980, v13;
	v24 =	vadd.s32 $0xFFFE7980, v14  }
0x3e0: {  	[tilespmem:s31+$0xFFFFFFB0] =	vst.add.f32.msk $0xffff, v19;
	v43 =	vnsel vm0, $0x0, v43;
	v19 =	vadd.s32 $0xFFFF3D00, v5;
	v21 =	vadd.s32 $0xFFFF3D00, v14  }
0x3e1: {  	[tilespmem:$0x1FB40] =	vst v7;
	v60 =	vand.u32 $0x7FFFFF80, v0;
	v0 =	vand.u32 $0x7F, v0;
	v7 =	vnsel vm8, $0x0, v32  }
0x3e2: {  	[tilespmem:s0+$0xFFFFFF30] =	vst.add.f32.msk $0xffff, v18;
	vm4 =	vgt.s32 v45, $0x0;
	vm12 =	vgt.s32 v21, $0x0;
	v60 =	vadd.s32 v2, v60  }
0x3e3: {  	[tilespmem:$0x1FB00] =	vst v11;
	v11 =	vnsel vm12, $0x0, v21;
	v18 =	vnsel vm14, $0x0, v25;
	v25 =	vadd.s32 $0xFFFF3D00, v9  }
0x3e4: {  	v0 =	vor.u32 v0, v60;
	vm14 =	vgt.s32 v23, $0x0;
	vm1 =	vgt.s32 v25, $0x0  }
0x3e5: {  	v12 =	vnsel vm14, $0x0, v23;
	vm14 =	vgt.s32 v25, $0xFFFFFFFF;
	v62 =	vnsel vm1, $0x0, v25  }
0x3e6: {  	v17 =	vld [tilespmem:s28+$0xFFFFFF00];
	v60 =	vmin.u32 v62, $0xC37F;
	v62 =	vmin.u32 v11, $0xC37F;
	v11 =	vimm.s32 $0x0  }
0x3e7: {  	[tilespmem:s0+$0xFFFFFF10] =	vst.add.f32.msk $0xffff, v20;
	vm5 =	vgt.s32 v47, $0x0;
	vm6 =	vgt.s32 v24, $0x0;
	v11 =	vsel vm14, $0xFFFFFFFF, v11  }
0x3e8: {  	v20 =	vnsel vm15, $0x0, v46;
	vm15 =	vgt.s32 v26, $0xFFFFFFFF;
	[tilespmem:$0x1FB90] =	vst v11;
	v11 =	vimm.s32 $0x0  }
0x3e9: {  	[tilespmem:$0x1FB50] =	vst v3;
	v45 =	vnsel vm4, $0x0, v45;
	vm4 =	vgt.s32 v28, $0x0;
	v11 =	vsel vm15, $0xFFFFFFFF, v11  }
0x3ea: {  	v3 =	vnsel vm4, $0x0, v28;
	vm4 =	vgt.s32 v27, $0xFFFFFFFF;
	[tilespmem:$0x1FBA0] =	vst v11;
	v11 =	vimm.s32 $0x0  }
0x3eb: {  	[tilespmem:$0x1FB60] =	vst v4;
	v46 =	vnsel vm5, $0x0, v47;
	vm5 =	vgt.s32 v29, $0x0;
	v11 =	vsel vm4, $0xFFFFFFFF, v11  }
0x3ec: {  	v4 =	vnsel vm5, $0x0, v29;
	vm5 =	vgt.s32 v28, $0xFFFFFFFF;
	[tilespmem:$0x1FBB0] =	vst v11;
	v11 =	vimm.s32 $0x0  }
0x3ed: {  	[tilespmem:$0x1FB80] =	vst v5;
	v47 =	vnsel vm6, $0x0, v24;
	vm6 =	vgt.s32 v30, $0x0;
	v11 =	vsel vm5, $0xFFFFFFFF, v11  }
0x3ee: {  	v5 =	vnsel vm6, $0x0, v30;
	vm6 =	vgt.s32 v29, $0xFFFFFFFF;
	[tilespmem:$0x1FBC0] =	vst v11;
	v11 =	vimm.s32 $0x0  }
0x3ef: {  	[tilespmem:s0+$0xFFFFFF40] =	vst.add.f32.msk $0xffff, v1;
	vm8 =	vgt.s32 v31, $0xFFFFFFFF;
	v18 =	vadd.f32 v18, v20;
	v11 =	vsel vm6, $0xFFFFFFFF, v11  }
0x3f0: {  	s0 =	sadd.s32 $0x100, s0;
	v54 =	vand.u32 $0x7FFFFF80, v43;
	vm10 =	vgt.s32 v19, $0x0;
	[tilespmem:$0x1FBD0] =	vst v11;
	v11 =	vimm.s32 $0x0  }
0x3f1: {  	v43 =	vand.u32 $0x7F, v43;
	v54 =	vadd.s32 v2, v54;
	[tilespmem:s0+$0x0] =	vst.add.f32.msk $0xffff, v18;
	v11 =	vsel vm7, $0xFFFFFFFF, v11  }
0x3f2: {  	v56 =	vand.u32 $0x7FFFFF80, v45;
	v18 =	vadd.s32 $0xFFFF3D00, v8;
	[tilespmem:$0x1FBE0] =	vst v11;
	v11 =	vimm.s32 $0x0  }
0x3f3: {  	[tilespmem:$0x1FB70] =	vst v8;
	v1 =	vadd.s32 $0xFFFE7980, v17;
	vm9 =	vgt.s32 v18, $0x0;
	v11 =	vsel vm8, $0xFFFFFFFF, v11  }
0x3f4: {  	v8 =	vnsel vm9, $0x0, v18;
	vm9 =	vgt.s32 v32, $0xFFFFFFFF;
	[tilespmem:$0x1FBF0] =	vst v11;
	v11 =	vimm.s32 $0x0  }
0x3f5: {  	[tilespmem:$0x1FAF0] =	vst v9;
	v9 =	vnsel vm10, $0x0, v19;
	vm13 =	vgt.s32 v1, $0x0;
	v11 =	vsel vm9, $0xFFFFFFFF, v11  }
0x3f6: {  	v20 =	vadd.s32 $0xFFFF3D00, v13;
	vm10 =	vgt.s32 v18, $0xFFFFFFFF;
	[tilespmem:$0x1FC00] =	vst v11;
	v11 =	vimm.s32 $0x0  }
0x3f7: {  	v1 =	vnsel vm13, $0x0, v1;
	vm11 =	vgt.s32 v20, $0x0;
	v11 =	vsel vm10, $0xFFFFFFFF, v11  }
0x3f8: {  	v10 =	vnsel vm11, $0x0, v20;
	vm11 =	vgt.s32 v19, $0xFFFFFFFF;
	[tilespmem:$0x1FC10] =	vst v11;
	v11 =	vimm.s32 $0x0  }
0x3f9: {  	vm12 =	vgt.s32 v20, $0xFFFFFFFF;
	v49 =	vand.u32 $0x7FFFFF80, v1;
	v11 =	vsel vm11, $0xFFFFFFFF, v11  }
0x3fa: {  	v1 =	vand.u32 $0x7F, v1;
	v49 =	vadd.s32 v2, v49;
	[tilespmem:$0x1FC20] =	vst v11;
	v11 =	vimm.s32 $0x0  }
0x3fb: {  	vm13 =	vgt.s32 v22, $0x0;
	v1 =	vor.u32 v1, v49;
	v11 =	vsel vm12, $0xFFFFFFFF, v11  }
0x3fc: {  	v49 =	vnsel vm13, $0x0, v22;
	vm13 =	vgt.s32 v21, $0xFFFFFFFF;
	[tilespmem:$0x1FC30] =	vst v11;
	v11 =	vimm.s32 $0x0  }
0x3fd: {  	v45 =	vand.u32 $0x7F, v45;
	v53 =	vor.u32 v43, v54;
	v11 =	vsel vm13, $0xFFFFFFFF, v11  }
0x3fe: {  	v31 =	vld [tilespmem:$0x1FB00];
	v54 =	vor.u32 v44, v55;
	vm14 =	vgt.s32 v22, $0xFFFFFFFF;
	[tilespmem:$0x1FC40] =	vst v11;
	v11 =	vimm.s32 $0x0  }
0x3ff: {  	v56 =	vadd.s32 v2, v56;
	v24 =	vadd.s32 $0xFFFF3D00, v17;
	v28 =	vld [tilespmem:$0x1FB90];
	v11 =	vsel vm14, $0xFFFFFFFF, v11  }
0x400: {  	v55 =	vor.u32 v45, v56;
	v57 =	vand.u32 $0x7FFFFF80, v46;
	v58 =	vand.u32 $0x7FFFFF80, v47;
	[tilespmem:$0x1FC50] =	vst v11;
	v11 =	vld [tilespmem:$0x1FAF0]  }
0x401: {  	vm0 =	vgt.s32 v24, $0x0;
	v46 =	vand.u32 $0x7F, v46;
	v47 =	vand.u32 $0x7F, v47;
	v29 =	vld [tilespmem:$0x1FBA0]  }
0x402: {  	vm1 =	vgt.s32 v24, $0xFFFFFFFF;
	v57 =	vadd.s32 v2, v57;
	v58 =	vadd.s32 v2, v58  }
0x403: {  	v61 =	vnsel vm0, $0x0, v24;
	v56 =	vor.u32 v46, v57;
	vm15 =	vlt.s32 v17, $0x18680  }
0x404: {  	v57 =	vor.u32 v47, v58;
	v58 =	vmin.u32 v61, $0xC37F;
	vm1 =	vmand vm15, vm1  }
0x405: {  	vm15 =	vnez.u8 v28;
	v28 =	vimm.s32 $0x0;
	vm0 =	vlt.s32 v11, $0x18680  }
0x406: {  	[tilespmem:s31+$0xFFFFFFF0] =	vst.add.f32.msk $0xffff, v35;
	vm12 =	vlt.s32 v31, $0x18680;
	vm0 =	vmand vm0, vm15;
	vm15 =	vnez.u8 v29  }
0x407: {  	v51 =	vld [tilespmem:$0x1FB20];
	v29 =	vimm.s32 $0x0;
	v28 =	vsel vm0, $0xFFFFFFFF, v28;
	vm0 =	vmand vm12, vm15  }
0x408: {  	v61 =	vmin.u32 v63, $0xC37F;
	v63 =	vmin.u32 v49, $0xC37F;
	v49 =	vld [tilespmem:$0x1FB10];
	v29 =	vsel vm0, $0xFFFFFFFF, v29  }
0x409: {  	[tilespmem:$0x1FC80] =	vst v29;
	v29 =	vld [tilespmem:$0x1FBB0]  }
0x40a: {  	v35 =	vand.u32 $0x7FFFFF80, v42;
	v59 =	vand.u32 $0x7FFFFF80, v48;
	v30 =	vld [tilespmem:$0x1FBC0]  }
0x40b: {  	v35 =	vadd.s32 v2, v35;
	v59 =	vadd.s32 v2, v59  }
0x40c: {  	[tilespmem:s31+$0xFFFFFFD0] =	vst.add.f32.msk $0xffff, v39;
	v39 =	vand.u32 $0x7FFFFF80, v33;
	vm3 =	vgt.s32 v27, $0x0;
	v50 =	vand.u32 $0x7FFFFF80, v34  }
0x40d: {  	v39 =	vadd.s32 v2, v39;
	v50 =	vadd.s32 v2, v50;
	v2 =	vnsel vm3, $0x0, v27  }
0x40e: {  	vm3 =	vlt.s32 v51, $0x18680;
	vm13 =	vlt.s32 v49, $0x18680;
	vm12 =	vnez.u8 v29  }
0x40f: {  	vm15 =	vnez.u8 v30;
	v29 =	vimm.s32 $0x0;
	vm0 =	vmand vm13, vm12  }
0x410: {  	v25 =	vld.idx.msk [tilespmem:v52+s13+$0x0], $0xffff;
	v30 =	vimm.s32 $0x0;
	v29 =	vsel vm0, $0xFFFFFFFF, v29;
	vm0 =	vmand vm3, vm15  }
0x411: {  	v52 =	vld [tilespmem:$0x1FB30];
	v30 =	vsel vm0, $0xFFFFFFFF, v30  }
0x412: {  	[tilespmem:$0x1FCA0] =	vst v30;
	v30 =	vld [tilespmem:$0x1FBD0];
	_ =	sdelay $0x4  }
0x413: {  	vm4 =	vlt.s32 v52, $0x18680;
	vm12 =	vnez.u8 v30  }
0x414: {  	v27 =	vld.idx.msk [tilespmem:v53+s13+$0x0], $0xffff;
	v30 =	vimm.s32 $0x0;
	vm0 =	vmand vm4, vm12  }
0x415: {  	v53 =	vld [tilespmem:$0x1FB40];
	v30 =	vsel vm0, $0xFFFFFFFF, v30  }
0x416: {  	[tilespmem:$0x1FCB0] =	vst v30;
	v30 =	vld [tilespmem:$0x1FBE0];
	_ =	sdelay $0x4  }
0x417: {  	vm5 =	vlt.s32 v53, $0x18680;
	vm13 =	vnez.u8 v30  }
0x418: {  	v18 =	vld.idx.msk [tilespmem:v54+s13+$0x0], $0xffff;
	v30 =	vimm.s32 $0x0;
	vm0 =	vmand vm5, vm13  }
0x419: {  	v54 =	vld [tilespmem:$0x1FB50];
	v30 =	vsel vm0, $0xFFFFFFFF, v30  }
0x41a: {  	[tilespmem:$0x1FCC0] =	vst v30;
	v30 =	vld [tilespmem:$0x1FBF0];
	_ =	sdelay $0x4  }
0x41b: {  	vm6 =	vlt.s32 v54, $0x18680;
	vm15 =	vnez.u8 v30  }
0x41c: {  	v19 =	vld.idx.msk [tilespmem:v55+s13+$0x0], $0xffff;
	v30 =	vimm.s32 $0x0;
	vm0 =	vmand vm6, vm15  }
0x41d: {  	v55 =	vld [tilespmem:$0x1FB60];
	v30 =	vsel vm0, $0xFFFFFFFF, v30  }
0x41e: {  	[tilespmem:$0x1FCD0] =	vst v30;
	v30 =	vld [tilespmem:$0x1FC00];
	_ =	sdelay $0x4  }
0x41f: {  	vm7 =	vlt.s32 v55, $0x18680;
	vm4 =	vnez.u8 v30  }
0x420: {  	v20 =	vld.idx.msk [tilespmem:v56+s13+$0x0], $0xffff;
	v30 =	vimm.s32 $0x0;
	vm0 =	vmand vm7, vm4  }
0x421: {  	v56 =	vld [tilespmem:$0x1FB70];
	v30 =	vsel vm0, $0xFFFFFFFF, v30  }
0x422: {  	[tilespmem:$0x1FCE0] =	vst v30;
	v30 =	vld [tilespmem:$0x1FC10];
	_ =	sdelay $0x2  }
0x423: {  	v3 =	vmin.u32 v3, $0xC37F;
	_ =	sdelay $0x1  }
0x424: {  	vm8 =	vlt.s32 v56, $0x18680;
	vm5 =	vnez.u8 v30  }
0x425: {  	v21 =	vld.idx.msk [tilespmem:v57+s13+$0x0], $0xffff;
	v30 =	vimm.s32 $0x0;
	vm0 =	vmand vm8, vm5  }
0x426: {  	v57 =	vld [tilespmem:$0x1FB80];
	v30 =	vsel vm0, $0xFFFFFFFF, v30  }
0x427: {  	[tilespmem:$0x1FCF0] =	vst v30;
	v30 =	vld.idx.msk [tilespmem:v3+s4+$0x0], $0xffff  }
0x428: {  	v3 =	vld [tilespmem:$0x1FC20];
	_ =	sdelay $0x4  }
0x429: {  	vm9 =	vlt.s32 v57, $0x18680;
	vm6 =	vnez.u8 v3  }
0x42a: {  	v3 =	vimm.s32 $0x0;
	vm0 =	vmand vm9, vm6  }
0x42b: {  	v3 =	vsel vm0, $0xFFFFFFFF, v3  }
0x42c: {  	[tilespmem:$0x1FD00] =	vst v3;
	v3 =	vld [tilespmem:$0x1FC30];
	_ =	sdelay $0x4  }
0x42d: {  	vm10 =	vlt.s32 v13, $0x18680;
	vm7 =	vnez.u8 v3  }
0x42e: {  	v3 =	vimm.s32 $0x0;
	vm0 =	vmand vm10, vm7  }
0x42f: {  	v3 =	vsel vm0, $0xFFFFFFFF, v3  }
0x430: {  	[tilespmem:$0x1FD10] =	vst v3;
	v3 =	vld [tilespmem:$0x1FC40];
	_ =	sdelay $0x4  }
0x431: {  	vm11 =	vlt.s32 v14, $0x18680;
	vm8 =	vnez.u8 v3  }
0x432: {  	v3 =	vimm.s32 $0x0;
	vm0 =	vmand vm11, vm8  }
0x433: {  	v3 =	vsel vm0, $0xFFFFFFFF, v3  }
0x434: {  	[tilespmem:$0x1FD20] =	vst v3;
	v3 =	vld [tilespmem:$0x1FC50];
	_ =	sdelay $0x1  }
0x435: {  	vm14 =	vgt.s32 v23, $0xFFFFFFFF;
	v23 =	vimm.s32 $0x0  }
0x436: {  	v23 =	vsel vm1, $0xFFFFFFFF, v23  }
0x437: {  	v37 =	vld.idx.msk [tilespmem:v37+s13+$0x0], $0xffff;
	v9 =	vmin.u32 v9, $0xC37F;
	[tilespmem:$0x1FC60] =	vst v23  }
0x438: {  	vm9 =	vnez.u8 v3;
	v3 =	vld [tilespmem:$0x1FC60];
	_ =	sdelay $0x2  }
0x439: {  	[tilespmem:$0x1FC90] =	vst v29;
	v29 =	vld.idx.msk [tilespmem:v61+s4+$0x0], $0xffff  }
0x43a: {  	v4 =	vmin.u32 v4, $0xC37F;
	v61 =	vld.idx.msk [tilespmem:v9+s4+$0x0], $0xffff;
	vm10 =	vgt.s32 v51, $0x1867F  }
0x43b: {  	v9 =	vnsel vm10, $0x0, v37;
	vm10 =	vnez.u8 v3;
	v3 =	vld [tilespmem:$0x1FC80]  }
0x43c: {  	v2 =	vmin.u32 v2, $0xC37F;
	_ =	sdelay $0x2  }
0x43d: {  	vm13 =	vgt.s32 v53, $0x1867F;
	vm11 =	vgt.s32 v17, $0x1867F;
	v17 =	vld.idx.msk [tilespmem:v4+s4+$0x0], $0xffff  }
0x43e: {  	v10 =	vmin.u32 v10, $0xC37F;
	v4 =	vnsel vm13, $0x0, v25;
	vm13 =	vnez.u8 v3;
	v3 =	vld [tilespmem:$0x1FC90]  }
0x43f: {  	v2 =	vld.idx.msk [tilespmem:v2+s4+$0x0], $0xffff  }
0x440: {  	v42 =	vand.u32 $0x7F, v42  }
0x441: {  	v35 =	vor.u32 v42, v35  }
0x442: {  	vm2 =	vlt.s32 v16, $0x18680;
	v12 =	vmin.u32 v12, $0xC37F;
	v0 =	vld.idx.msk [tilespmem:v0+s13+$0x0], $0xffff;
	vm4 =	vgt.s32 v14, $0x1867F  }
0x443: {  	vm5 =	vgt.s32 v16, $0x1867F;
	v16 =	vld.idx.msk [tilespmem:v10+s4+$0x0], $0xffff;
	v10 =	vnsel vm4, $0x0, v21;
	vm4 =	vnez.u8 v3  }
0x444: {  	v3 =	vnsel vm4, $0x0, v2;
	v2 =	vld [tilespmem:$0x1FCA0];
	_ =	sdelay $0x2  }
0x445: {  	v26 =	vld.idx.msk [tilespmem:v35+s13+$0x0], $0xffff  }
0x446: {  	v5 =	vmin.u32 v5, $0xC37F;
	v21 =	vld.idx.msk [tilespmem:v12+s4+$0x0], $0xffff  }
0x447: {  	v12 =	vnsel vm5, $0x0, v0;
	vm5 =	vnez.u8 v2;
	v2 =	vld [tilespmem:$0x1FCB0];
	_ =	sdelay $0x1  }
0x448: {  	v33 =	vand.u32 $0x7F, v33  }
0x449: {  	v33 =	vor.u32 v33, v39;
	v36 =	vld.idx.msk [tilespmem:v36+s13+$0x0], $0xffff;
	vm1 =	vlt.s32 v15, $0x18680  }
0x44a: {  	vm6 =	vgt.s32 v54, $0x1867F;
	vm15 =	vmand vm1, vm9;
	vm9 =	vgt.s32 v31, $0x1867F;
	v31 =	vld.idx.msk [tilespmem:v5+s4+$0x0], $0xffff  }
0x44b: {  	v5 =	vnsel vm6, $0x0, v26;
	vm6 =	vnez.u8 v2;
	v2 =	vld [tilespmem:$0x1FCC0];
	_ =	sdelay $0x2  }
0x44c: {  	v34 =	vand.u32 $0x7F, v34  }
0x44d: {  	v33 =	vld.idx.msk [tilespmem:v33+s13+$0x0], $0xffff;
	v34 =	vor.u32 v34, v50;
	vm7 =	vgt.s32 v49, $0x1867F  }
0x44e: {  	vm8 =	vgt.s32 v11, $0x1867F;
	v11 =	vnsel vm7, $0x0, v36;
	vm7 =	vnez.u8 v2;
	v2 =	vld [tilespmem:$0x1FCD0];
	_ =	sdelay $0x3  }
0x44f: {  	v34 =	vld.idx.msk [tilespmem:v34+s13+$0x0], $0xffff  }
0x450: {  	v48 =	vand.u32 $0x7F, v48;
	v33 =	vnsel vm8, $0x0, v33;
	vm8 =	vnez.u8 v2;
	v2 =	vld [tilespmem:$0x1FCE0]  }
0x451: {  	v59 =	vor.u32 v48, v59;
	_ =	sdelay $0x2  }
0x452: {  	v8 =	vmin.u32 v8, $0xC37F;
	v23 =	vld.idx.msk [tilespmem:v58+s4+$0x0], $0xffff  }
0x453: {  	v34 =	vnsel vm9, $0x0, v34;
	vm9 =	vnez.u8 v2;
	v2 =	vld [tilespmem:$0x1FCF0]  }
0x454: {  	v22 =	vld.idx.msk [tilespmem:v59+s13+$0x0], $0xffff  }
0x455: {  	v1 =	vld.idx.msk [tilespmem:v1+s13+$0x0], $0xffff  }
0x456: {  	[tilespmem:$0x1FC70] =	vst v28;
	v28 =	vld.idx.msk [tilespmem:v60+s4+$0x0], $0xffff  }
0x457: {  	v60 =	vld.idx.msk [tilespmem:v8+s4+$0x0], $0xffff;
	vm3 =	vgt.s32 v13, $0x1867F  }
0x458: {  	v8 =	vnsel vm3, $0x0, v20;
	v20 =	vnsel vm10, $0x0, v23;
	vm10 =	vnez.u8 v2;
	v2 =	vld [tilespmem:$0x1FD00];
	_ =	sdelay $0x1  }
0x459: {  	v7 =	vmin.u32 v7, $0xC37F;
	v24 =	vld.idx.msk [tilespmem:v38+s13+$0x0], $0xffff  }
0x45a: {  	v0 =	vld [tilespmem:$0x1FC70]  }
0x45b: {  	v6 =	vmin.u32 v6, $0xC37F;
	v1 =	vnsel vm11, $0x0, v1;
	vm11 =	vgt.s32 v15, $0x1867F  }
0x45c: {  	v13 =	vnsel vm11, $0x0, v22;
	vm11 =	vnez.u8 v2;
	v2 =	vld [tilespmem:$0x1FD10];
	_ =	sdelay $0x1  }
0x45d: {  	v59 =	vld.idx.msk [tilespmem:v7+s4+$0x0], $0xffff;
	vm12 =	vgt.s32 v52, $0x1867F  }
0x45e: {  	v62 =	vld.idx.msk [tilespmem:v62+s4+$0x0], $0xffff;
	vm14 =	vmand vm2, vm14;
	v7 =	vnsel vm12, $0x0, v24;
	vm12 =	vnez.u8 v0  }
0x45f: {  	vm2 =	vgt.s32 v57, $0x1867F;
	v58 =	vld.idx.msk [tilespmem:v6+s4+$0x0], $0xffff;
	v0 =	vnsel vm12, $0x0, v28;
	vm0 =	vgt.s32 v55, $0x1867F  }
0x460: {  	s15 =	sadd.s32 $0x100, s15;
	v15 =	vnsel vm2, $0x0, v19;
	vm1 =	vgt.s32 v56, $0x1867F;
	vm12 =	vnez.u8 v2;
	v2 =	vld [tilespmem:$0x1FD20]  }
0x461: {  	p4 =	slt.u32 s15, $0x1F00;
	v6 =	vnsel vm0, $0x0, v27;
	v14 =	vnsel vm1, $0x0, v18;
	v18 =	vld.idx.msk [tilespmem:v63+s4+$0x0], $0xffff;
	v20 =	vadd.f32 v20, v1  }
.Ltmp12:
0x462: {  	v63 =	vnsel vm13, $0x0, v29;
	v29 =	vnsel vm5, $0x0, v30;
	v28 =	vnsel vm6, $0x0, v17;
	(pc) =	sbr.rel @p4 .LBB2_27-.Ltmp12, $4  }
0x463: {  	v17 =	vnsel vm14, $0x0, v21;
	v21 =	vadd.f32 v0, v33;
	v27 =	vnsel vm7, $0x0, v31  }
0x464: {  	v26 =	vnsel vm8, $0x0, v58;
	v25 =	vnsel vm9, $0x0, v59;
	v19 =	vnsel vm10, $0x0, v60  }
0x465: {  	v24 =	vnsel vm11, $0x0, v61;
	v22 =	vnsel vm12, $0x0, v16;
	vm13 =	vnez.u8 v2  }
0x466: {  	s28 =	sadd.s32 $0x200, s28;
	s31 =	smov.u32 s0;
	v16 =	vnsel vm15, $0x0, v18;
	v18 =	vadd.f32 v63, v34;
	v23 =	vnsel vm13, $0x0, v62  }
0x467: {  	[tilespmem:s0+$0xFFFFFF10] =	vst.add.f32.msk $0xffff, v20  }
0x468: {  	v0 =	vadd.f32 v3, v11;
	[tilespmem:s0+$0xFFFFFF20] =	vst.add.f32.msk $0xffff, v21  }
0x469: {  	v1 =	vadd.f32 v29, v9;
	[tilespmem:s0+$0xFFFFFF30] =	vst.add.f32.msk $0xffff, v18  }
0x46a: {  	v2 =	vadd.f32 v28, v7;
	[tilespmem:s0+$0xFFFFFF40] =	vst.add.f32.msk $0xffff, v0  }
0x46b: {  	v0 =	vadd.f32 v27, v4;
	[tilespmem:s0+$0xFFFFFF50] =	vst.add.f32.msk $0xffff, v1  }
0x46c: {  	v1 =	vadd.f32 v26, v5;
	[tilespmem:s31+$0xFFFFFF60] =	vst.add.f32.msk $0xffff, v2  }
0x46d: {  	v2 =	vadd.f32 v25, v6;
	[tilespmem:s31+$0xFFFFFF70] =	vst.add.f32.msk $0xffff, v0  }
0x46e: {  	v0 =	vadd.f32 v19, v14;
	[tilespmem:s31+$0xFFFFFF80] =	vst.add.f32.msk $0xffff, v1  }
0x46f: {  	v1 =	vadd.f32 v24, v15;
	[tilespmem:s31+$0xFFFFFF90] =	vst.add.f32.msk $0xffff, v2  }
0x470: {  	v2 =	vadd.f32 v22, v8;
	[tilespmem:s31+$0xFFFFFFA0] =	vst.add.f32.msk $0xffff, v0  }
0x471: {  	v0 =	vadd.f32 v23, v10;
	[tilespmem:s31+$0xFFFFFFB0] =	vst.add.f32.msk $0xffff, v1  }
0x472: {  	v1 =	vadd.f32 v16, v13;
	[tilespmem:s31+$0xFFFFFFC0] =	vst.add.f32.msk $0xffff, v2  }
0x473: {  	v2 =	vadd.f32 v17, v12;
	[tilespmem:s31+$0xFFFFFFD0] =	vst.add.f32.msk $0xffff, v0  }
0x474: {  	[tilespmem:s31+$0xFFFFFFE0] =	vst.add.f32.msk $0xffff, v1  }
0x475: {  	s0 =	simm.s32 @!p5 $0x1;
	[tilespmem:s31+$0xFFFFFFF0] =	vst.add.f32.msk $0xffff, v2  }
0x476: {  	_ =	swait.ge @!p5 [sflag:s0], $0x6180  }
0x477: {  	[sflag:s0] =	ssyncset.done @!p5 $0x0  }
0x478: {  	[sflag:s0] =	ssyncadd.s32 @!p5 $0xFFFF9E80;
	s0 =	simm.s32 @!p1 $0x1  }
0x479: {  	_ =	swait.ge @!p1 [sflag:s0], $0x6180  }
0x47a: {  	[sflag:s0] =	ssyncset.done @!p1 $0x0  }
0x47b: {  	[sflag:s0] =	ssyncadd.s32 @!p1 $0xFFFF9E80;
	s0 =	simm.s32 @!p3 $0x1  }
0x47c: {  	_ =	swait.ge @!p3 [sflag:s0], $0x6180  }
0x47d: {  	[sflag:s0] =	ssyncset.done @!p3 $0x0  }
0x47e: {  	[sflag:s0] =	ssyncadd.s32 @!p3 $0xFFFF9E80;
	s0 =	simm.s32 @!p0 $0x1  }
0x47f: {  	_ =	swait.ge @!p0 [sflag:s0], $0x6200  }
0x480: {  	s29 =	sadd.s32 $0x1, s29;
	[sflag:s0] =	ssyncset.done @!p0 $0x0  }
0x481: {  	[sflag:s0] =	ssyncadd.s32 @!p0 $0xFFFF9E00;
	p0 =	sne.s32 s29, $0x1A  }
.Ltmp13:
0x482: {  	_ = 	snop;
	(pc) =	sbr.rel @p0 .LBB2_20-.Ltmp13, $3  }
0x483: {  	_ =	sdelay $0x1  }
0x484: {  	[bflag:$0x0] =	sbarrier.arrive $0xFFFF  }
0x485: {  	p2 =	por !p2, !p2;
	p6 =	por !p6, !p6;
	v0 =	vimm.f32 $0.0e+00  }
0x486: {  	s0 =	rddreg [dreg:$0xf];
	s6 =	simm.s32 $0x10B80  }
0x487: {  	[hbm4b:s0+s4] =	stream.linear.scatter [tilespmem:s6], [sflag:$0x3], $0x2000, $0x38;
	[tilespmem:$0x1EEC0] =	vst v63  }
0x488: {  	_ =	swait.ge [sflag:s25], $0x2000  }
0x489: {  	s29 =	rddreg [dreg:$0x15]  }
0x48a: {  	s31 =	rddreg [dreg:$0x14];
	s6 =	sadd.s32 $0x1, s29  }
0x48b: {  	p0 =	sne.s32 s6, s31  }
.Ltmp14:
0x48c: {  	_ = 	snop;
	(pc) =	sbr.rel @p0 .LBB2_1-.Ltmp14, $3  }
0x48d: {  	_ =	sdelay $0x1  }
0x48e: {  	[sflag:s25] =	ssyncset.done $0x0  }
0x48f: {  	[sflag:s25] =	ssyncadd.s32 $0xFFFFE000  }
0x490: {  	_ =	sfence.sel $0x180000  }
0x491: {  	[bflag:$0x0] =	sbarrier.arrive $0xFFFF  }
0x492: {  	_ =	strace $0x90000047  }
0x493: {  	[bflag:$0x2] =	sbarrier.arrive $0xFFFF  }
0x494: {  	s1 =	sld [smem:$0x7FD];
	_ =	sdelay $0x2  }
0x495: {  	s0 =	rddreg [dreg:$0x5];
	p0 =	seq.s32 s1, $0x1  }
0x496: {  	s0 =	sadd.s32 @!p0 $0x100000, s0  }
0x497: {  	[sflag:s0] =	ssyncadd.tile.s32 @!p0 $0x1;
	_ =	shalt  }
.Lfunc_end2:
_tile_overlayer_lowered:
.L_overlay_start_2:
0x498: {  	(tag) =	ssettag $0x2  }
0x499: {  	s0 =	rddreg [dreg:$0x0];
	s2 =	stileid.u32  }
0x49a: {  	s1 =	rddreg [dreg:$0x1];
	p0 =	sne.s32 s2, $0x0  }
0x49b: {  	s3 =	rddreg [dreg:$0x2];
	[bflag:$0x3] =	sbarrier.arrive $0xFFFF;
	s2 =	simm.s32 @!p0 $0x1C03  }
0x49c: {  	[timem:s3], [sflag:s2] =	dma.local @!p0 [hbm:s0], s1  }
0x49d: {  	s0 =	simm.s32 @!p0 $0x3  }
0x49e: {  	_ =	swait.ge @!p0 [sflag:s0], s1  }
0x49f: {  	s1 =	ssub.s32 @!p0 $0x0, s1;
	[sflag:s0] =	ssyncset.done @!p0 $0x0  }
0x4a0: {  	[sflag:s0] =	ssyncadd.s32 @!p0 s1  }
0x4a1: {  	[bflag:$0x3] =	sbarrier.arrive $0xFFFF  }
0x4a2: {  	_ =	shalt  }

</sc_bundles>
